<compile_context>
chip_gen: v7x
topology: tpu7x:2x2x1
jax: 0.10.2.dev20260603
libtpu: 0.0.44.dev20260713+nightly
codegen_flags: <defaults>
</compile_context>

<pallas_src>
import functools

import jax
import jax.numpy as jnp
from jax import lax
from jax.experimental import pallas as pl
from jax.experimental.pallas import tpu as pltpu
from jax.experimental.pallas import tpu_sc as plsc

N = 10000
D = 128
G = 256
L = 16
NV = D // L
CH = 64
GPW = G // 32

_FLOAT_MIN = -3.4028235e38

NB = N // L


def _hsum(v):
    for k in (8, 4, 2, 1):
        idx = lax.iota(jnp.int32, L) ^ k
        v = v + jnp.take_along_axis(v, idx, axis=0)
    return v


def _lower_bound(batch_ref, g):
    def step(_, lohi):
        lo, hi = lohi
        mid = (lo + hi) // 2
        v = batch_ref[pl.ds(mid * L, L)]
        go_right = v[0] < g
        lo2 = jnp.where(go_right, mid + 1, lo)
        hi2 = jnp.where(go_right, hi, mid)
        done = lo >= hi
        return (jnp.where(done, lo, lo2), jnp.where(done, hi, hi2))

    fb, _ = lax.fori_loop(0, 10, step, (jnp.int32(0), jnp.int32(NB)))
    blk = jnp.maximum(fb - 1, 0)
    v = batch_ref[pl.ds(blk * L, L)]
    cnt = _hsum(jnp.clip(g - v, 0, 1))[0]
    return jnp.where(fb == 0, jnp.int32(0), blk * L + cnt)


def _chunk_off(c):
    return pl.multiple_of(jnp.minimum(c * CH, N - CH), 8)


def _sc_body(x_hbm, batch_hbm, w_hbm, b_hbm, out_hbm,
             batch_v, xbuf, wv_v, bv_v, outbuf, accs, accm, rs, sem0, sem1):
    nc = 2
    wid = lax.axis_index("s") * nc + lax.axis_index("c")
    g0 = wid * GPW

    pltpu.sync_copy(batch_hbm, batch_v)
    pltpu.sync_copy(w_hbm, wv_v)
    pltpu.sync_copy(b_hbm, bv_v)

    wv = [wv_v[pl.ds(j * L, L)] for j in range(NV)]
    bv = bv_v[...]
    zero = jnp.zeros((L,), jnp.float32)
    ninf = jnp.full((L,), _FLOAT_MIN, jnp.float32)

    def bs_body(k, _):
        rs[k] = _lower_bound(batch_v, g0 + k)
        return 0

    lax.fori_loop(0, GPW + 1, bs_body, 0)

    def init_body(k, _):
        for j in range(NV):
            accs[k, pl.ds(j * L, L)] = zero
            accm[k, pl.ds(j * L, L)] = ninf
        return 0

    lax.fori_loop(0, GPW, init_body, 0)

    s0, s8 = rs[0], rs[GPW]
    c_lo = s0 // CH
    c_hi = jnp.where(s8 > s0, (s8 - 1) // CH + 1, c_lo)
    @pl.when((c_lo < c_hi) & (c_lo % 2 == 0))
    def _():
        pltpu.async_copy(x_hbm.at[pl.ds(_chunk_off(c_lo), CH)],
                         xbuf.at[0], sem0)

    @pl.when((c_lo < c_hi) & (c_lo % 2 == 1))
    def _():
        pltpu.async_copy(x_hbm.at[pl.ds(_chunk_off(c_lo), CH)],
                         xbuf.at[1], sem1)

    def chunk_body(c, _):
        par = c % 2
        nxt = (c + 1) % 2

        @pl.when(c + 1 < c_hi)
        def _():
            @pl.when(nxt == 0)
            def _():
                pltpu.async_copy(x_hbm.at[pl.ds(_chunk_off(c + 1), CH)],
                                 xbuf.at[0], sem0)

            @pl.when(nxt == 1)
            def _():
                pltpu.async_copy(x_hbm.at[pl.ds(_chunk_off(c + 1), CH)],
                                 xbuf.at[1], sem1)

        @pl.when(par == 0)
        def _():
            pltpu.make_async_copy(x_hbm.at[pl.ds(0, CH)], xbuf.at[0],
                                  sem0).wait()

        @pl.when(par == 1)
        def _():
            pltpu.make_async_copy(x_hbm.at[pl.ds(0, CH)], xbuf.at[1],
                                  sem1).wait()

        off = _chunk_off(c)

        def graph_body(k, _):
            s = jnp.maximum(rs[k], c * CH)
            e = jnp.minimum(rs[k + 1], (c + 1) * CH)

            @pl.when(e > s)
            def _():
                carry = (
                    tuple(accs[k, pl.ds(j * L, L)] for j in range(NV)),
                    tuple(accm[k, pl.ds(j * L, L)] for j in range(NV)),
                )

                @plsc.parallel_loop(s, e, unroll=1, carry=carry)
                def row_loop(r, acc):
                    sums, mxs = acc
                    i = r - off
                    xv = [xbuf[par, i, pl.ds(j * L, L)] for j in range(NV)]
                    zacc = xv[0] * wv[0]
                    for j in range(1, NV):
                        zacc = zacc + xv[j] * wv[j]
                    zvec = _hsum(zacc) + bv
                    sig = 1.0 / (1.0 + jnp.exp(-zvec))
                    sums = tuple(sums[j] + xv[j] * sig for j in range(NV))
                    mxs = tuple(jnp.maximum(mxs[j], xv[j]) for j in range(NV))
                    return (sums, mxs)

                sums, mxs = row_loop
                for j in range(NV):
                    accs[k, pl.ds(j * L, L)] = sums[j]
                    accm[k, pl.ds(j * L, L)] = mxs[j]

            return 0

        lax.fori_loop(0, GPW, graph_body, 0)
        return 0

    lax.fori_loop(c_lo, c_hi, chunk_body, 0)

    def out_body(k, _):
        cntv = zero + (rs[k + 1] - rs[k]).astype(jnp.float32)
        invv = 1.0 / jnp.maximum(cntv, 1.0)
        m01 = jnp.minimum(cntv, 1.0)
        for j in range(NV):
            outbuf[k, pl.ds(j * L, L)] = accm[k, pl.ds(j * L, L)] * m01
            outbuf[k, pl.ds(D + j * L, L)] = accs[k, pl.ds(j * L, L)] * invv
        return 0

    lax.fori_loop(0, GPW, out_body, 0)
    pltpu.sync_copy(outbuf, out_hbm.at[pl.ds(pl.multiple_of(g0, 8), GPW)])


@jax.jit
def _pooling(x, batch, w_flat, b_vec):
    mesh = plsc.VectorSubcoreMesh(core_axis_name="c", subcore_axis_name="s")
    run = functools.partial(
        pl.kernel,
        out_type=jax.ShapeDtypeStruct((G, 2 * D), jnp.float32),
        mesh=mesh,
        scratch_types=[
            pltpu.VMEM((N,), jnp.int32),
            pltpu.VMEM((2, CH, D), jnp.float32),
            pltpu.VMEM((D,), jnp.float32),
            pltpu.VMEM((L,), jnp.float32),
            pltpu.VMEM((GPW, 2 * D), jnp.float32),
            pltpu.VMEM((GPW, D), jnp.float32),
            pltpu.VMEM((GPW, D), jnp.float32),
            pltpu.SMEM((GPW + 1,), jnp.int32),
            pltpu.SemaphoreType.DMA,
            pltpu.SemaphoreType.DMA,
        ],
    )(_sc_body)
    return run(x, batch, w_flat, b_vec)


def kernel(x, edge_index, batch, attn_W, attn_b):
    del edge_index
    w_flat = attn_W.reshape(D)
    b_vec = jnp.broadcast_to(attn_b, (L,)).astype(jnp.float32)
    return _pooling(x, batch, w_flat, b_vec)

# --- scband reference (transcript-rebuilt; emitter-appended) ---
"""Pipeline reference for scband-adaptive-feature-pooling-44367012168181 (READ-ONLY COPY).

The authoritative reference and input builder live on the scoring server;
editing this copy changes nothing except your own understanding.
"""

import jax, jax.numpy as jnp
import numpy as np

NUM_NODES = 10000
NUM_EDGES = 320000
D_FEAT = 128
NUM_GRAPHS = 256

def setup_inputs(seed: int = 0) -> dict:
    key = jax.random.key(seed)
    k1, k2, k3, k4 = jax.random.split(key, 4)
    x = jax.random.normal(k1, (NUM_NODES, D_FEAT), dtype=jnp.float32)
    edge_index = jax.random.randint(k2, (2, NUM_EDGES), 0, NUM_NODES, dtype=jnp.int32)
    batch = jnp.sort(jax.random.randint(k3, (NUM_NODES,), 0, NUM_GRAPHS, dtype=jnp.int32))
    # learned params of nn.Linear(in_channels, 1)
    attn_W = jax.random.normal(k4, (1, D_FEAT), dtype=jnp.float32) * (1.0 / np.sqrt(D_FEAT))
    attn_b = jnp.zeros((1,), dtype=jnp.float32)
    return {"x": x, "edge_index": edge_index, "batch": batch, "attn_W": attn_W, "attn_b": attn_b}

def reference(x, edge_index, batch, attn_W, attn_b):
    # weights = sigmoid(Linear(x))
    weights = jax.nn.sigmoid(x @ attn_W.T + attn_b)  # [N, 1]
    weighted_x = weights * x  # [N, D]
    # dropout is identity at inference
    # global_mean_pool(weighted_x, batch)
    seg_sum = jax.ops.segment_sum(weighted_x, batch, num_segments=NUM_GRAPHS)
    counts = jnp.bincount(batch, length=NUM_GRAPHS).astype(jnp.float32)
    mean = seg_sum / jnp.clip(counts, 1.0)[:, None]
    # global_max_pool(x, batch)
    mx = jax.ops.segment_max(x, batch, num_segments=NUM_GRAPHS)
    mx = jnp.where(jnp.isneginf(mx), 0.0, mx)
    return jnp.concatenate([mx, mean], axis=1)  # [NUM_GRAPHS, 2*D]

if __name__ == "__main__":
    import jax
    _d = setup_inputs()
    print(jax.jit(kernel)(*tuple(_d.values())))

</pallas_src>

<mosaic_0001>
#map = affine_map<(d0, d1) -> (0, 0)>
#map1 = affine_map<(d0, d1) -> (0)>
module attributes {stable_mosaic.version = 14 : i64} {
  func.func @_sc_body(%arg0: i32, %arg1: i32, %arg2: memref<10000x128xf32, #tpu.memory_space<hbm>>, %arg3: memref<10000xi32, #tpu.memory_space<hbm>>, %arg4: memref<128xf32, #tpu.memory_space<hbm>>, %arg5: memref<16xf32, #tpu.memory_space<hbm>>, %arg6: memref<256x256xf32, #tpu.memory_space<hbm>>, %arg7: memref<10000xi32, #tpu.memory_space<vmem>>, %arg8: memref<2x64x128xf32, #tpu.memory_space<vmem>>, %arg9: memref<128xf32, #tpu.memory_space<vmem>>, %arg10: memref<16xf32, #tpu.memory_space<vmem>>, %arg11: memref<8x256xf32, #tpu.memory_space<vmem>>, %arg12: memref<8x128xf32, #tpu.memory_space<vmem>>, %arg13: memref<8x128xf32, #tpu.memory_space<vmem>>, %arg14: memref<9xi32, #tpu.memory_space<smem>>, %arg15: memref<!tpu.dma_semaphore, #tpu.memory_space<semaphore_mem>>, %arg16: memref<!tpu.dma_semaphore, #tpu.memory_space<semaphore_mem>>) attributes {dimension_semantics = [#tpu.dimension_semantics<core_parallel>, #tpu.dimension_semantics<subcore_parallel>], iteration_bounds = array<i64: 2, 16>, scalar_prefetch = 0 : i64, scratch_operands = 10 : i64, tpu.core_type = #tpu.core_type<sc_vector_subcore>, window_params = [{transform_indices = #map}, {transform_indices = #map1}, {transform_indices = #map1}, {transform_indices = #map1}, {transform_indices = #map}]} {
    %mul3A = arith.constant 2 : i32
    %mul3A_0 = arith.muli %arg1, %mul3A : i32
    %add3A = arith.addi %mul3A_0, %arg0 : i32
    %mul3A_1 = arith.constant 8 : i32
    %mul3A_2 = arith.muli %add3A, %mul3A_1 : i32
    "tpu.region"() ({
      %run_scoped3A = tpu.sem_alloc : memref<!tpu.dma_semaphore, #tpu.memory_space<semaphore_mem>>
      tpu.enqueue_dma source(%arg3 : memref<10000xi32, #tpu.memory_space<hbm>>) target(%arg7 : memref<10000xi32, #tpu.memory_space<vmem>>) target_semaphore(%run_scoped3A : memref<!tpu.dma_semaphore, #tpu.memory_space<semaphore_mem>>)
      tpu.wait_dma2 semaphore(%run_scoped3A : memref<!tpu.dma_semaphore, #tpu.memory_space<semaphore_mem>>) src(%arg3 : memref<10000xi32, #tpu.memory_space<hbm>>) dst(%arg7 : memref<10000xi32, #tpu.memory_space<vmem>>)
      tpu.yield
    }) : () -> ()
    "tpu.region"() ({
      %run_scoped3A = tpu.sem_alloc : memref<!tpu.dma_semaphore, #tpu.memory_space<semaphore_mem>>
      tpu.enqueue_dma source(%arg4 : memref<128xf32, #tpu.memory_space<hbm>>) target(%arg9 : memref<128xf32, #tpu.memory_space<vmem>>) target_semaphore(%run_scoped3A : memref<!tpu.dma_semaphore, #tpu.memory_space<semaphore_mem>>)
      tpu.wait_dma2 semaphore(%run_scoped3A : memref<!tpu.dma_semaphore, #tpu.memory_space<semaphore_mem>>) src(%arg4 : memref<128xf32, #tpu.memory_space<hbm>>) dst(%arg9 : memref<128xf32, #tpu.memory_space<vmem>>)
      tpu.yield
    }) : () -> ()
    "tpu.region"() ({
      %run_scoped3A = tpu.sem_alloc : memref<!tpu.dma_semaphore, #tpu.memory_space<semaphore_mem>>
      tpu.enqueue_dma source(%arg5 : memref<16xf32, #tpu.memory_space<hbm>>) target(%arg10 : memref<16xf32, #tpu.memory_space<vmem>>) target_semaphore(%run_scoped3A : memref<!tpu.dma_semaphore, #tpu.memory_space<semaphore_mem>>)
      tpu.wait_dma2 semaphore(%run_scoped3A : memref<!tpu.dma_semaphore, #tpu.memory_space<semaphore_mem>>) src(%arg5 : memref<16xf32, #tpu.memory_space<hbm>>) dst(%arg10 : memref<16xf32, #tpu.memory_space<vmem>>)
      tpu.yield
    }) : () -> ()
    %get3A = arith.constant 0 : index
    %get3A_3 = tpu.vector_load %arg9[%get3A] {strides = array<i32>} : memref<128xf32, #tpu.memory_space<vmem>>, vector<16xf32>,
    %get3A_4 = vector.shape_cast %get3A_3 : vector<16xf32> to vector<16xf32>
    %get3A_5 = arith.constant 16 : index
    %get3A_6 = tpu.vector_load %arg9[%get3A_5] {strides = array<i32>} : memref<128xf32, #tpu.memory_space<vmem>>, vector<16xf32>,
    %get3A_7 = vector.shape_cast %get3A_6 : vector<16xf32> to vector<16xf32>
    %get3A_8 = arith.constant 32 : index
    %get3A_9 = tpu.vector_load %arg9[%get3A_8] {strides = array<i32>} : memref<128xf32, #tpu.memory_space<vmem>>, vector<16xf32>,
    %get3A_10 = vector.shape_cast %get3A_9 : vector<16xf32> to vector<16xf32>
    %get3A_11 = arith.constant 48 : index
    %get3A_12 = tpu.vector_load %arg9[%get3A_11] {strides = array<i32>} : memref<128xf32, #tpu.memory_space<vmem>>, vector<16xf32>,
    %get3A_13 = vector.shape_cast %get3A_12 : vector<16xf32> to vector<16xf32>
    %get3A_14 = arith.constant 64 : index
    %get3A_15 = tpu.vector_load %arg9[%get3A_14] {strides = array<i32>} : memref<128xf32, #tpu.memory_space<vmem>>, vector<16xf32>,
    %get3A_16 = vector.shape_cast %get3A_15 : vector<16xf32> to vector<16xf32>
    %get3A_17 = arith.constant 80 : index
    %get3A_18 = tpu.vector_load %arg9[%get3A_17] {strides = array<i32>} : memref<128xf32, #tpu.memory_space<vmem>>, vector<16xf32>,
    %get3A_19 = vector.shape_cast %get3A_18 : vector<16xf32> to vector<16xf32>
    %get3A_20 = arith.constant 96 : index
    %get3A_21 = tpu.vector_load %arg9[%get3A_20] {strides = array<i32>} : memref<128xf32, #tpu.memory_space<vmem>>, vector<16xf32>,
    %get3A_22 = vector.shape_cast %get3A_21 : vector<16xf32> to vector<16xf32>
    %get3A_23 = arith.constant 112 : index
    %get3A_24 = tpu.vector_load %arg9[%get3A_23] {strides = array<i32>} : memref<128xf32, #tpu.memory_space<vmem>>, vector<16xf32>,
    %get3A_25 = vector.shape_cast %get3A_24 : vector<16xf32> to vector<16xf32>
    %get3A_26 = arith.constant 0 : index
    %get3A_27 = tpu.vector_load %arg10[%get3A_26] {strides = array<i32>} : memref<16xf32, #tpu.memory_space<vmem>>, vector<16xf32>,
    %get3A_28 = vector.shape_cast %get3A_27 : vector<16xf32> to vector<16xf32>
    %broadcast_in_dim3A = arith.constant 0.000000e+00 : f32
    %broadcast_in_dim3A_29 = vector.broadcast %broadcast_in_dim3A : f32 to vector<16xf32>
    %broadcast_in_dim3A_30 = arith.constant -3.40282347E+38 : f32
    %broadcast_in_dim3A_31 = vector.broadcast %broadcast_in_dim3A_30 : f32 to vector<16xf32>
    %scan3A = arith.constant 0 : i32
    %scan3A_32 = arith.constant 0 : i32
    %scan3A_33 = arith.constant 9 : i32
    %scan3A_34 = arith.addi %scan3A_32, %scan3A_33 : i32
    %scan3A_35 = arith.constant 1 : i32
    %scan3A_36 = scf.for %scan3A_155 = %scan3A_32 to %scan3A_34 step %scan3A_35 iter_args(%scan3A_156 = %scan3A) -> (i32)  : i32 {
      %add3A_157 = arith.addi %mul3A_2, %scan3A_155 : i32
      %scan3A_158 = arith.constant 0 : i32
      %scan3A_159 = arith.constant 625 : i32
      %scan3A_160 = arith.constant 0 : i32
      %scan3A_161 = arith.constant 10 : i32
      %scan3A_162 = arith.addi %scan3A_160, %scan3A_161 : i32
      %scan3A_163 = arith.constant 1 : i32
      %scan3A_164:2 = scf.for %scan3A_246 = %scan3A_160 to %scan3A_162 step %scan3A_163 iter_args(%scan3A_247 = %scan3A_158, %scan3A_248 = %scan3A_159) -> (i32, i32)  : i32 {
        %add3A_249 = arith.addi %scan3A_247, %scan3A_248 : i32
        %jit3A_250 = arith.constant 2 : i32
        %div3A_251 = arith.divsi %add3A_249, %jit3A_250 : i32
        %sign3A_252 = arith.constant 0 : i32
        %sign3A_253 = arith.cmpi sgt, %add3A_249, %sign3A_252 : i32
        %sign3A_254 = arith.extui %sign3A_253 : i1 to i32
        %sign3A_255 = arith.constant 0 : i32
        %sign3A_256 = arith.cmpi slt, %add3A_249, %sign3A_255 : i32
        %sign3A_257 = arith.extui %sign3A_256 : i1 to i32
        %sign3A_258 = arith.subi %sign3A_254, %sign3A_257 : i32
        %sign3A_259 = arith.constant 0 : i32
        %sign3A_260 = arith.cmpi sgt, %jit3A_250, %sign3A_259 : i32
        %sign3A_261 = arith.extui %sign3A_260 : i1 to i32
        %sign3A_262 = arith.constant 0 : i32
        %sign3A_263 = arith.cmpi slt, %jit3A_250, %sign3A_262 : i32
        %sign3A_264 = arith.extui %sign3A_263 : i1 to i32
        %sign3A_265 = arith.subi %sign3A_261, %sign3A_264 : i32
        %ne3A_266 = arith.cmpi ne, %sign3A_258, %sign3A_265 : i32
        %rem3A_267 = arith.remsi %add3A_249, %jit3A_250 : i32
        %ne3A_268 = arith.constant 0 : i32
        %ne3A_269 = arith.cmpi ne, %rem3A_267, %ne3A_268 : i32
        %and3A_270 = arith.andi %ne3A_266, %ne3A_269 : i1
        %sub3A_271 = arith.constant 1 : i32
        %sub3A_272 = arith.subi %div3A_251, %sub3A_271 : i32
        %select_n3A_273 = arith.select %and3A_270, %sub3A_272, %div3A_251 : i32
        %mul3A_274 = arith.constant 16 : i32
        %mul3A_275 = arith.muli %select_n3A_273, %mul3A_274 : i32
        %get3A_276 = arith.index_cast %mul3A_275 : i32 to index
        %get3A_277 = tpu.vector_load %arg7[%get3A_276] {strides = array<i32>} : memref<10000xi32, #tpu.memory_space<vmem>>, vector<16xi32>,
        %get3A_278 = vector.shape_cast %get3A_277 : vector<16xi32> to vector<16xi32>
        %slice3A_279 = vector.extract_strided_slice %get3A_278 {offsets = [0], sizes = [1], strides = [1]} : vector<16xi32> to vector<1xi32>
        %squeeze3A_280 = vector.extract %slice3A_279[0] : i32 from vector<1xi32>
        %lt3A_281 = arith.cmpi slt, %squeeze3A_280, %add3A_157 : i32
        %add3A_282 = arith.constant 1 : i32
        %add3A_283 = arith.addi %select_n3A_273, %add3A_282 : i32
        %select_n3A_284 = arith.select %lt3A_281, %add3A_283, %scan3A_247 : i32
        %select_n3A_285 = arith.select %lt3A_281, %scan3A_248, %select_n3A_273 : i32
        %ge3A = arith.cmpi sge, %scan3A_247, %scan3A_248 : i32
        %select_n3A_286 = arith.select %ge3A, %scan3A_247, %select_n3A_284 : i32
        %select_n3A_287 = arith.select %ge3A, %scan3A_248, %select_n3A_285 : i32
        scf.yield %select_n3A_286, %select_n3A_287 : i32, i32
      }
      %scan3A_165 = arith.constant 10 : i32
      %sub3A_166 = arith.constant 1 : i32
      %sub3A_167 = arith.subi %scan3A_164#0, %sub3A_166 : i32
      %max3A = arith.constant 0 : i32
      %max3A_168 = arith.maxsi %sub3A_167, %max3A : i32
      %mul3A_169 = arith.constant 16 : i32
      %mul3A_170 = arith.muli %max3A_168, %mul3A_169 : i32
      %get3A_171 = arith.index_cast %mul3A_170 : i32 to index
      %get3A_172 = tpu.vector_load %arg7[%get3A_171] {strides = array<i32>} : memref<10000xi32, #tpu.memory_space<vmem>>, vector<16xi32>,
      %get3A_173 = vector.shape_cast %get3A_172 : vector<16xi32> to vector<16xi32>
      %sub3A_174 = vector.broadcast %add3A_157 : i32 to vector<16xi32>
      %sub3A_175 = arith.subi %sub3A_174, %get3A_173 : vector<16xi32>
      %jit3A_176 = arith.constant 0 : i32
      %jit3A_177 = arith.constant 1 : i32
      %max3A_178 = vector.broadcast %jit3A_176 : i32 to vector<16xi32>
      %max3A_179 = arith.maxsi %max3A_178, %sub3A_175 : vector<16xi32>
      %min3A = vector.broadcast %jit3A_177 : i32 to vector<16xi32>
      %min3A_180 = arith.minsi %min3A, %max3A_179 : vector<16xi32>
      %iota3A = tpu.iota {dimensions = array<i32: 0>} : vector<16xi32>
      %xor3A = arith.constant 8 : i32
      %xor3A_181 = vector.broadcast %xor3A : i32 to vector<16xi32>
      %xor3A_182 = arith.xori %iota3A, %xor3A_181 : vector<16xi32>
      %lt3A_183 = arith.constant 0 : i32
      %lt3A_184 = vector.broadcast %lt3A_183 : i32 to vector<16xi32>
      %lt3A_185 = arith.cmpi slt, %xor3A_182, %lt3A_184 : vector<16xi32>
      %add3A_186 = arith.constant 16 : i32
      %add3A_187 = vector.broadcast %add3A_186 : i32 to vector<16xi32>
      %add3A_188 = arith.addi %xor3A_182, %add3A_187 : vector<16xi32>
      %select_n3A_189 = arith.select %lt3A_185, %add3A_188, %xor3A_182 : vector<16xi1>, vector<16xi32>
      %reshape3A = vector.shape_cast %select_n3A_189 : vector<16xi32> to vector<16x1xi32>
      %gather3A = vector.shape_cast %reshape3A : vector<16x1xi32> to vector<16xi32>
      %gather3A_190 = tpu.dynamic_gather %min3A_180[%gather3A] in [0] : vector<16xi32>, vector<16xi32> -> vector<16xi32>
      %add3A_191 = arith.addi %min3A_180, %gather3A_190 : vector<16xi32>
      %iota3A_192 = tpu.iota {dimensions = array<i32: 0>} : vector<16xi32>
      %xor3A_193 = arith.constant 4 : i32
      %xor3A_194 = vector.broadcast %xor3A_193 : i32 to vector<16xi32>
      %xor3A_195 = arith.xori %iota3A_192, %xor3A_194 : vector<16xi32>
      %lt3A_196 = arith.constant 0 : i32
      %lt3A_197 = vector.broadcast %lt3A_196 : i32 to vector<16xi32>
      %lt3A_198 = arith.cmpi slt, %xor3A_195, %lt3A_197 : vector<16xi32>
      %add3A_199 = arith.constant 16 : i32
      %add3A_200 = vector.broadcast %add3A_199 : i32 to vector<16xi32>
      %add3A_201 = arith.addi %xor3A_195, %add3A_200 : vector<16xi32>
      %select_n3A_202 = arith.select %lt3A_198, %add3A_201, %xor3A_195 : vector<16xi1>, vector<16xi32>
      %reshape3A_203 = vector.shape_cast %select_n3A_202 : vector<16xi32> to vector<16x1xi32>
      %gather3A_204 = vector.shape_cast %reshape3A_203 : vector<16x1xi32> to vector<16xi32>
      %gather3A_205 = tpu.dynamic_gather %add3A_191[%gather3A_204] in [0] : vector<16xi32>, vector<16xi32> -> vector<16xi32>
      %add3A_206 = arith.addi %add3A_191, %gather3A_205 : vector<16xi32>
      %iota3A_207 = tpu.iota {dimensions = array<i32: 0>} : vector<16xi32>
      %xor3A_208 = arith.constant 2 : i32
      %xor3A_209 = vector.broadcast %xor3A_208 : i32 to vector<16xi32>
      %xor3A_210 = arith.xori %iota3A_207, %xor3A_209 : vector<16xi32>
      %lt3A_211 = arith.constant 0 : i32
      %lt3A_212 = vector.broadcast %lt3A_211 : i32 to vector<16xi32>
      %lt3A_213 = arith.cmpi slt, %xor3A_210, %lt3A_212 : vector<16xi32>
      %add3A_214 = arith.constant 16 : i32
      %add3A_215 = vector.broadcast %add3A_214 : i32 to vector<16xi32>
      %add3A_216 = arith.addi %xor3A_210, %add3A_215 : vector<16xi32>
      %select_n3A_217 = arith.select %lt3A_213, %add3A_216, %xor3A_210 : vector<16xi1>, vector<16xi32>
      %reshape3A_218 = vector.shape_cast %select_n3A_217 : vector<16xi32> to vector<16x1xi32>
      %gather3A_219 = vector.shape_cast %reshape3A_218 : vector<16x1xi32> to vector<16xi32>
      %gather3A_220 = tpu.dynamic_gather %add3A_206[%gather3A_219] in [0] : vector<16xi32>, vector<16xi32> -> vector<16xi32>
      %add3A_221 = arith.addi %add3A_206, %gather3A_220 : vector<16xi32>
      %iota3A_222 = tpu.iota {dimensions = array<i32: 0>} : vector<16xi32>
      %xor3A_223 = arith.constant 1 : i32
      %xor3A_224 = vector.broadcast %xor3A_223 : i32 to vector<16xi32>
      %xor3A_225 = arith.xori %iota3A_222, %xor3A_224 : vector<16xi32>
      %lt3A_226 = arith.constant 0 : i32
      %lt3A_227 = vector.broadcast %lt3A_226 : i32 to vector<16xi32>
      %lt3A_228 = arith.cmpi slt, %xor3A_225, %lt3A_227 : vector<16xi32>
      %add3A_229 = arith.constant 16 : i32
      %add3A_230 = vector.broadcast %add3A_229 : i32 to vector<16xi32>
      %add3A_231 = arith.addi %xor3A_225, %add3A_230 : vector<16xi32>
      %select_n3A_232 = arith.select %lt3A_228, %add3A_231, %xor3A_225 : vector<16xi1>, vector<16xi32>
      %reshape3A_233 = vector.shape_cast %select_n3A_232 : vector<16xi32> to vector<16x1xi32>
      %gather3A_234 = vector.shape_cast %reshape3A_233 : vector<16x1xi32> to vector<16xi32>
      %gather3A_235 = tpu.dynamic_gather %add3A_221[%gather3A_234] in [0] : vector<16xi32>, vector<16xi32> -> vector<16xi32>
      %add3A_236 = arith.addi %add3A_221, %gather3A_235 : vector<16xi32>
      %slice3A = vector.extract_strided_slice %add3A_236 {offsets = [0], sizes = [1], strides = [1]} : vector<16xi32> to vector<1xi32>
      %squeeze3A = vector.extract %slice3A[0] : i32 from vector<1xi32>
      %eq3A_237 = arith.constant 0 : i32
      %eq3A_238 = arith.cmpi eq, %scan3A_164#0, %eq3A_237 : i32
      %mul3A_239 = arith.constant 16 : i32
      %mul3A_240 = arith.muli %max3A_168, %mul3A_239 : i32
      %add3A_241 = arith.addi %mul3A_240, %squeeze3A : i32
      %jit3A_242 = arith.constant 0 : i32
      %select_n3A_243 = arith.select %eq3A_238, %jit3A_242, %add3A_241 : i32
      %swap3A = arith.index_cast %scan3A_155 : i32 to index
      %swap3A_244 = memref.load %arg14[%swap3A] : memref<9xi32, #tpu.memory_space<smem>>
      memref.store %select_n3A_243, %arg14[%swap3A] : memref<9xi32, #tpu.memory_space<smem>>
      %scan3A_245 = arith.constant 0 : i32
      scf.yield %scan3A_245 : i32
    }
    %scan3A_37 = arith.constant 9 : i32
    %scan3A_38 = arith.constant 0 : i32
    %scan3A_39 = arith.constant 0 : i32
    %scan3A_40 = arith.constant 8 : i32
    %scan3A_41 = arith.addi %scan3A_39, %scan3A_40 : i32
    %scan3A_42 = arith.constant 1 : i32
    %scan3A_43 = scf.for %scan3A_155 = %scan3A_39 to %scan3A_41 step %scan3A_42 iter_args(%scan3A_156 = %scan3A_38) -> (i32)  : i32 {
      %swap3A = arith.index_cast %scan3A_155 : i32 to index
      %swap3A_157 = arith.constant 0 : index
      %swap3A_158 = tpu.vector_load %arg12[%swap3A, %swap3A_157] {strides = array<i32>} : memref<8x128xf32, #tpu.memory_space<vmem>>, vector<1x16xf32>,
      %swap3A_159 = vector.shape_cast %swap3A_158 : vector<1x16xf32> to vector<16xf32>
      %swap3A_160 = vector.shape_cast %broadcast_in_dim3A_29 : vector<16xf32> to vector<1x16xf32>
      tpu.vector_store %arg12[%swap3A, %swap3A_157], %swap3A_160 {strides = array<i32>} : memref<8x128xf32, #tpu.memory_space<vmem>>, vector<1x16xf32>,
      %swap3A_161 = arith.index_cast %scan3A_155 : i32 to index
      %swap3A_162 = arith.constant 0 : index
      %swap3A_163 = tpu.vector_load %arg13[%swap3A_161, %swap3A_162] {strides = array<i32>} : memref<8x128xf32, #tpu.memory_space<vmem>>, vector<1x16xf32>,
      %swap3A_164 = vector.shape_cast %swap3A_163 : vector<1x16xf32> to vector<16xf32>
      %swap3A_165 = vector.shape_cast %broadcast_in_dim3A_31 : vector<16xf32> to vector<1x16xf32>
      tpu.vector_store %arg13[%swap3A_161, %swap3A_162], %swap3A_165 {strides = array<i32>} : memref<8x128xf32, #tpu.memory_space<vmem>>, vector<1x16xf32>,
      %swap3A_166 = arith.index_cast %scan3A_155 : i32 to index
      %swap3A_167 = arith.constant 16 : index
      %swap3A_168 = tpu.vector_load %arg12[%swap3A_166, %swap3A_167] {strides = array<i32>} : memref<8x128xf32, #tpu.memory_space<vmem>>, vector<1x16xf32>,
      %swap3A_169 = vector.shape_cast %swap3A_168 : vector<1x16xf32> to vector<16xf32>
      %swap3A_170 = vector.shape_cast %broadcast_in_dim3A_29 : vector<16xf32> to vector<1x16xf32>
      tpu.vector_store %arg12[%swap3A_166, %swap3A_167], %swap3A_170 {strides = array<i32>} : memref<8x128xf32, #tpu.memory_space<vmem>>, vector<1x16xf32>,
      %swap3A_171 = arith.index_cast %scan3A_155 : i32 to index
      %swap3A_172 = arith.constant 16 : index
      %swap3A_173 = tpu.vector_load %arg13[%swap3A_171, %swap3A_172] {strides = array<i32>} : memref<8x128xf32, #tpu.memory_space<vmem>>, vector<1x16xf32>,
      %swap3A_174 = vector.shape_cast %swap3A_173 : vector<1x16xf32> to vector<16xf32>
      %swap3A_175 = vector.shape_cast %broadcast_in_dim3A_31 : vector<16xf32> to vector<1x16xf32>
      tpu.vector_store %arg13[%swap3A_171, %swap3A_172], %swap3A_175 {strides = array<i32>} : memref<8x128xf32, #tpu.memory_space<vmem>>, vector<1x16xf32>,
      %swap3A_176 = arith.index_cast %scan3A_155 : i32 to index
      %swap3A_177 = arith.constant 32 : index
      %swap3A_178 = tpu.vector_load %arg12[%swap3A_176, %swap3A_177] {strides = array<i32>} : memref<8x128xf32, #tpu.memory_space<vmem>>, vector<1x16xf32>,
      %swap3A_179 = vector.shape_cast %swap3A_178 : vector<1x16xf32> to vector<16xf32>
      %swap3A_180 = vector.shape_cast %broadcast_in_dim3A_29 : vector<16xf32> to vector<1x16xf32>
      tpu.vector_store %arg12[%swap3A_176, %swap3A_177], %swap3A_180 {strides = array<i32>} : memref<8x128xf32, #tpu.memory_space<vmem>>, vector<1x16xf32>,
      %swap3A_181 = arith.index_cast %scan3A_155 : i32 to index
      %swap3A_182 = arith.constant 32 : index
      %swap3A_183 = tpu.vector_load %arg13[%swap3A_181, %swap3A_182] {strides = array<i32>} : memref<8x128xf32, #tpu.memory_space<vmem>>, vector<1x16xf32>,
      %swap3A_184 = vector.shape_cast %swap3A_183 : vector<1x16xf32> to vector<16xf32>
      %swap3A_185 = vector.shape_cast %broadcast_in_dim3A_31 : vector<16xf32> to vector<1x16xf32>
      tpu.vector_store %arg13[%swap3A_181, %swap3A_182], %swap3A_185 {strides = array<i32>} : memref<8x128xf32, #tpu.memory_space<vmem>>, vector<1x16xf32>,
      %swap3A_186 = arith.index_cast %scan3A_155 : i32 to index
      %swap3A_187 = arith.constant 48 : index
      %swap3A_188 = tpu.vector_load %arg12[%swap3A_186, %swap3A_187] {strides = array<i32>} : memref<8x128xf32, #tpu.memory_space<vmem>>, vector<1x16xf32>,
      %swap3A_189 = vector.shape_cast %swap3A_188 : vector<1x16xf32> to vector<16xf32>
      %swap3A_190 = vector.shape_cast %broadcast_in_dim3A_29 : vector<16xf32> to vector<1x16xf32>
      tpu.vector_store %arg12[%swap3A_186, %swap3A_187], %swap3A_190 {strides = array<i32>} : memref<8x128xf32, #tpu.memory_space<vmem>>, vector<1x16xf32>,
      %swap3A_191 = arith.index_cast %scan3A_155 : i32 to index
      %swap3A_192 = arith.constant 48 : index
      %swap3A_193 = tpu.vector_load %arg13[%swap3A_191, %swap3A_192] {strides = array<i32>} : memref<8x128xf32, #tpu.memory_space<vmem>>, vector<1x16xf32>,
      %swap3A_194 = vector.shape_cast %swap3A_193 : vector<1x16xf32> to vector<16xf32>
      %swap3A_195 = vector.shape_cast %broadcast_in_dim3A_31 : vector<16xf32> to vector<1x16xf32>
      tpu.vector_store %arg13[%swap3A_191, %swap3A_192], %swap3A_195 {strides = array<i32>} : memref<8x128xf32, #tpu.memory_space<vmem>>, vector<1x16xf32>,
      %swap3A_196 = arith.index_cast %scan3A_155 : i32 to index
      %swap3A_197 = arith.constant 64 : index
      %swap3A_198 = tpu.vector_load %arg12[%swap3A_196, %swap3A_197] {strides = array<i32>} : memref<8x128xf32, #tpu.memory_space<vmem>>, vector<1x16xf32>,
      %swap3A_199 = vector.shape_cast %swap3A_198 : vector<1x16xf32> to vector<16xf32>
      %swap3A_200 = vector.shape_cast %broadcast_in_dim3A_29 : vector<16xf32> to vector<1x16xf32>
      tpu.vector_store %arg12[%swap3A_196, %swap3A_197], %swap3A_200 {strides = array<i32>} : memref<8x128xf32, #tpu.memory_space<vmem>>, vector<1x16xf32>,
      %swap3A_201 = arith.index_cast %scan3A_155 : i32 to index
      %swap3A_202 = arith.constant 64 : index
      %swap3A_203 = tpu.vector_load %arg13[%swap3A_201, %swap3A_202] {strides = array<i32>} : memref<8x128xf32, #tpu.memory_space<vmem>>, vector<1x16xf32>,
      %swap3A_204 = vector.shape_cast %swap3A_203 : vector<1x16xf32> to vector<16xf32>
      %swap3A_205 = vector.shape_cast %broadcast_in_dim3A_31 : vector<16xf32> to vector<1x16xf32>
      tpu.vector_store %arg13[%swap3A_201, %swap3A_202], %swap3A_205 {strides = array<i32>} : memref<8x128xf32, #tpu.memory_space<vmem>>, vector<1x16xf32>,
      %swap3A_206 = arith.index_cast %scan3A_155 : i32 to index
      %swap3A_207 = arith.constant 80 : index
      %swap3A_208 = tpu.vector_load %arg12[%swap3A_206, %swap3A_207] {strides = array<i32>} : memref<8x128xf32, #tpu.memory_space<vmem>>, vector<1x16xf32>,
      %swap3A_209 = vector.shape_cast %swap3A_208 : vector<1x16xf32> to vector<16xf32>
      %swap3A_210 = vector.shape_cast %broadcast_in_dim3A_29 : vector<16xf32> to vector<1x16xf32>
      tpu.vector_store %arg12[%swap3A_206, %swap3A_207], %swap3A_210 {strides = array<i32>} : memref<8x128xf32, #tpu.memory_space<vmem>>, vector<1x16xf32>,
      %swap3A_211 = arith.index_cast %scan3A_155 : i32 to index
      %swap3A_212 = arith.constant 80 : index
      %swap3A_213 = tpu.vector_load %arg13[%swap3A_211, %swap3A_212] {strides = array<i32>} : memref<8x128xf32, #tpu.memory_space<vmem>>, vector<1x16xf32>,
      %swap3A_214 = vector.shape_cast %swap3A_213 : vector<1x16xf32> to vector<16xf32>
      %swap3A_215 = vector.shape_cast %broadcast_in_dim3A_31 : vector<16xf32> to vector<1x16xf32>
      tpu.vector_store %arg13[%swap3A_211, %swap3A_212], %swap3A_215 {strides = array<i32>} : memref<8x128xf32, #tpu.memory_space<vmem>>, vector<1x16xf32>,
      %swap3A_216 = arith.index_cast %scan3A_155 : i32 to index
      %swap3A_217 = arith.constant 96 : index
      %swap3A_218 = tpu.vector_load %arg12[%swap3A_216, %swap3A_217] {strides = array<i32>} : memref<8x128xf32, #tpu.memory_space<vmem>>, vector<1x16xf32>,
      %swap3A_219 = vector.shape_cast %swap3A_218 : vector<1x16xf32> to vector<16xf32>
      %swap3A_220 = vector.shape_cast %broadcast_in_dim3A_29 : vector<16xf32> to vector<1x16xf32>
      tpu.vector_store %arg12[%swap3A_216, %swap3A_217], %swap3A_220 {strides = array<i32>} : memref<8x128xf32, #tpu.memory_space<vmem>>, vector<1x16xf32>,
      %swap3A_221 = arith.index_cast %scan3A_155 : i32 to index
      %swap3A_222 = arith.constant 96 : index
      %swap3A_223 = tpu.vector_load %arg13[%swap3A_221, %swap3A_222] {strides = array<i32>} : memref<8x128xf32, #tpu.memory_space<vmem>>, vector<1x16xf32>,
      %swap3A_224 = vector.shape_cast %swap3A_223 : vector<1x16xf32> to vector<16xf32>
      %swap3A_225 = vector.shape_cast %broadcast_in_dim3A_31 : vector<16xf32> to vector<1x16xf32>
      tpu.vector_store %arg13[%swap3A_221, %swap3A_222], %swap3A_225 {strides = array<i32>} : memref<8x128xf32, #tpu.memory_space<vmem>>, vector<1x16xf32>,
      %swap3A_226 = arith.index_cast %scan3A_155 : i32 to index
      %swap3A_227 = arith.constant 112 : index
      %swap3A_228 = tpu.vector_load %arg12[%swap3A_226, %swap3A_227] {strides = array<i32>} : memref<8x128xf32, #tpu.memory_space<vmem>>, vector<1x16xf32>,
      %swap3A_229 = vector.shape_cast %swap3A_228 : vector<1x16xf32> to vector<16xf32>
      %swap3A_230 = vector.shape_cast %broadcast_in_dim3A_29 : vector<16xf32> to vector<1x16xf32>
      tpu.vector_store %arg12[%swap3A_226, %swap3A_227], %swap3A_230 {strides = array<i32>} : memref<8x128xf32, #tpu.memory_space<vmem>>, vector<1x16xf32>,
      %swap3A_231 = arith.index_cast %scan3A_155 : i32 to index
      %swap3A_232 = arith.constant 112 : index
      %swap3A_233 = tpu.vector_load %arg13[%swap3A_231, %swap3A_232] {strides = array<i32>} : memref<8x128xf32, #tpu.memory_space<vmem>>, vector<1x16xf32>,
      %swap3A_234 = vector.shape_cast %swap3A_233 : vector<1x16xf32> to vector<16xf32>
      %swap3A_235 = vector.shape_cast %broadcast_in_dim3A_31 : vector<16xf32> to vector<1x16xf32>
      tpu.vector_store %arg13[%swap3A_231, %swap3A_232], %swap3A_235 {strides = array<i32>} : memref<8x128xf32, #tpu.memory_space<vmem>>, vector<1x16xf32>,
      %scan3A_236 = arith.constant 0 : i32
      scf.yield %scan3A_236 : i32
    }
    %scan3A_44 = arith.constant 8 : i32
    %get3A_45 = arith.constant 0 : i32
    %get3A_46 = arith.index_cast %get3A_45 : i32 to index
    %get3A_47 = memref.load %arg14[%get3A_46] : memref<9xi32, #tpu.memory_space<smem>>
    %get3A_48 = arith.constant 8 : i32
    %get3A_49 = arith.index_cast %get3A_48 : i32 to index
    %get3A_50 = memref.load %arg14[%get3A_49] : memref<9xi32, #tpu.memory_space<smem>>
    %jit3A = arith.constant 64 : i32
    %div3A = arith.divsi %get3A_47, %jit3A : i32
    %sign3A = arith.constant 0 : i32
    %sign3A_51 = arith.cmpi sgt, %get3A_47, %sign3A : i32
    %sign3A_52 = arith.extui %sign3A_51 : i1 to i32
    %sign3A_53 = arith.constant 0 : i32
    %sign3A_54 = arith.cmpi slt, %get3A_47, %sign3A_53 : i32
    %sign3A_55 = arith.extui %sign3A_54 : i1 to i32
    %sign3A_56 = arith.subi %sign3A_52, %sign3A_55 : i32
    %sign3A_57 = arith.constant 0 : i32
    %sign3A_58 = arith.cmpi sgt, %jit3A, %sign3A_57 : i32
    %sign3A_59 = arith.extui %sign3A_58 : i1 to i32
    %sign3A_60 = arith.constant 0 : i32
    %sign3A_61 = arith.cmpi slt, %jit3A, %sign3A_60 : i32
    %sign3A_62 = arith.extui %sign3A_61 : i1 to i32
    %sign3A_63 = arith.subi %sign3A_59, %sign3A_62 : i32
    %ne3A = arith.cmpi ne, %sign3A_56, %sign3A_63 : i32
    %rem3A = arith.remsi %get3A_47, %jit3A : i32
    %ne3A_64 = arith.constant 0 : i32
    %ne3A_65 = arith.cmpi ne, %rem3A, %ne3A_64 : i32
    %and3A = arith.andi %ne3A, %ne3A_65 : i1
    %sub3A = arith.constant 1 : i32
    %sub3A_66 = arith.subi %div3A, %sub3A : i32
    %select_n3A = arith.select %and3A, %sub3A_66, %div3A : i32
    %gt3A = arith.cmpi sgt, %get3A_50, %get3A_47 : i32
    %sub3A_67 = arith.constant 1 : i32
    %sub3A_68 = arith.subi %get3A_50, %sub3A_67 : i32
    %jit3A_69 = arith.constant 64 : i32
    %div3A_70 = arith.divsi %sub3A_68, %jit3A_69 : i32
    %sign3A_71 = arith.constant 0 : i32
    %sign3A_72 = arith.cmpi sgt, %sub3A_68, %sign3A_71 : i32
    %sign3A_73 = arith.extui %sign3A_72 : i1 to i32
    %sign3A_74 = arith.constant 0 : i32
    %sign3A_75 = arith.cmpi slt, %sub3A_68, %sign3A_74 : i32
    %sign3A_76 = arith.extui %sign3A_75 : i1 to i32
    %sign3A_77 = arith.subi %sign3A_73, %sign3A_76 : i32
    %sign3A_78 = arith.constant 0 : i32
    %sign3A_79 = arith.cmpi sgt, %jit3A_69, %sign3A_78 : i32
    %sign3A_80 = arith.extui %sign3A_79 : i1 to i32
    %sign3A_81 = arith.constant 0 : i32
    %sign3A_82 = arith.cmpi slt, %jit3A_69, %sign3A_81 : i32
    %sign3A_83 = arith.extui %sign3A_82 : i1 to i32
    %sign3A_84 = arith.subi %sign3A_80, %sign3A_83 : i32
    %ne3A_85 = arith.cmpi ne, %sign3A_77, %sign3A_84 : i32
    %rem3A_86 = arith.remsi %sub3A_68, %jit3A_69 : i32
    %ne3A_87 = arith.constant 0 : i32
    %ne3A_88 = arith.cmpi ne, %rem3A_86, %ne3A_87 : i32
    %and3A_89 = arith.andi %ne3A_85, %ne3A_88 : i1
    %sub3A_90 = arith.constant 1 : i32
    %sub3A_91 = arith.subi %div3A_70, %sub3A_90 : i32
    %select_n3A_92 = arith.select %and3A_89, %sub3A_91, %div3A_70 : i32
    %add3A_93 = arith.constant 1 : i32
    %add3A_94 = arith.addi %select_n3A_92, %add3A_93 : i32
    %select_n3A_95 = arith.select %gt3A, %add3A_94, %select_n3A : i32
    %lt3A = arith.cmpi slt, %select_n3A, %select_n3A_95 : i32
    %jit3A_96 = arith.constant 2 : i32
    %eq3A = arith.constant 0 : i32
    %eq3A_97 = arith.cmpi eq, %jit3A_96, %eq3A : i32
    %jit3A_98 = arith.constant 1 : i32
    %select_n3A_99 = arith.select %eq3A_97, %jit3A_98, %jit3A_96 : i32
    %rem3A_100 = arith.remsi %select_n3A, %select_n3A_99 : i32
    %ne3A_101 = arith.constant 0 : i32
    %ne3A_102 = arith.cmpi ne, %rem3A_100, %ne3A_101 : i32
    %lt3A_103 = arith.constant 0 : i32
    %lt3A_104 = arith.cmpi slt, %rem3A_100, %lt3A_103 : i32
    %lt3A_105 = arith.constant 0 : i32
    %lt3A_106 = arith.cmpi slt, %select_n3A_99, %lt3A_105 : i32
    %ne3A_107 = arith.xori %lt3A_104, %lt3A_106 : i1
    %and3A_108 = arith.andi %ne3A_107, %ne3A_102 : i1
    %add3A_109 = arith.addi %rem3A_100, %select_n3A_99 : i32
    %select_n3A_110 = arith.select %and3A_108, %add3A_109, %rem3A_100 : i32
    %eq3A_111 = arith.constant 0 : i32
    %eq3A_112 = arith.cmpi eq, %select_n3A_110, %eq3A_111 : i32
    %and3A_113 = arith.andi %lt3A, %eq3A_112 : i1
    %convert_element_type3A = arith.extui %and3A_113 : i1 to i32
    %cond3A = arith.constant 0 : i32
    %cond3A_114 = arith.cmpi ne, %convert_element_type3A, %cond3A : i32
    scf.if %cond3A_114 {
      %mul3A_155 = arith.constant 64 : i32
      %mul3A_156 = arith.muli %select_n3A, %mul3A_155 : i32
      %min3A = arith.constant 9936 : i32
      %min3A_157 = arith.minsi %mul3A_156, %min3A : i32
      %multiple_of3A_158 = tpu.assume_multiple %min3A_157, 8 : i32
      %dma_start3A = arith.constant 0 : i32
      %dma_start3A_159 = arith.constant 0 : i32
      %dma_start3A_160 = arith.constant 0 : i32
      %dma_start3A_161 = tpu.memref_slice %arg8[%dma_start3A, %dma_start3A_159, %dma_start3A_160] : memref<2x64x128xf32, #tpu.memory_space<vmem>> -> memref<1x64x128xf32, #tpu.memory_space<vmem>>
      %dma_start3A_162 = tpu.memref_squeeze %dma_start3A_161 : memref<1x64x128xf32, #tpu.memory_space<vmem>> -> memref<64x128xf32, #tpu.memory_space<vmem>>
      %dma_start3A_163 = arith.constant 0 : i32
      %dma_start3A_164 = tpu.memref_slice %arg2[%multiple_of3A_158, %dma_start3A_163] : memref<10000x128xf32, #tpu.memory_space<hbm>> -> memref<64x128xf32, #tpu.memory_space<hbm>>
      %dma_start3A_165 = arith.constant 0 : i32
      %dma_start3A_166 = arith.constant 0 : i32
      %dma_start3A_167 = tpu.memref_slice %arg8[%dma_start3A, %dma_start3A_165, %dma_start3A_166] : memref<2x64x128xf32, #tpu.memory_space<vmem>> -> memref<1x64x128xf32, #tpu.memory_space<vmem>>
      %dma_start3A_168 = tpu.memref_squeeze %dma_start3A_167 : memref<1x64x128xf32, #tpu.memory_space<vmem>> -> memref<64x128xf32, #tpu.memory_space<vmem>>
      %dma_start3A_169 = arith.constant 0 : i32
      %dma_start3A_170 = tpu.memref_slice %arg2[%multiple_of3A_158, %dma_start3A_169] : memref<10000x128xf32, #tpu.memory_space<hbm>> -> memref<64x128xf32, #tpu.memory_space<hbm>>
      tpu.enqueue_dma source(%dma_start3A_170 : memref<64x128xf32, #tpu.memory_space<hbm>>) target(%dma_start3A_168 : memref<64x128xf32, #tpu.memory_space<vmem>>) target_semaphore(%arg15 : memref<!tpu.dma_semaphore, #tpu.memory_space<semaphore_mem>>)
    } else {
    }
    %lt3A_115 = arith.cmpi slt, %select_n3A, %select_n3A_95 : i32
    %jit3A_116 = arith.constant 2 : i32
    %eq3A_117 = arith.constant 0 : i32
    %eq3A_118 = arith.cmpi eq, %jit3A_116, %eq3A_117 : i32
    %jit3A_119 = arith.constant 1 : i32
    %select_n3A_120 = arith.select %eq3A_118, %jit3A_119, %jit3A_116 : i32
    %rem3A_121 = arith.remsi %select_n3A, %select_n3A_120 : i32
    %ne3A_122 = arith.constant 0 : i32
    %ne3A_123 = arith.cmpi ne, %rem3A_121, %ne3A_122 : i32
    %lt3A_124 = arith.constant 0 : i32
    %lt3A_125 = arith.cmpi slt, %rem3A_121, %lt3A_124 : i32
    %lt3A_126 = arith.constant 0 : i32
    %lt3A_127 = arith.cmpi slt, %select_n3A_120, %lt3A_126 : i32
    %ne3A_128 = arith.xori %lt3A_125, %lt3A_127 : i1
    %and3A_129 = arith.andi %ne3A_128, %ne3A_123 : i1
    %add3A_130 = arith.addi %rem3A_121, %select_n3A_120 : i32
    %select_n3A_131 = arith.select %and3A_129, %add3A_130, %rem3A_121 : i32
    %eq3A_132 = arith.constant 1 : i32
    %eq3A_133 = arith.cmpi eq, %select_n3A_131, %eq3A_132 : i32
    %and3A_134 = arith.andi %lt3A_115, %eq3A_133 : i1
    %convert_element_type3A_135 = arith.extui %and3A_134 : i1 to i32
    %cond3A_136 = arith.constant 0 : i32
    %cond3A_137 = arith.cmpi ne, %convert_element_type3A_135, %cond3A_136 : i32
    scf.if %cond3A_137 {
      %mul3A_155 = arith.constant 64 : i32
      %mul3A_156 = arith.muli %select_n3A, %mul3A_155 : i32
      %min3A = arith.constant 9936 : i32
      %min3A_157 = arith.minsi %mul3A_156, %min3A : i32
      %multiple_of3A_158 = tpu.assume_multiple %min3A_157, 8 : i32
      %dma_start3A = arith.constant 1 : i32
      %dma_start3A_159 = arith.constant 0 : i32
      %dma_start3A_160 = arith.constant 0 : i32
      %dma_start3A_161 = tpu.memref_slice %arg8[%dma_start3A, %dma_start3A_159, %dma_start3A_160] : memref<2x64x128xf32, #tpu.memory_space<vmem>> -> memref<1x64x128xf32, #tpu.memory_space<vmem>>
      %dma_start3A_162 = tpu.memref_squeeze %dma_start3A_161 : memref<1x64x128xf32, #tpu.memory_space<vmem>> -> memref<64x128xf32, #tpu.memory_space<vmem>>
      %dma_start3A_163 = arith.constant 0 : i32
      %dma_start3A_164 = tpu.memref_slice %arg2[%multiple_of3A_158, %dma_start3A_163] : memref<10000x128xf32, #tpu.memory_space<hbm>> -> memref<64x128xf32, #tpu.memory_space<hbm>>
      %dma_start3A_165 = arith.constant 0 : i32
      %dma_start3A_166 = arith.constant 0 : i32
      %dma_start3A_167 = tpu.memref_slice %arg8[%dma_start3A, %dma_start3A_165, %dma_start3A_166] : memref<2x64x128xf32, #tpu.memory_space<vmem>> -> memref<1x64x128xf32, #tpu.memory_space<vmem>>
      %dma_start3A_168 = tpu.memref_squeeze %dma_start3A_167 : memref<1x64x128xf32, #tpu.memory_space<vmem>> -> memref<64x128xf32, #tpu.memory_space<vmem>>
      %dma_start3A_169 = arith.constant 0 : i32
      %dma_start3A_170 = tpu.memref_slice %arg2[%multiple_of3A_158, %dma_start3A_169] : memref<10000x128xf32, #tpu.memory_space<hbm>> -> memref<64x128xf32, #tpu.memory_space<hbm>>
      tpu.enqueue_dma source(%dma_start3A_170 : memref<64x128xf32, #tpu.memory_space<hbm>>) target(%dma_start3A_168 : memref<64x128xf32, #tpu.memory_space<vmem>>) target_semaphore(%arg16 : memref<!tpu.dma_semaphore, #tpu.memory_space<semaphore_mem>>)
    } else {
    }
    %while3A = arith.constant 0 : i32
    %while3A_138 = arith.subi %select_n3A_95, %select_n3A : i32
    %while3A_139 = arith.addi %select_n3A, %while3A_138 : i32
    %while3A_140 = arith.constant 1 : i32
    %while3A_141 = arith.divsi %while3A_138, %while3A_140 : i32
    %while3A_142 = arith.muli %while3A_141, %while3A_140 : i32
    %while3A_143 = arith.addi %select_n3A, %while3A_142 : i32
    %while3A_144 = arith.constant 1 : i32
    %while3A_145 = scf.for %while3A_155 = %select_n3A to %while3A_143 step %while3A_144 iter_args(%while3A_156 = %while3A) -> (i32)  : i32 {
      %jit3A_157 = arith.constant 2 : i32
      %eq3A_158 = arith.constant 0 : i32
      %eq3A_159 = arith.cmpi eq, %jit3A_157, %eq3A_158 : i32
      %jit3A_160 = arith.constant 1 : i32
      %select_n3A_161 = arith.select %eq3A_159, %jit3A_160, %jit3A_157 : i32
      %rem3A_162 = arith.remsi %while3A_155, %select_n3A_161 : i32
      %ne3A_163 = arith.constant 0 : i32
      %ne3A_164 = arith.cmpi ne, %rem3A_162, %ne3A_163 : i32
      %lt3A_165 = arith.constant 0 : i32
      %lt3A_166 = arith.cmpi slt, %rem3A_162, %lt3A_165 : i32
      %lt3A_167 = arith.constant 0 : i32
      %lt3A_168 = arith.cmpi slt, %select_n3A_161, %lt3A_167 : i32
      %ne3A_169 = arith.xori %lt3A_166, %lt3A_168 : i1
      %and3A_170 = arith.andi %ne3A_169, %ne3A_164 : i1
      %add3A_171 = arith.addi %rem3A_162, %select_n3A_161 : i32
      %select_n3A_172 = arith.select %and3A_170, %add3A_171, %rem3A_162 : i32
      %add3A_173 = arith.constant 1 : i32
      %add3A_174 = arith.addi %while3A_155, %add3A_173 : i32
      %jit3A_175 = arith.constant 2 : i32
      %eq3A_176 = arith.constant 0 : i32
      %eq3A_177 = arith.cmpi eq, %jit3A_175, %eq3A_176 : i32
      %jit3A_178 = arith.constant 1 : i32
      %select_n3A_179 = arith.select %eq3A_177, %jit3A_178, %jit3A_175 : i32
      %rem3A_180 = arith.remsi %add3A_174, %select_n3A_179 : i32
      %ne3A_181 = arith.constant 0 : i32
      %ne3A_182 = arith.cmpi ne, %rem3A_180, %ne3A_181 : i32
      %lt3A_183 = arith.constant 0 : i32
      %lt3A_184 = arith.cmpi slt, %rem3A_180, %lt3A_183 : i32
      %lt3A_185 = arith.constant 0 : i32
      %lt3A_186 = arith.cmpi slt, %select_n3A_179, %lt3A_185 : i32
      %ne3A_187 = arith.xori %lt3A_184, %lt3A_186 : i1
      %and3A_188 = arith.andi %ne3A_187, %ne3A_182 : i1
      %add3A_189 = arith.addi %rem3A_180, %select_n3A_179 : i32
      %select_n3A_190 = arith.select %and3A_188, %add3A_189, %rem3A_180 : i32
      %add3A_191 = arith.constant 1 : i32
      %add3A_192 = arith.addi %while3A_155, %add3A_191 : i32
      %lt3A_193 = arith.cmpi slt, %add3A_192, %select_n3A_95 : i32
      %convert_element_type3A_194 = arith.extui %lt3A_193 : i1 to i32
      %cond3A_195 = arith.constant 0 : i32
      %cond3A_196 = arith.cmpi ne, %convert_element_type3A_194, %cond3A_195 : i32
      scf.if %cond3A_196 {
        %eq3A_219 = arith.constant 0 : i32
        %eq3A_220 = arith.cmpi eq, %select_n3A_190, %eq3A_219 : i32
        %convert_element_type3A_221 = arith.extui %eq3A_220 : i1 to i32
        %cond3A_222 = arith.constant 0 : i32
        %cond3A_223 = arith.cmpi ne, %convert_element_type3A_221, %cond3A_222 : i32
        scf.if %cond3A_223 {
          %add3A_229 = arith.constant 1 : i32
          %add3A_230 = arith.addi %while3A_155, %add3A_229 : i32
          %mul3A_231 = arith.constant 64 : i32
          %mul3A_232 = arith.muli %add3A_230, %mul3A_231 : i32
          %min3A_233 = arith.constant 9936 : i32
          %min3A_234 = arith.minsi %mul3A_232, %min3A_233 : i32
          %multiple_of3A_235 = tpu.assume_multiple %min3A_234, 8 : i32
          %dma_start3A = arith.constant 0 : i32
          %dma_start3A_236 = arith.constant 0 : i32
          %dma_start3A_237 = arith.constant 0 : i32
          %dma_start3A_238 = tpu.memref_slice %arg8[%dma_start3A, %dma_start3A_236, %dma_start3A_237] : memref<2x64x128xf32, #tpu.memory_space<vmem>> -> memref<1x64x128xf32, #tpu.memory_space<vmem>>
          %dma_start3A_239 = tpu.memref_squeeze %dma_start3A_238 : memref<1x64x128xf32, #tpu.memory_space<vmem>> -> memref<64x128xf32, #tpu.memory_space<vmem>>
          %dma_start3A_240 = arith.constant 0 : i32
          %dma_start3A_241 = tpu.memref_slice %arg2[%multiple_of3A_235, %dma_start3A_240] : memref<10000x128xf32, #tpu.memory_space<hbm>> -> memref<64x128xf32, #tpu.memory_space<hbm>>
          %dma_start3A_242 = arith.constant 0 : i32
          %dma_start3A_243 = arith.constant 0 : i32
          %dma_start3A_244 = tpu.memref_slice %arg8[%dma_start3A, %dma_start3A_242, %dma_start3A_243] : memref<2x64x128xf32, #tpu.memory_space<vmem>> -> memref<1x64x128xf32, #tpu.memory_space<vmem>>
          %dma_start3A_245 = tpu.memref_squeeze %dma_start3A_244 : memref<1x64x128xf32, #tpu.memory_space<vmem>> -> memref<64x128xf32, #tpu.memory_space<vmem>>
          %dma_start3A_246 = arith.constant 0 : i32
          %dma_start3A_247 = tpu.memref_slice %arg2[%multiple_of3A_235, %dma_start3A_246] : memref<10000x128xf32, #tpu.memory_space<hbm>> -> memref<64x128xf32, #tpu.memory_space<hbm>>
          tpu.enqueue_dma source(%dma_start3A_247 : memref<64x128xf32, #tpu.memory_space<hbm>>) target(%dma_start3A_245 : memref<64x128xf32, #tpu.memory_space<vmem>>) target_semaphore(%arg15 : memref<!tpu.dma_semaphore, #tpu.memory_space<semaphore_mem>>)
        } else {
        }
        %eq3A_224 = arith.constant 1 : i32
        %eq3A_225 = arith.cmpi eq, %select_n3A_190, %eq3A_224 : i32
        %convert_element_type3A_226 = arith.extui %eq3A_225 : i1 to i32
        %cond3A_227 = arith.constant 0 : i32
        %cond3A_228 = arith.cmpi ne, %convert_element_type3A_226, %cond3A_227 : i32
        scf.if %cond3A_228 {
          %add3A_229 = arith.constant 1 : i32
          %add3A_230 = arith.addi %while3A_155, %add3A_229 : i32
          %mul3A_231 = arith.constant 64 : i32
          %mul3A_232 = arith.muli %add3A_230, %mul3A_231 : i32
          %min3A_233 = arith.constant 9936 : i32
          %min3A_234 = arith.minsi %mul3A_232, %min3A_233 : i32
          %multiple_of3A_235 = tpu.assume_multiple %min3A_234, 8 : i32
          %dma_start3A = arith.constant 1 : i32
          %dma_start3A_236 = arith.constant 0 : i32
          %dma_start3A_237 = arith.constant 0 : i32
          %dma_start3A_238 = tpu.memref_slice %arg8[%dma_start3A, %dma_start3A_236, %dma_start3A_237] : memref<2x64x128xf32, #tpu.memory_space<vmem>> -> memref<1x64x128xf32, #tpu.memory_space<vmem>>
          %dma_start3A_239 = tpu.memref_squeeze %dma_start3A_238 : memref<1x64x128xf32, #tpu.memory_space<vmem>> -> memref<64x128xf32, #tpu.memory_space<vmem>>
          %dma_start3A_240 = arith.constant 0 : i32
          %dma_start3A_241 = tpu.memref_slice %arg2[%multiple_of3A_235, %dma_start3A_240] : memref<10000x128xf32, #tpu.memory_space<hbm>> -> memref<64x128xf32, #tpu.memory_space<hbm>>
          %dma_start3A_242 = arith.constant 0 : i32
          %dma_start3A_243 = arith.constant 0 : i32
          %dma_start3A_244 = tpu.memref_slice %arg8[%dma_start3A, %dma_start3A_242, %dma_start3A_243] : memref<2x64x128xf32, #tpu.memory_space<vmem>> -> memref<1x64x128xf32, #tpu.memory_space<vmem>>
          %dma_start3A_245 = tpu.memref_squeeze %dma_start3A_244 : memref<1x64x128xf32, #tpu.memory_space<vmem>> -> memref<64x128xf32, #tpu.memory_space<vmem>>
          %dma_start3A_246 = arith.constant 0 : i32
          %dma_start3A_247 = tpu.memref_slice %arg2[%multiple_of3A_235, %dma_start3A_246] : memref<10000x128xf32, #tpu.memory_space<hbm>> -> memref<64x128xf32, #tpu.memory_space<hbm>>
          tpu.enqueue_dma source(%dma_start3A_247 : memref<64x128xf32, #tpu.memory_space<hbm>>) target(%dma_start3A_245 : memref<64x128xf32, #tpu.memory_space<vmem>>) target_semaphore(%arg16 : memref<!tpu.dma_semaphore, #tpu.memory_space<semaphore_mem>>)
        } else {
        }
      } else {
      }
      %eq3A_197 = arith.constant 0 : i32
      %eq3A_198 = arith.cmpi eq, %select_n3A_172, %eq3A_197 : i32
      %convert_element_type3A_199 = arith.extui %eq3A_198 : i1 to i32
      %cond3A_200 = arith.constant 0 : i32
      %cond3A_201 = arith.cmpi ne, %convert_element_type3A_199, %cond3A_200 : i32
      scf.if %cond3A_201 {
        %dma_wait3A = arith.constant 0 : i32
        %dma_wait3A_219 = arith.constant 0 : i32
        %dma_wait3A_220 = arith.constant 0 : i32
        %dma_wait3A_221 = tpu.memref_slice %arg8[%dma_wait3A, %dma_wait3A_219, %dma_wait3A_220] : memref<2x64x128xf32, #tpu.memory_space<vmem>> -> memref<1x64x128xf32, #tpu.memory_space<vmem>>
        %dma_wait3A_222 = tpu.memref_squeeze %dma_wait3A_221 : memref<1x64x128xf32, #tpu.memory_space<vmem>> -> memref<64x128xf32, #tpu.memory_space<vmem>>
        %dma_wait3A_223 = arith.constant 0 : i32
        %dma_wait3A_224 = arith.constant 0 : i32
        %dma_wait3A_225 = tpu.memref_slice %arg2[%dma_wait3A_223, %dma_wait3A_224] : memref<10000x128xf32, #tpu.memory_space<hbm>> -> memref<64x128xf32, #tpu.memory_space<hbm>>
        %dma_wait3A_226 = arith.constant 0 : i32
        %dma_wait3A_227 = arith.constant 0 : i32
        %dma_wait3A_228 = tpu.memref_slice %arg8[%dma_wait3A, %dma_wait3A_226, %dma_wait3A_227] : memref<2x64x128xf32, #tpu.memory_space<vmem>> -> memref<1x64x128xf32, #tpu.memory_space<vmem>>
        %dma_wait3A_229 = tpu.memref_squeeze %dma_wait3A_228 : memref<1x64x128xf32, #tpu.memory_space<vmem>> -> memref<64x128xf32, #tpu.memory_space<vmem>>
        %dma_wait3A_230 = arith.constant 0 : i32
        %dma_wait3A_231 = arith.constant 0 : i32
        %dma_wait3A_232 = tpu.memref_slice %arg2[%dma_wait3A_230, %dma_wait3A_231] : memref<10000x128xf32, #tpu.memory_space<hbm>> -> memref<64x128xf32, #tpu.memory_space<hbm>>
        tpu.wait_dma2 semaphore(%arg15 : memref<!tpu.dma_semaphore, #tpu.memory_space<semaphore_mem>>) src(%dma_wait3A_232 : memref<64x128xf32, #tpu.memory_space<hbm>>) dst(%dma_wait3A_229 : memref<64x128xf32, #tpu.memory_space<vmem>>)
      } else {
      }
      %eq3A_202 = arith.constant 1 : i32
      %eq3A_203 = arith.cmpi eq, %select_n3A_172, %eq3A_202 : i32
      %convert_element_type3A_204 = arith.extui %eq3A_203 : i1 to i32
      %cond3A_205 = arith.constant 0 : i32
      %cond3A_206 = arith.cmpi ne, %convert_element_type3A_204, %cond3A_205 : i32
      scf.if %cond3A_206 {
        %dma_wait3A = arith.constant 1 : i32
        %dma_wait3A_219 = arith.constant 0 : i32
        %dma_wait3A_220 = arith.constant 0 : i32
        %dma_wait3A_221 = tpu.memref_slice %arg8[%dma_wait3A, %dma_wait3A_219, %dma_wait3A_220] : memref<2x64x128xf32, #tpu.memory_space<vmem>> -> memref<1x64x128xf32, #tpu.memory_space<vmem>>
        %dma_wait3A_222 = tpu.memref_squeeze %dma_wait3A_221 : memref<1x64x128xf32, #tpu.memory_space<vmem>> -> memref<64x128xf32, #tpu.memory_space<vmem>>
        %dma_wait3A_223 = arith.constant 0 : i32
        %dma_wait3A_224 = arith.constant 0 : i32
        %dma_wait3A_225 = tpu.memref_slice %arg2[%dma_wait3A_223, %dma_wait3A_224] : memref<10000x128xf32, #tpu.memory_space<hbm>> -> memref<64x128xf32, #tpu.memory_space<hbm>>
        %dma_wait3A_226 = arith.constant 0 : i32
        %dma_wait3A_227 = arith.constant 0 : i32
        %dma_wait3A_228 = tpu.memref_slice %arg8[%dma_wait3A, %dma_wait3A_226, %dma_wait3A_227] : memref<2x64x128xf32, #tpu.memory_space<vmem>> -> memref<1x64x128xf32, #tpu.memory_space<vmem>>
        %dma_wait3A_229 = tpu.memref_squeeze %dma_wait3A_228 : memref<1x64x128xf32, #tpu.memory_space<vmem>> -> memref<64x128xf32, #tpu.memory_space<vmem>>
        %dma_wait3A_230 = arith.constant 0 : i32
        %dma_wait3A_231 = arith.constant 0 : i32
        %dma_wait3A_232 = tpu.memref_slice %arg2[%dma_wait3A_230, %dma_wait3A_231] : memref<10000x128xf32, #tpu.memory_space<hbm>> -> memref<64x128xf32, #tpu.memory_space<hbm>>
        tpu.wait_dma2 semaphore(%arg16 : memref<!tpu.dma_semaphore, #tpu.memory_space<semaphore_mem>>) src(%dma_wait3A_232 : memref<64x128xf32, #tpu.memory_space<hbm>>) dst(%dma_wait3A_229 : memref<64x128xf32, #tpu.memory_space<vmem>>)
      } else {
      }
      %mul3A_207 = arith.constant 64 : i32
      %mul3A_208 = arith.muli %while3A_155, %mul3A_207 : i32
      %min3A = arith.constant 9936 : i32
      %min3A_209 = arith.minsi %mul3A_208, %min3A : i32
      %multiple_of3A_210 = tpu.assume_multiple %min3A_209, 8 : i32
      %scan3A_211 = arith.constant 0 : i32
      %scan3A_212 = arith.constant 0 : i32
      %scan3A_213 = arith.constant 8 : i32
      %scan3A_214 = arith.addi %scan3A_212, %scan3A_213 : i32
      %scan3A_215 = arith.constant 1 : i32
      %scan3A_216 = scf.for %scan3A_219 = %scan3A_212 to %scan3A_214 step %scan3A_215 iter_args(%scan3A_220 = %scan3A_211) -> (i32)  : i32 {
        %get3A_221 = arith.index_cast %scan3A_219 : i32 to index
        %get3A_222 = memref.load %arg14[%get3A_221] : memref<9xi32, #tpu.memory_space<smem>>
        %mul3A_223 = arith.constant 64 : i32
        %mul3A_224 = arith.muli %while3A_155, %mul3A_223 : i32
        %max3A = arith.maxsi %get3A_222, %mul3A_224 : i32
        %add3A_225 = arith.constant 1 : i32
        %add3A_226 = arith.addi %scan3A_219, %add3A_225 : i32
        %get3A_227 = arith.index_cast %add3A_226 : i32 to index
        %get3A_228 = memref.load %arg14[%get3A_227] : memref<9xi32, #tpu.memory_space<smem>>
        %add3A_229 = arith.constant 1 : i32
        %add3A_230 = arith.addi %while3A_155, %add3A_229 : i32
        %mul3A_231 = arith.constant 64 : i32
        %mul3A_232 = arith.muli %add3A_230, %mul3A_231 : i32
        %min3A_233 = arith.minsi %get3A_228, %mul3A_232 : i32
        %gt3A_234 = arith.cmpi sgt, %min3A_233, %max3A : i32
        %convert_element_type3A_235 = arith.extui %gt3A_234 : i1 to i32
        %cond3A_236 = arith.constant 0 : i32
        %cond3A_237 = arith.cmpi ne, %convert_element_type3A_235, %cond3A_236 : i32
        scf.if %cond3A_237 {
          %get3A_239 = arith.index_cast %scan3A_219 : i32 to index
          %get3A_240 = arith.constant 0 : index
          %get3A_241 = tpu.vector_load %arg12[%get3A_239, %get3A_240] {strides = array<i32>} : memref<8x128xf32, #tpu.memory_space<vmem>>, vector<1x16xf32>,
          %get3A_242 = vector.shape_cast %get3A_241 : vector<1x16xf32> to vector<16xf32>
          %get3A_243 = arith.index_cast %scan3A_219 : i32 to index
          %get3A_244 = arith.constant 16 : index
          %get3A_245 = tpu.vector_load %arg12[%get3A_243, %get3A_244] {strides = array<i32>} : memref<8x128xf32, #tpu.memory_space<vmem>>, vector<1x16xf32>,
          %get3A_246 = vector.shape_cast %get3A_245 : vector<1x16xf32> to vector<16xf32>
          %get3A_247 = arith.index_cast %scan3A_219 : i32 to index
          %get3A_248 = arith.constant 32 : index
          %get3A_249 = tpu.vector_load %arg12[%get3A_247, %get3A_248] {strides = array<i32>} : memref<8x128xf32, #tpu.memory_space<vmem>>, vector<1x16xf32>,
          %get3A_250 = vector.shape_cast %get3A_249 : vector<1x16xf32> to vector<16xf32>
          %get3A_251 = arith.index_cast %scan3A_219 : i32 to index
          %get3A_252 = arith.constant 48 : index
          %get3A_253 = tpu.vector_load %arg12[%get3A_251, %get3A_252] {strides = array<i32>} : memref<8x128xf32, #tpu.memory_space<vmem>>, vector<1x16xf32>,
          %get3A_254 = vector.shape_cast %get3A_253 : vector<1x16xf32> to vector<16xf32>
          %get3A_255 = arith.index_cast %scan3A_219 : i32 to index
          %get3A_256 = arith.constant 64 : index
          %get3A_257 = tpu.vector_load %arg12[%get3A_255, %get3A_256] {strides = array<i32>} : memref<8x128xf32, #tpu.memory_space<vmem>>, vector<1x16xf32>,
          %get3A_258 = vector.shape_cast %get3A_257 : vector<1x16xf32> to vector<16xf32>
          %get3A_259 = arith.index_cast %scan3A_219 : i32 to index
          %get3A_260 = arith.constant 80 : index
          %get3A_261 = tpu.vector_load %arg12[%get3A_259, %get3A_260] {strides = array<i32>} : memref<8x128xf32, #tpu.memory_space<vmem>>, vector<1x16xf32>,
          %get3A_262 = vector.shape_cast %get3A_261 : vector<1x16xf32> to vector<16xf32>
          %get3A_263 = arith.index_cast %scan3A_219 : i32 to index
          %get3A_264 = arith.constant 96 : index
          %get3A_265 = tpu.vector_load %arg12[%get3A_263, %get3A_264] {strides = array<i32>} : memref<8x128xf32, #tpu.memory_space<vmem>>, vector<1x16xf32>,
          %get3A_266 = vector.shape_cast %get3A_265 : vector<1x16xf32> to vector<16xf32>
          %get3A_267 = arith.index_cast %scan3A_219 : i32 to index
          %get3A_268 = arith.constant 112 : index
          %get3A_269 = tpu.vector_load %arg12[%get3A_267, %get3A_268] {strides = array<i32>} : memref<8x128xf32, #tpu.memory_space<vmem>>, vector<1x16xf32>,
          %get3A_270 = vector.shape_cast %get3A_269 : vector<1x16xf32> to vector<16xf32>
          %get3A_271 = arith.index_cast %scan3A_219 : i32 to index
          %get3A_272 = arith.constant 0 : index
          %get3A_273 = tpu.vector_load %arg13[%get3A_271, %get3A_272] {strides = array<i32>} : memref<8x128xf32, #tpu.memory_space<vmem>>, vector<1x16xf32>,
          %get3A_274 = vector.shape_cast %get3A_273 : vector<1x16xf32> to vector<16xf32>
          %get3A_275 = arith.index_cast %scan3A_219 : i32 to index
          %get3A_276 = arith.constant 16 : index
          %get3A_277 = tpu.vector_load %arg13[%get3A_275, %get3A_276] {strides = array<i32>} : memref<8x128xf32, #tpu.memory_space<vmem>>, vector<1x16xf32>,
          %get3A_278 = vector.shape_cast %get3A_277 : vector<1x16xf32> to vector<16xf32>
          %get3A_279 = arith.index_cast %scan3A_219 : i32 to index
          %get3A_280 = arith.constant 32 : index
          %get3A_281 = tpu.vector_load %arg13[%get3A_279, %get3A_280] {strides = array<i32>} : memref<8x128xf32, #tpu.memory_space<vmem>>, vector<1x16xf32>,
          %get3A_282 = vector.shape_cast %get3A_281 : vector<1x16xf32> to vector<16xf32>
          %get3A_283 = arith.index_cast %scan3A_219 : i32 to index
          %get3A_284 = arith.constant 48 : index
          %get3A_285 = tpu.vector_load %arg13[%get3A_283, %get3A_284] {strides = array<i32>} : memref<8x128xf32, #tpu.memory_space<vmem>>, vector<1x16xf32>,
          %get3A_286 = vector.shape_cast %get3A_285 : vector<1x16xf32> to vector<16xf32>
          %get3A_287 = arith.index_cast %scan3A_219 : i32 to index
          %get3A_288 = arith.constant 64 : index
          %get3A_289 = tpu.vector_load %arg13[%get3A_287, %get3A_288] {strides = array<i32>} : memref<8x128xf32, #tpu.memory_space<vmem>>, vector<1x16xf32>,
          %get3A_290 = vector.shape_cast %get3A_289 : vector<1x16xf32> to vector<16xf32>
          %get3A_291 = arith.index_cast %scan3A_219 : i32 to index
          %get3A_292 = arith.constant 80 : index
          %get3A_293 = tpu.vector_load %arg13[%get3A_291, %get3A_292] {strides = array<i32>} : memref<8x128xf32, #tpu.memory_space<vmem>>, vector<1x16xf32>,
          %get3A_294 = vector.shape_cast %get3A_293 : vector<1x16xf32> to vector<16xf32>
          %get3A_295 = arith.index_cast %scan3A_219 : i32 to index
          %get3A_296 = arith.constant 96 : index
          %get3A_297 = tpu.vector_load %arg13[%get3A_295, %get3A_296] {strides = array<i32>} : memref<8x128xf32, #tpu.memory_space<vmem>>, vector<1x16xf32>,
          %get3A_298 = vector.shape_cast %get3A_297 : vector<1x16xf32> to vector<16xf32>
          %get3A_299 = arith.index_cast %scan3A_219 : i32 to index
          %get3A_300 = arith.constant 112 : index
          %get3A_301 = tpu.vector_load %arg13[%get3A_299, %get3A_300] {strides = array<i32>} : memref<8x128xf32, #tpu.memory_space<vmem>>, vector<1x16xf32>,
          %get3A_302 = vector.shape_cast %get3A_301 : vector<1x16xf32> to vector<16xf32>
          %parallel_loop3A = arith.constant 1 : i32
          %parallel_loop3A_303:16 = scf.for %parallel_loop3A_383 = %max3A to %min3A_233 step %parallel_loop3A iter_args(%parallel_loop3A_384 = %get3A_242, %parallel_loop3A_385 = %get3A_246, %parallel_loop3A_386 = %get3A_250, %parallel_loop3A_387 = %get3A_254, %parallel_loop3A_388 = %get3A_258, %parallel_loop3A_389 = %get3A_262, %parallel_loop3A_390 = %get3A_266, %parallel_loop3A_391 = %get3A_270, %parallel_loop3A_392 = %get3A_274, %parallel_loop3A_393 = %get3A_278, %parallel_loop3A_394 = %get3A_282, %parallel_loop3A_395 = %get3A_286, %parallel_loop3A_396 = %get3A_290, %parallel_loop3A_397 = %get3A_294, %parallel_loop3A_398 = %get3A_298, %parallel_loop3A_399 = %get3A_302) -> (vector<16xf32>, vector<16xf32>, vector<16xf32>, vector<16xf32>, vector<16xf32>, vector<16xf32>, vector<16xf32>, vector<16xf32>, vector<16xf32>, vector<16xf32>, vector<16xf32>, vector<16xf32>, vector<16xf32>, vector<16xf32>, vector<16xf32>, vector<16xf32>)  : i32 {
            %parallel_loop3A_400 = arith.subi %parallel_loop3A_383, %multiple_of3A_210 : i32
            %parallel_loop3A_401 = arith.index_cast %select_n3A_172 : i32 to index
            %parallel_loop3A_402 = arith.index_cast %parallel_loop3A_400 : i32 to index
            %parallel_loop3A_403 = arith.constant 0 : index
            %parallel_loop3A_404 = tpu.vector_load %arg8[%parallel_loop3A_401, %parallel_loop3A_402, %parallel_loop3A_403] {strides = array<i32>} : memref<2x64x128xf32, #tpu.memory_space<vmem>>, vector<1x1x16xf32>,
            %parallel_loop3A_405 = vector.shape_cast %parallel_loop3A_404 : vector<1x1x16xf32> to vector<16xf32>
            %parallel_loop3A_406 = arith.index_cast %select_n3A_172 : i32 to index
            %parallel_loop3A_407 = arith.index_cast %parallel_loop3A_400 : i32 to index
            %parallel_loop3A_408 = arith.constant 16 : index
            %parallel_loop3A_409 = tpu.vector_load %arg8[%parallel_loop3A_406, %parallel_loop3A_407, %parallel_loop3A_408] {strides = array<i32>} : memref<2x64x128xf32, #tpu.memory_space<vmem>>, vector<1x1x16xf32>,
            %parallel_loop3A_410 = vector.shape_cast %parallel_loop3A_409 : vector<1x1x16xf32> to vector<16xf32>
            %parallel_loop3A_411 = arith.index_cast %select_n3A_172 : i32 to index
            %parallel_loop3A_412 = arith.index_cast %parallel_loop3A_400 : i32 to index
            %parallel_loop3A_413 = arith.constant 32 : index
            %parallel_loop3A_414 = tpu.vector_load %arg8[%parallel_loop3A_411, %parallel_loop3A_412, %parallel_loop3A_413] {strides = array<i32>} : memref<2x64x128xf32, #tpu.memory_space<vmem>>, vector<1x1x16xf32>,
            %parallel_loop3A_415 = vector.shape_cast %parallel_loop3A_414 : vector<1x1x16xf32> to vector<16xf32>
            %parallel_loop3A_416 = arith.index_cast %select_n3A_172 : i32 to index
            %parallel_loop3A_417 = arith.index_cast %parallel_loop3A_400 : i32 to index
            %parallel_loop3A_418 = arith.constant 48 : index
            %parallel_loop3A_419 = tpu.vector_load %arg8[%parallel_loop3A_416, %parallel_loop3A_417, %parallel_loop3A_418] {strides = array<i32>} : memref<2x64x128xf32, #tpu.memory_space<vmem>>, vector<1x1x16xf32>,
            %parallel_loop3A_420 = vector.shape_cast %parallel_loop3A_419 : vector<1x1x16xf32> to vector<16xf32>
            %parallel_loop3A_421 = arith.index_cast %select_n3A_172 : i32 to index
            %parallel_loop3A_422 = arith.index_cast %parallel_loop3A_400 : i32 to index
            %parallel_loop3A_423 = arith.constant 64 : index
            %parallel_loop3A_424 = tpu.vector_load %arg8[%parallel_loop3A_421, %parallel_loop3A_422, %parallel_loop3A_423] {strides = array<i32>} : memref<2x64x128xf32, #tpu.memory_space<vmem>>, vector<1x1x16xf32>,
            %parallel_loop3A_425 = vector.shape_cast %parallel_loop3A_424 : vector<1x1x16xf32> to vector<16xf32>
            %parallel_loop3A_426 = arith.index_cast %select_n3A_172 : i32 to index
            %parallel_loop3A_427 = arith.index_cast %parallel_loop3A_400 : i32 to index
            %parallel_loop3A_428 = arith.constant 80 : index
            %parallel_loop3A_429 = tpu.vector_load %arg8[%parallel_loop3A_426, %parallel_loop3A_427, %parallel_loop3A_428] {strides = array<i32>} : memref<2x64x128xf32, #tpu.memory_space<vmem>>, vector<1x1x16xf32>,
            %parallel_loop3A_430 = vector.shape_cast %parallel_loop3A_429 : vector<1x1x16xf32> to vector<16xf32>
            %parallel_loop3A_431 = arith.index_cast %select_n3A_172 : i32 to index
            %parallel_loop3A_432 = arith.index_cast %parallel_loop3A_400 : i32 to index
            %parallel_loop3A_433 = arith.constant 96 : index
            %parallel_loop3A_434 = tpu.vector_load %arg8[%parallel_loop3A_431, %parallel_loop3A_432, %parallel_loop3A_433] {strides = array<i32>} : memref<2x64x128xf32, #tpu.memory_space<vmem>>, vector<1x1x16xf32>,
            %parallel_loop3A_435 = vector.shape_cast %parallel_loop3A_434 : vector<1x1x16xf32> to vector<16xf32>
            %parallel_loop3A_436 = arith.index_cast %select_n3A_172 : i32 to index
            %parallel_loop3A_437 = arith.index_cast %parallel_loop3A_400 : i32 to index
            %parallel_loop3A_438 = arith.constant 112 : index
            %parallel_loop3A_439 = tpu.vector_load %arg8[%parallel_loop3A_436, %parallel_loop3A_437, %parallel_loop3A_438] {strides = array<i32>} : memref<2x64x128xf32, #tpu.memory_space<vmem>>, vector<1x1x16xf32>,
            %parallel_loop3A_440 = vector.shape_cast %parallel_loop3A_439 : vector<1x1x16xf32> to vector<16xf32>
            %parallel_loop3A_441 = arith.mulf %parallel_loop3A_405, %get3A_4 : vector<16xf32>
            %parallel_loop3A_442 = arith.mulf %parallel_loop3A_410, %get3A_7 : vector<16xf32>
            %parallel_loop3A_443 = arith.addf %parallel_loop3A_441, %parallel_loop3A_442 : vector<16xf32>
            %parallel_loop3A_444 = arith.mulf %parallel_loop3A_415, %get3A_10 : vector<16xf32>
            %parallel_loop3A_445 = arith.addf %parallel_loop3A_443, %parallel_loop3A_444 : vector<16xf32>
            %parallel_loop3A_446 = arith.mulf %parallel_loop3A_420, %get3A_13 : vector<16xf32>
            %parallel_loop3A_447 = arith.addf %parallel_loop3A_445, %parallel_loop3A_446 : vector<16xf32>
            %parallel_loop3A_448 = arith.mulf %parallel_loop3A_425, %get3A_16 : vector<16xf32>
            %parallel_loop3A_449 = arith.addf %parallel_loop3A_447, %parallel_loop3A_448 : vector<16xf32>
            %parallel_loop3A_450 = arith.mulf %parallel_loop3A_430, %get3A_19 : vector<16xf32>
            %parallel_loop3A_451 = arith.addf %parallel_loop3A_449, %parallel_loop3A_450 : vector<16xf32>
            %parallel_loop3A_452 = arith.mulf %parallel_loop3A_435, %get3A_22 : vector<16xf32>
            %parallel_loop3A_453 = arith.addf %parallel_loop3A_451, %parallel_loop3A_452 : vector<16xf32>
            %parallel_loop3A_454 = arith.mulf %parallel_loop3A_440, %get3A_25 : vector<16xf32>
            %parallel_loop3A_455 = arith.addf %parallel_loop3A_453, %parallel_loop3A_454 : vector<16xf32>
            %parallel_loop3A_456 = tpu.iota {dimensions = array<i32: 0>} : vector<16xi32>
            %parallel_loop3A_457 = arith.constant 8 : i32
            %parallel_loop3A_458 = vector.broadcast %parallel_loop3A_457 : i32 to vector<16xi32>
            %parallel_loop3A_459 = arith.xori %parallel_loop3A_456, %parallel_loop3A_458 : vector<16xi32>
            %parallel_loop3A_460 = arith.constant 0 : i32
            %parallel_loop3A_461 = vector.broadcast %parallel_loop3A_460 : i32 to vector<16xi32>
            %parallel_loop3A_462 = arith.cmpi slt, %parallel_loop3A_459, %parallel_loop3A_461 : vector<16xi32>
            %parallel_loop3A_463 = arith.constant 16 : i32
            %parallel_loop3A_464 = vector.broadcast %parallel_loop3A_463 : i32 to vector<16xi32>
            %parallel_loop3A_465 = arith.addi %parallel_loop3A_459, %parallel_loop3A_464 : vector<16xi32>
            %parallel_loop3A_466 = arith.select %parallel_loop3A_462, %parallel_loop3A_465, %parallel_loop3A_459 : vector<16xi1>, vector<16xi32>
            %parallel_loop3A_467 = vector.shape_cast %parallel_loop3A_466 : vector<16xi32> to vector<16x1xi32>
            %parallel_loop3A_468 = vector.shape_cast %parallel_loop3A_467 : vector<16x1xi32> to vector<16xi32>
            %parallel_loop3A_469 = tpu.dynamic_gather %parallel_loop3A_455[%parallel_loop3A_468] in [0] : vector<16xf32>, vector<16xi32> -> vector<16xf32>
            %parallel_loop3A_470 = arith.addf %parallel_loop3A_455, %parallel_loop3A_469 : vector<16xf32>
            %parallel_loop3A_471 = tpu.iota {dimensions = array<i32: 0>} : vector<16xi32>
            %parallel_loop3A_472 = arith.constant 4 : i32
            %parallel_loop3A_473 = vector.broadcast %parallel_loop3A_472 : i32 to vector<16xi32>
            %parallel_loop3A_474 = arith.xori %parallel_loop3A_471, %parallel_loop3A_473 : vector<16xi32>
            %parallel_loop3A_475 = arith.constant 0 : i32
            %parallel_loop3A_476 = vector.broadcast %parallel_loop3A_475 : i32 to vector<16xi32>
            %parallel_loop3A_477 = arith.cmpi slt, %parallel_loop3A_474, %parallel_loop3A_476 : vector<16xi32>
            %parallel_loop3A_478 = arith.constant 16 : i32
            %parallel_loop3A_479 = vector.broadcast %parallel_loop3A_478 : i32 to vector<16xi32>
            %parallel_loop3A_480 = arith.addi %parallel_loop3A_474, %parallel_loop3A_479 : vector<16xi32>
            %parallel_loop3A_481 = arith.select %parallel_loop3A_477, %parallel_loop3A_480, %parallel_loop3A_474 : vector<16xi1>, vector<16xi32>
            %parallel_loop3A_482 = vector.shape_cast %parallel_loop3A_481 : vector<16xi32> to vector<16x1xi32>
            %parallel_loop3A_483 = vector.shape_cast %parallel_loop3A_482 : vector<16x1xi32> to vector<16xi32>
            %parallel_loop3A_484 = tpu.dynamic_gather %parallel_loop3A_470[%parallel_loop3A_483] in [0] : vector<16xf32>, vector<16xi32> -> vector<16xf32>
            %parallel_loop3A_485 = arith.addf %parallel_loop3A_470, %parallel_loop3A_484 : vector<16xf32>
            %parallel_loop3A_486 = tpu.iota {dimensions = array<i32: 0>} : vector<16xi32>
            %parallel_loop3A_487 = arith.constant 2 : i32
            %parallel_loop3A_488 = vector.broadcast %parallel_loop3A_487 : i32 to vector<16xi32>
            %parallel_loop3A_489 = arith.xori %parallel_loop3A_486, %parallel_loop3A_488 : vector<16xi32>
            %parallel_loop3A_490 = arith.constant 0 : i32
            %parallel_loop3A_491 = vector.broadcast %parallel_loop3A_490 : i32 to vector<16xi32>
            %parallel_loop3A_492 = arith.cmpi slt, %parallel_loop3A_489, %parallel_loop3A_491 : vector<16xi32>
            %parallel_loop3A_493 = arith.constant 16 : i32
            %parallel_loop3A_494 = vector.broadcast %parallel_loop3A_493 : i32 to vector<16xi32>
            %parallel_loop3A_495 = arith.addi %parallel_loop3A_489, %parallel_loop3A_494 : vector<16xi32>
            %parallel_loop3A_496 = arith.select %parallel_loop3A_492, %parallel_loop3A_495, %parallel_loop3A_489 : vector<16xi1>, vector<16xi32>
            %parallel_loop3A_497 = vector.shape_cast %parallel_loop3A_496 : vector<16xi32> to vector<16x1xi32>
            %parallel_loop3A_498 = vector.shape_cast %parallel_loop3A_497 : vector<16x1xi32> to vector<16xi32>
            %parallel_loop3A_499 = tpu.dynamic_gather %parallel_loop3A_485[%parallel_loop3A_498] in [0] : vector<16xf32>, vector<16xi32> -> vector<16xf32>
            %parallel_loop3A_500 = arith.addf %parallel_loop3A_485, %parallel_loop3A_499 : vector<16xf32>
            %parallel_loop3A_501 = tpu.iota {dimensions = array<i32: 0>} : vector<16xi32>
            %parallel_loop3A_502 = arith.constant 1 : i32
            %parallel_loop3A_503 = vector.broadcast %parallel_loop3A_502 : i32 to vector<16xi32>
            %parallel_loop3A_504 = arith.xori %parallel_loop3A_501, %parallel_loop3A_503 : vector<16xi32>
            %parallel_loop3A_505 = arith.constant 0 : i32
            %parallel_loop3A_506 = vector.broadcast %parallel_loop3A_505 : i32 to vector<16xi32>
            %parallel_loop3A_507 = arith.cmpi slt, %parallel_loop3A_504, %parallel_loop3A_506 : vector<16xi32>
            %parallel_loop3A_508 = arith.constant 16 : i32
            %parallel_loop3A_509 = vector.broadcast %parallel_loop3A_508 : i32 to vector<16xi32>
            %parallel_loop3A_510 = arith.addi %parallel_loop3A_504, %parallel_loop3A_509 : vector<16xi32>
            %parallel_loop3A_511 = arith.select %parallel_loop3A_507, %parallel_loop3A_510, %parallel_loop3A_504 : vector<16xi1>, vector<16xi32>
            %parallel_loop3A_512 = vector.shape_cast %parallel_loop3A_511 : vector<16xi32> to vector<16x1xi32>
            %parallel_loop3A_513 = vector.shape_cast %parallel_loop3A_512 : vector<16x1xi32> to vector<16xi32>
            %parallel_loop3A_514 = tpu.dynamic_gather %parallel_loop3A_500[%parallel_loop3A_513] in [0] : vector<16xf32>, vector<16xi32> -> vector<16xf32>
            %parallel_loop3A_515 = arith.addf %parallel_loop3A_500, %parallel_loop3A_514 : vector<16xf32>
            %parallel_loop3A_516 = arith.addf %parallel_loop3A_515, %get3A_28 : vector<16xf32>
            %parallel_loop3A_517 = arith.constant 0.000000e+00 : f32
            %parallel_loop3A_518 = vector.broadcast %parallel_loop3A_517 : f32 to vector<16xf32>
            %parallel_loop3A_519 = arith.subf %parallel_loop3A_518, %parallel_loop3A_516 : vector<16xf32>
            %parallel_loop3A_520 = math.exp %parallel_loop3A_519 : vector<16xf32>
            %parallel_loop3A_521 = arith.constant 1.000000e+00 : f32
            %parallel_loop3A_522 = vector.broadcast %parallel_loop3A_521 : f32 to vector<16xf32>
            %parallel_loop3A_523 = arith.addf %parallel_loop3A_522, %parallel_loop3A_520 : vector<16xf32>
            %parallel_loop3A_524 = arith.constant 1.000000e+00 : f32
            %parallel_loop3A_525 = vector.broadcast %parallel_loop3A_524 : f32 to vector<16xf32>
            %parallel_loop3A_526 = arith.divf %parallel_loop3A_525, %parallel_loop3A_523 : vector<16xf32>
            %parallel_loop3A_527 = arith.mulf %parallel_loop3A_405, %parallel_loop3A_526 : vector<16xf32>
            %parallel_loop3A_528 = arith.addf %parallel_loop3A_384, %parallel_loop3A_527 : vector<16xf32>
            %parallel_loop3A_529 = arith.mulf %parallel_loop3A_410, %parallel_loop3A_526 : vector<16xf32>
            %parallel_loop3A_530 = arith.addf %parallel_loop3A_385, %parallel_loop3A_529 : vector<16xf32>
            %parallel_loop3A_531 = arith.mulf %parallel_loop3A_415, %parallel_loop3A_526 : vector<16xf32>
            %parallel_loop3A_532 = arith.addf %parallel_loop3A_386, %parallel_loop3A_531 : vector<16xf32>
            %parallel_loop3A_533 = arith.mulf %parallel_loop3A_420, %parallel_loop3A_526 : vector<16xf32>
            %parallel_loop3A_534 = arith.addf %parallel_loop3A_387, %parallel_loop3A_533 : vector<16xf32>
            %parallel_loop3A_535 = arith.mulf %parallel_loop3A_425, %parallel_loop3A_526 : vector<16xf32>
            %parallel_loop3A_536 = arith.addf %parallel_loop3A_388, %parallel_loop3A_535 : vector<16xf32>
            %parallel_loop3A_537 = arith.mulf %parallel_loop3A_430, %parallel_loop3A_526 : vector<16xf32>
            %parallel_loop3A_538 = arith.addf %parallel_loop3A_389, %parallel_loop3A_537 : vector<16xf32>
            %parallel_loop3A_539 = arith.mulf %parallel_loop3A_435, %parallel_loop3A_526 : vector<16xf32>
            %parallel_loop3A_540 = arith.addf %parallel_loop3A_390, %parallel_loop3A_539 : vector<16xf32>
            %parallel_loop3A_541 = arith.mulf %parallel_loop3A_440, %parallel_loop3A_526 : vector<16xf32>
            %parallel_loop3A_542 = arith.addf %parallel_loop3A_391, %parallel_loop3A_541 : vector<16xf32>
            %parallel_loop3A_543 = arith.maximumf %parallel_loop3A_392, %parallel_loop3A_405 : vector<16xf32>
            %parallel_loop3A_544 = arith.maximumf %parallel_loop3A_393, %parallel_loop3A_410 : vector<16xf32>
            %parallel_loop3A_545 = arith.maximumf %parallel_loop3A_394, %parallel_loop3A_415 : vector<16xf32>
            %parallel_loop3A_546 = arith.maximumf %parallel_loop3A_395, %parallel_loop3A_420 : vector<16xf32>
            %parallel_loop3A_547 = arith.maximumf %parallel_loop3A_396, %parallel_loop3A_425 : vector<16xf32>
            %parallel_loop3A_548 = arith.maximumf %parallel_loop3A_397, %parallel_loop3A_430 : vector<16xf32>
            %parallel_loop3A_549 = arith.maximumf %parallel_loop3A_398, %parallel_loop3A_435 : vector<16xf32>
            %parallel_loop3A_550 = arith.maximumf %parallel_loop3A_399, %parallel_loop3A_440 : vector<16xf32>
            scf.yield %parallel_loop3A_528, %parallel_loop3A_530, %parallel_loop3A_532, %parallel_loop3A_534, %parallel_loop3A_536, %parallel_loop3A_538, %parallel_loop3A_540, %parallel_loop3A_542, %parallel_loop3A_543, %parallel_loop3A_544, %parallel_loop3A_545, %parallel_loop3A_546, %parallel_loop3A_547, %parallel_loop3A_548, %parallel_loop3A_549, %parallel_loop3A_550 : vector<16xf32>, vector<16xf32>, vector<16xf32>, vector<16xf32>, vector<16xf32>, vector<16xf32>, vector<16xf32>, vector<16xf32>, vector<16xf32>, vector<16xf32>, vector<16xf32>, vector<16xf32>, vector<16xf32>, vector<16xf32>, vector<16xf32>, vector<16xf32>
          } {sc.loop_unroll_factor = 1 : i64, sc.parallel_access}
          %swap3A = arith.index_cast %scan3A_219 : i32 to index
          %swap3A_304 = arith.constant 0 : index
          %swap3A_305 = tpu.vector_load %arg12[%swap3A, %swap3A_304] {strides = array<i32>} : memref<8x128xf32, #tpu.memory_space<vmem>>, vector<1x16xf32>,
          %swap3A_306 = vector.shape_cast %swap3A_305 : vector<1x16xf32> to vector<16xf32>
          %swap3A_307 = vector.shape_cast %parallel_loop3A_303#0 : vector<16xf32> to vector<1x16xf32>
          tpu.vector_store %arg12[%swap3A, %swap3A_304], %swap3A_307 {strides = array<i32>} : memref<8x128xf32, #tpu.memory_space<vmem>>, vector<1x16xf32>,
          %swap3A_308 = arith.index_cast %scan3A_219 : i32 to index
          %swap3A_309 = arith.constant 0 : index
          %swap3A_310 = tpu.vector_load %arg13[%swap3A_308, %swap3A_309] {strides = array<i32>} : memref<8x128xf32, #tpu.memory_space<vmem>>, vector<1x16xf32>,
          %swap3A_311 = vector.shape_cast %swap3A_310 : vector<1x16xf32> to vector<16xf32>
          %swap3A_312 = vector.shape_cast %parallel_loop3A_303#8 : vector<16xf32> to vector<1x16xf32>
          tpu.vector_store %arg13[%swap3A_308, %swap3A_309], %swap3A_312 {strides = array<i32>} : memref<8x128xf32, #tpu.memory_space<vmem>>, vector<1x16xf32>,
          %swap3A_313 = arith.index_cast %scan3A_219 : i32 to index
          %swap3A_314 = arith.constant 16 : index
          %swap3A_315 = tpu.vector_load %arg12[%swap3A_313, %swap3A_314] {strides = array<i32>} : memref<8x128xf32, #tpu.memory_space<vmem>>, vector<1x16xf32>,
          %swap3A_316 = vector.shape_cast %swap3A_315 : vector<1x16xf32> to vector<16xf32>
          %swap3A_317 = vector.shape_cast %parallel_loop3A_303#1 : vector<16xf32> to vector<1x16xf32>
          tpu.vector_store %arg12[%swap3A_313, %swap3A_314], %swap3A_317 {strides = array<i32>} : memref<8x128xf32, #tpu.memory_space<vmem>>, vector<1x16xf32>,
          %swap3A_318 = arith.index_cast %scan3A_219 : i32 to index
          %swap3A_319 = arith.constant 16 : index
          %swap3A_320 = tpu.vector_load %arg13[%swap3A_318, %swap3A_319] {strides = array<i32>} : memref<8x128xf32, #tpu.memory_space<vmem>>, vector<1x16xf32>,
          %swap3A_321 = vector.shape_cast %swap3A_320 : vector<1x16xf32> to vector<16xf32>
          %swap3A_322 = vector.shape_cast %parallel_loop3A_303#9 : vector<16xf32> to vector<1x16xf32>
          tpu.vector_store %arg13[%swap3A_318, %swap3A_319], %swap3A_322 {strides = array<i32>} : memref<8x128xf32, #tpu.memory_space<vmem>>, vector<1x16xf32>,
          %swap3A_323 = arith.index_cast %scan3A_219 : i32 to index
          %swap3A_324 = arith.constant 32 : index
          %swap3A_325 = tpu.vector_load %arg12[%swap3A_323, %swap3A_324] {strides = array<i32>} : memref<8x128xf32, #tpu.memory_space<vmem>>, vector<1x16xf32>,
          %swap3A_326 = vector.shape_cast %swap3A_325 : vector<1x16xf32> to vector<16xf32>
          %swap3A_327 = vector.shape_cast %parallel_loop3A_303#2 : vector<16xf32> to vector<1x16xf32>
          tpu.vector_store %arg12[%swap3A_323, %swap3A_324], %swap3A_327 {strides = array<i32>} : memref<8x128xf32, #tpu.memory_space<vmem>>, vector<1x16xf32>,
          %swap3A_328 = arith.index_cast %scan3A_219 : i32 to index
          %swap3A_329 = arith.constant 32 : index
          %swap3A_330 = tpu.vector_load %arg13[%swap3A_328, %swap3A_329] {strides = array<i32>} : memref<8x128xf32, #tpu.memory_space<vmem>>, vector<1x16xf32>,
          %swap3A_331 = vector.shape_cast %swap3A_330 : vector<1x16xf32> to vector<16xf32>
          %swap3A_332 = vector.shape_cast %parallel_loop3A_303#10 : vector<16xf32> to vector<1x16xf32>
          tpu.vector_store %arg13[%swap3A_328, %swap3A_329], %swap3A_332 {strides = array<i32>} : memref<8x128xf32, #tpu.memory_space<vmem>>, vector<1x16xf32>,
          %swap3A_333 = arith.index_cast %scan3A_219 : i32 to index
          %swap3A_334 = arith.constant 48 : index
          %swap3A_335 = tpu.vector_load %arg12[%swap3A_333, %swap3A_334] {strides = array<i32>} : memref<8x128xf32, #tpu.memory_space<vmem>>, vector<1x16xf32>,
          %swap3A_336 = vector.shape_cast %swap3A_335 : vector<1x16xf32> to vector<16xf32>
          %swap3A_337 = vector.shape_cast %parallel_loop3A_303#3 : vector<16xf32> to vector<1x16xf32>
          tpu.vector_store %arg12[%swap3A_333, %swap3A_334], %swap3A_337 {strides = array<i32>} : memref<8x128xf32, #tpu.memory_space<vmem>>, vector<1x16xf32>,
          %swap3A_338 = arith.index_cast %scan3A_219 : i32 to index
          %swap3A_339 = arith.constant 48 : index
          %swap3A_340 = tpu.vector_load %arg13[%swap3A_338, %swap3A_339] {strides = array<i32>} : memref<8x128xf32, #tpu.memory_space<vmem>>, vector<1x16xf32>,
          %swap3A_341 = vector.shape_cast %swap3A_340 : vector<1x16xf32> to vector<16xf32>
          %swap3A_342 = vector.shape_cast %parallel_loop3A_303#11 : vector<16xf32> to vector<1x16xf32>
          tpu.vector_store %arg13[%swap3A_338, %swap3A_339], %swap3A_342 {strides = array<i32>} : memref<8x128xf32, #tpu.memory_space<vmem>>, vector<1x16xf32>,
          %swap3A_343 = arith.index_cast %scan3A_219 : i32 to index
          %swap3A_344 = arith.constant 64 : index
          %swap3A_345 = tpu.vector_load %arg12[%swap3A_343, %swap3A_344] {strides = array<i32>} : memref<8x128xf32, #tpu.memory_space<vmem>>, vector<1x16xf32>,
          %swap3A_346 = vector.shape_cast %swap3A_345 : vector<1x16xf32> to vector<16xf32>
          %swap3A_347 = vector.shape_cast %parallel_loop3A_303#4 : vector<16xf32> to vector<1x16xf32>
          tpu.vector_store %arg12[%swap3A_343, %swap3A_344], %swap3A_347 {strides = array<i32>} : memref<8x128xf32, #tpu.memory_space<vmem>>, vector<1x16xf32>,
          %swap3A_348 = arith.index_cast %scan3A_219 : i32 to index
          %swap3A_349 = arith.constant 64 : index
          %swap3A_350 = tpu.vector_load %arg13[%swap3A_348, %swap3A_349] {strides = array<i32>} : memref<8x128xf32, #tpu.memory_space<vmem>>, vector<1x16xf32>,
          %swap3A_351 = vector.shape_cast %swap3A_350 : vector<1x16xf32> to vector<16xf32>
          %swap3A_352 = vector.shape_cast %parallel_loop3A_303#12 : vector<16xf32> to vector<1x16xf32>
          tpu.vector_store %arg13[%swap3A_348, %swap3A_349], %swap3A_352 {strides = array<i32>} : memref<8x128xf32, #tpu.memory_space<vmem>>, vector<1x16xf32>,
          %swap3A_353 = arith.index_cast %scan3A_219 : i32 to index
          %swap3A_354 = arith.constant 80 : index
          %swap3A_355 = tpu.vector_load %arg12[%swap3A_353, %swap3A_354] {strides = array<i32>} : memref<8x128xf32, #tpu.memory_space<vmem>>, vector<1x16xf32>,
          %swap3A_356 = vector.shape_cast %swap3A_355 : vector<1x16xf32> to vector<16xf32>
          %swap3A_357 = vector.shape_cast %parallel_loop3A_303#5 : vector<16xf32> to vector<1x16xf32>
          tpu.vector_store %arg12[%swap3A_353, %swap3A_354], %swap3A_357 {strides = array<i32>} : memref<8x128xf32, #tpu.memory_space<vmem>>, vector<1x16xf32>,
          %swap3A_358 = arith.index_cast %scan3A_219 : i32 to index
          %swap3A_359 = arith.constant 80 : index
          %swap3A_360 = tpu.vector_load %arg13[%swap3A_358, %swap3A_359] {strides = array<i32>} : memref<8x128xf32, #tpu.memory_space<vmem>>, vector<1x16xf32>,
          %swap3A_361 = vector.shape_cast %swap3A_360 : vector<1x16xf32> to vector<16xf32>
          %swap3A_362 = vector.shape_cast %parallel_loop3A_303#13 : vector<16xf32> to vector<1x16xf32>
          tpu.vector_store %arg13[%swap3A_358, %swap3A_359], %swap3A_362 {strides = array<i32>} : memref<8x128xf32, #tpu.memory_space<vmem>>, vector<1x16xf32>,
          %swap3A_363 = arith.index_cast %scan3A_219 : i32 to index
          %swap3A_364 = arith.constant 96 : index
          %swap3A_365 = tpu.vector_load %arg12[%swap3A_363, %swap3A_364] {strides = array<i32>} : memref<8x128xf32, #tpu.memory_space<vmem>>, vector<1x16xf32>,
          %swap3A_366 = vector.shape_cast %swap3A_365 : vector<1x16xf32> to vector<16xf32>
          %swap3A_367 = vector.shape_cast %parallel_loop3A_303#6 : vector<16xf32> to vector<1x16xf32>
          tpu.vector_store %arg12[%swap3A_363, %swap3A_364], %swap3A_367 {strides = array<i32>} : memref<8x128xf32, #tpu.memory_space<vmem>>, vector<1x16xf32>,
          %swap3A_368 = arith.index_cast %scan3A_219 : i32 to index
          %swap3A_369 = arith.constant 96 : index
          %swap3A_370 = tpu.vector_load %arg13[%swap3A_368, %swap3A_369] {strides = array<i32>} : memref<8x128xf32, #tpu.memory_space<vmem>>, vector<1x16xf32>,
          %swap3A_371 = vector.shape_cast %swap3A_370 : vector<1x16xf32> to vector<16xf32>
          %swap3A_372 = vector.shape_cast %parallel_loop3A_303#14 : vector<16xf32> to vector<1x16xf32>
          tpu.vector_store %arg13[%swap3A_368, %swap3A_369], %swap3A_372 {strides = array<i32>} : memref<8x128xf32, #tpu.memory_space<vmem>>, vector<1x16xf32>,
          %swap3A_373 = arith.index_cast %scan3A_219 : i32 to index
          %swap3A_374 = arith.constant 112 : index
          %swap3A_375 = tpu.vector_load %arg12[%swap3A_373, %swap3A_374] {strides = array<i32>} : memref<8x128xf32, #tpu.memory_space<vmem>>, vector<1x16xf32>,
          %swap3A_376 = vector.shape_cast %swap3A_375 : vector<1x16xf32> to vector<16xf32>
          %swap3A_377 = vector.shape_cast %parallel_loop3A_303#7 : vector<16xf32> to vector<1x16xf32>
          tpu.vector_store %arg12[%swap3A_373, %swap3A_374], %swap3A_377 {strides = array<i32>} : memref<8x128xf32, #tpu.memory_space<vmem>>, vector<1x16xf32>,
          %swap3A_378 = arith.index_cast %scan3A_219 : i32 to index
          %swap3A_379 = arith.constant 112 : index
          %swap3A_380 = tpu.vector_load %arg13[%swap3A_378, %swap3A_379] {strides = array<i32>} : memref<8x128xf32, #tpu.memory_space<vmem>>, vector<1x16xf32>,
          %swap3A_381 = vector.shape_cast %swap3A_380 : vector<1x16xf32> to vector<16xf32>
          %swap3A_382 = vector.shape_cast %parallel_loop3A_303#15 : vector<16xf32> to vector<1x16xf32>
          tpu.vector_store %arg13[%swap3A_378, %swap3A_379], %swap3A_382 {strides = array<i32>} : memref<8x128xf32, #tpu.memory_space<vmem>>, vector<1x16xf32>,
        } else {
        }
        %scan3A_238 = arith.constant 0 : i32
        scf.yield %scan3A_238 : i32
      }
      %scan3A_217 = arith.constant 8 : i32
      %while3A_218 = arith.constant 0 : i32
      scf.yield %while3A_218 : i32
    }
    %while3A_146 = arith.constant 1 : i32
    %while3A_147 = scf.for %while3A_155 = %while3A_143 to %while3A_139 step %while3A_146 iter_args(%while3A_156 = %while3A_145) -> (i32)  : i32 {
      %jit3A_157 = arith.constant 2 : i32
      %eq3A_158 = arith.constant 0 : i32
      %eq3A_159 = arith.cmpi eq, %jit3A_157, %eq3A_158 : i32
      %jit3A_160 = arith.constant 1 : i32
      %select_n3A_161 = arith.select %eq3A_159, %jit3A_160, %jit3A_157 : i32
      %rem3A_162 = arith.remsi %while3A_155, %select_n3A_161 : i32
      %ne3A_163 = arith.constant 0 : i32
      %ne3A_164 = arith.cmpi ne, %rem3A_162, %ne3A_163 : i32
      %lt3A_165 = arith.constant 0 : i32
      %lt3A_166 = arith.cmpi slt, %rem3A_162, %lt3A_165 : i32
      %lt3A_167 = arith.constant 0 : i32
      %lt3A_168 = arith.cmpi slt, %select_n3A_161, %lt3A_167 : i32
      %ne3A_169 = arith.xori %lt3A_166, %lt3A_168 : i1
      %and3A_170 = arith.andi %ne3A_169, %ne3A_164 : i1
      %add3A_171 = arith.addi %rem3A_162, %select_n3A_161 : i32
      %select_n3A_172 = arith.select %and3A_170, %add3A_171, %rem3A_162 : i32
      %add3A_173 = arith.constant 1 : i32
      %add3A_174 = arith.addi %while3A_155, %add3A_173 : i32
      %jit3A_175 = arith.constant 2 : i32
      %eq3A_176 = arith.constant 0 : i32
      %eq3A_177 = arith.cmpi eq, %jit3A_175, %eq3A_176 : i32
      %jit3A_178 = arith.constant 1 : i32
      %select_n3A_179 = arith.select %eq3A_177, %jit3A_178, %jit3A_175 : i32
      %rem3A_180 = arith.remsi %add3A_174, %select_n3A_179 : i32
      %ne3A_181 = arith.constant 0 : i32
      %ne3A_182 = arith.cmpi ne, %rem3A_180, %ne3A_181 : i32
      %lt3A_183 = arith.constant 0 : i32
      %lt3A_184 = arith.cmpi slt, %rem3A_180, %lt3A_183 : i32
      %lt3A_185 = arith.constant 0 : i32
      %lt3A_186 = arith.cmpi slt, %select_n3A_179, %lt3A_185 : i32
      %ne3A_187 = arith.xori %lt3A_184, %lt3A_186 : i1
      %and3A_188 = arith.andi %ne3A_187, %ne3A_182 : i1
      %add3A_189 = arith.addi %rem3A_180, %select_n3A_179 : i32
      %select_n3A_190 = arith.select %and3A_188, %add3A_189, %rem3A_180 : i32
      %add3A_191 = arith.constant 1 : i32
      %add3A_192 = arith.addi %while3A_155, %add3A_191 : i32
      %lt3A_193 = arith.cmpi slt, %add3A_192, %select_n3A_95 : i32
      %convert_element_type3A_194 = arith.extui %lt3A_193 : i1 to i32
      %cond3A_195 = arith.constant 0 : i32
      %cond3A_196 = arith.cmpi ne, %convert_element_type3A_194, %cond3A_195 : i32
      scf.if %cond3A_196 {
        %eq3A_219 = arith.constant 0 : i32
        %eq3A_220 = arith.cmpi eq, %select_n3A_190, %eq3A_219 : i32
        %convert_element_type3A_221 = arith.extui %eq3A_220 : i1 to i32
        %cond3A_222 = arith.constant 0 : i32
        %cond3A_223 = arith.cmpi ne, %convert_element_type3A_221, %cond3A_222 : i32
        scf.if %cond3A_223 {
          %add3A_229 = arith.constant 1 : i32
          %add3A_230 = arith.addi %while3A_155, %add3A_229 : i32
          %mul3A_231 = arith.constant 64 : i32
          %mul3A_232 = arith.muli %add3A_230, %mul3A_231 : i32
          %min3A_233 = arith.constant 9936 : i32
          %min3A_234 = arith.minsi %mul3A_232, %min3A_233 : i32
          %multiple_of3A_235 = tpu.assume_multiple %min3A_234, 8 : i32
          %dma_start3A = arith.constant 0 : i32
          %dma_start3A_236 = arith.constant 0 : i32
          %dma_start3A_237 = arith.constant 0 : i32
          %dma_start3A_238 = tpu.memref_slice %arg8[%dma_start3A, %dma_start3A_236, %dma_start3A_237] : memref<2x64x128xf32, #tpu.memory_space<vmem>> -> memref<1x64x128xf32, #tpu.memory_space<vmem>>
          %dma_start3A_239 = tpu.memref_squeeze %dma_start3A_238 : memref<1x64x128xf32, #tpu.memory_space<vmem>> -> memref<64x128xf32, #tpu.memory_space<vmem>>
          %dma_start3A_240 = arith.constant 0 : i32
          %dma_start3A_241 = tpu.memref_slice %arg2[%multiple_of3A_235, %dma_start3A_240] : memref<10000x128xf32, #tpu.memory_space<hbm>> -> memref<64x128xf32, #tpu.memory_space<hbm>>
          %dma_start3A_242 = arith.constant 0 : i32
          %dma_start3A_243 = arith.constant 0 : i32
          %dma_start3A_244 = tpu.memref_slice %arg8[%dma_start3A, %dma_start3A_242, %dma_start3A_243] : memref<2x64x128xf32, #tpu.memory_space<vmem>> -> memref<1x64x128xf32, #tpu.memory_space<vmem>>
          %dma_start3A_245 = tpu.memref_squeeze %dma_start3A_244 : memref<1x64x128xf32, #tpu.memory_space<vmem>> -> memref<64x128xf32, #tpu.memory_space<vmem>>
          %dma_start3A_246 = arith.constant 0 : i32
          %dma_start3A_247 = tpu.memref_slice %arg2[%multiple_of3A_235, %dma_start3A_246] : memref<10000x128xf32, #tpu.memory_space<hbm>> -> memref<64x128xf32, #tpu.memory_space<hbm>>
          tpu.enqueue_dma source(%dma_start3A_247 : memref<64x128xf32, #tpu.memory_space<hbm>>) target(%dma_start3A_245 : memref<64x128xf32, #tpu.memory_space<vmem>>) target_semaphore(%arg15 : memref<!tpu.dma_semaphore, #tpu.memory_space<semaphore_mem>>)
        } else {
        }
        %eq3A_224 = arith.constant 1 : i32
        %eq3A_225 = arith.cmpi eq, %select_n3A_190, %eq3A_224 : i32
        %convert_element_type3A_226 = arith.extui %eq3A_225 : i1 to i32
        %cond3A_227 = arith.constant 0 : i32
        %cond3A_228 = arith.cmpi ne, %convert_element_type3A_226, %cond3A_227 : i32
        scf.if %cond3A_228 {
          %add3A_229 = arith.constant 1 : i32
          %add3A_230 = arith.addi %while3A_155, %add3A_229 : i32
          %mul3A_231 = arith.constant 64 : i32
          %mul3A_232 = arith.muli %add3A_230, %mul3A_231 : i32
          %min3A_233 = arith.constant 9936 : i32
          %min3A_234 = arith.minsi %mul3A_232, %min3A_233 : i32
          %multiple_of3A_235 = tpu.assume_multiple %min3A_234, 8 : i32
          %dma_start3A = arith.constant 1 : i32
          %dma_start3A_236 = arith.constant 0 : i32
          %dma_start3A_237 = arith.constant 0 : i32
          %dma_start3A_238 = tpu.memref_slice %arg8[%dma_start3A, %dma_start3A_236, %dma_start3A_237] : memref<2x64x128xf32, #tpu.memory_space<vmem>> -> memref<1x64x128xf32, #tpu.memory_space<vmem>>
          %dma_start3A_239 = tpu.memref_squeeze %dma_start3A_238 : memref<1x64x128xf32, #tpu.memory_space<vmem>> -> memref<64x128xf32, #tpu.memory_space<vmem>>
          %dma_start3A_240 = arith.constant 0 : i32
          %dma_start3A_241 = tpu.memref_slice %arg2[%multiple_of3A_235, %dma_start3A_240] : memref<10000x128xf32, #tpu.memory_space<hbm>> -> memref<64x128xf32, #tpu.memory_space<hbm>>
          %dma_start3A_242 = arith.constant 0 : i32
          %dma_start3A_243 = arith.constant 0 : i32
          %dma_start3A_244 = tpu.memref_slice %arg8[%dma_start3A, %dma_start3A_242, %dma_start3A_243] : memref<2x64x128xf32, #tpu.memory_space<vmem>> -> memref<1x64x128xf32, #tpu.memory_space<vmem>>
          %dma_start3A_245 = tpu.memref_squeeze %dma_start3A_244 : memref<1x64x128xf32, #tpu.memory_space<vmem>> -> memref<64x128xf32, #tpu.memory_space<vmem>>
          %dma_start3A_246 = arith.constant 0 : i32
          %dma_start3A_247 = tpu.memref_slice %arg2[%multiple_of3A_235, %dma_start3A_246] : memref<10000x128xf32, #tpu.memory_space<hbm>> -> memref<64x128xf32, #tpu.memory_space<hbm>>
          tpu.enqueue_dma source(%dma_start3A_247 : memref<64x128xf32, #tpu.memory_space<hbm>>) target(%dma_start3A_245 : memref<64x128xf32, #tpu.memory_space<vmem>>) target_semaphore(%arg16 : memref<!tpu.dma_semaphore, #tpu.memory_space<semaphore_mem>>)
        } else {
        }
      } else {
      }
      %eq3A_197 = arith.constant 0 : i32
      %eq3A_198 = arith.cmpi eq, %select_n3A_172, %eq3A_197 : i32
      %convert_element_type3A_199 = arith.extui %eq3A_198 : i1 to i32
      %cond3A_200 = arith.constant 0 : i32
      %cond3A_201 = arith.cmpi ne, %convert_element_type3A_199, %cond3A_200 : i32
      scf.if %cond3A_201 {
        %dma_wait3A = arith.constant 0 : i32
        %dma_wait3A_219 = arith.constant 0 : i32
        %dma_wait3A_220 = arith.constant 0 : i32
        %dma_wait3A_221 = tpu.memref_slice %arg8[%dma_wait3A, %dma_wait3A_219, %dma_wait3A_220] : memref<2x64x128xf32, #tpu.memory_space<vmem>> -> memref<1x64x128xf32, #tpu.memory_space<vmem>>
        %dma_wait3A_222 = tpu.memref_squeeze %dma_wait3A_221 : memref<1x64x128xf32, #tpu.memory_space<vmem>> -> memref<64x128xf32, #tpu.memory_space<vmem>>
        %dma_wait3A_223 = arith.constant 0 : i32
        %dma_wait3A_224 = arith.constant 0 : i32
        %dma_wait3A_225 = tpu.memref_slice %arg2[%dma_wait3A_223, %dma_wait3A_224] : memref<10000x128xf32, #tpu.memory_space<hbm>> -> memref<64x128xf32, #tpu.memory_space<hbm>>
        %dma_wait3A_226 = arith.constant 0 : i32
        %dma_wait3A_227 = arith.constant 0 : i32
        %dma_wait3A_228 = tpu.memref_slice %arg8[%dma_wait3A, %dma_wait3A_226, %dma_wait3A_227] : memref<2x64x128xf32, #tpu.memory_space<vmem>> -> memref<1x64x128xf32, #tpu.memory_space<vmem>>
        %dma_wait3A_229 = tpu.memref_squeeze %dma_wait3A_228 : memref<1x64x128xf32, #tpu.memory_space<vmem>> -> memref<64x128xf32, #tpu.memory_space<vmem>>
        %dma_wait3A_230 = arith.constant 0 : i32
        %dma_wait3A_231 = arith.constant 0 : i32
        %dma_wait3A_232 = tpu.memref_slice %arg2[%dma_wait3A_230, %dma_wait3A_231] : memref<10000x128xf32, #tpu.memory_space<hbm>> -> memref<64x128xf32, #tpu.memory_space<hbm>>
        tpu.wait_dma2 semaphore(%arg15 : memref<!tpu.dma_semaphore, #tpu.memory_space<semaphore_mem>>) src(%dma_wait3A_232 : memref<64x128xf32, #tpu.memory_space<hbm>>) dst(%dma_wait3A_229 : memref<64x128xf32, #tpu.memory_space<vmem>>)
      } else {
      }
      %eq3A_202 = arith.constant 1 : i32
      %eq3A_203 = arith.cmpi eq, %select_n3A_172, %eq3A_202 : i32
      %convert_element_type3A_204 = arith.extui %eq3A_203 : i1 to i32
      %cond3A_205 = arith.constant 0 : i32
      %cond3A_206 = arith.cmpi ne, %convert_element_type3A_204, %cond3A_205 : i32
      scf.if %cond3A_206 {
        %dma_wait3A = arith.constant 1 : i32
        %dma_wait3A_219 = arith.constant 0 : i32
        %dma_wait3A_220 = arith.constant 0 : i32
        %dma_wait3A_221 = tpu.memref_slice %arg8[%dma_wait3A, %dma_wait3A_219, %dma_wait3A_220] : memref<2x64x128xf32, #tpu.memory_space<vmem>> -> memref<1x64x128xf32, #tpu.memory_space<vmem>>
        %dma_wait3A_222 = tpu.memref_squeeze %dma_wait3A_221 : memref<1x64x128xf32, #tpu.memory_space<vmem>> -> memref<64x128xf32, #tpu.memory_space<vmem>>
        %dma_wait3A_223 = arith.constant 0 : i32
        %dma_wait3A_224 = arith.constant 0 : i32
        %dma_wait3A_225 = tpu.memref_slice %arg2[%dma_wait3A_223, %dma_wait3A_224] : memref<10000x128xf32, #tpu.memory_space<hbm>> -> memref<64x128xf32, #tpu.memory_space<hbm>>
        %dma_wait3A_226 = arith.constant 0 : i32
        %dma_wait3A_227 = arith.constant 0 : i32
        %dma_wait3A_228 = tpu.memref_slice %arg8[%dma_wait3A, %dma_wait3A_226, %dma_wait3A_227] : memref<2x64x128xf32, #tpu.memory_space<vmem>> -> memref<1x64x128xf32, #tpu.memory_space<vmem>>
        %dma_wait3A_229 = tpu.memref_squeeze %dma_wait3A_228 : memref<1x64x128xf32, #tpu.memory_space<vmem>> -> memref<64x128xf32, #tpu.memory_space<vmem>>
        %dma_wait3A_230 = arith.constant 0 : i32
        %dma_wait3A_231 = arith.constant 0 : i32
        %dma_wait3A_232 = tpu.memref_slice %arg2[%dma_wait3A_230, %dma_wait3A_231] : memref<10000x128xf32, #tpu.memory_space<hbm>> -> memref<64x128xf32, #tpu.memory_space<hbm>>
        tpu.wait_dma2 semaphore(%arg16 : memref<!tpu.dma_semaphore, #tpu.memory_space<semaphore_mem>>) src(%dma_wait3A_232 : memref<64x128xf32, #tpu.memory_space<hbm>>) dst(%dma_wait3A_229 : memref<64x128xf32, #tpu.memory_space<vmem>>)
      } else {
      }
      %mul3A_207 = arith.constant 64 : i32
      %mul3A_208 = arith.muli %while3A_155, %mul3A_207 : i32
      %min3A = arith.constant 9936 : i32
      %min3A_209 = arith.minsi %mul3A_208, %min3A : i32
      %multiple_of3A_210 = tpu.assume_multiple %min3A_209, 8 : i32
      %scan3A_211 = arith.constant 0 : i32
      %scan3A_212 = arith.constant 0 : i32
      %scan3A_213 = arith.constant 8 : i32
      %scan3A_214 = arith.addi %scan3A_212, %scan3A_213 : i32
      %scan3A_215 = arith.constant 1 : i32
      %scan3A_216 = scf.for %scan3A_219 = %scan3A_212 to %scan3A_214 step %scan3A_215 iter_args(%scan3A_220 = %scan3A_211) -> (i32)  : i32 {
        %get3A_221 = arith.index_cast %scan3A_219 : i32 to index
        %get3A_222 = memref.load %arg14[%get3A_221] : memref<9xi32, #tpu.memory_space<smem>>
        %mul3A_223 = arith.constant 64 : i32
        %mul3A_224 = arith.muli %while3A_155, %mul3A_223 : i32
        %max3A = arith.maxsi %get3A_222, %mul3A_224 : i32
        %add3A_225 = arith.constant 1 : i32
        %add3A_226 = arith.addi %scan3A_219, %add3A_225 : i32
        %get3A_227 = arith.index_cast %add3A_226 : i32 to index
        %get3A_228 = memref.load %arg14[%get3A_227] : memref<9xi32, #tpu.memory_space<smem>>
        %add3A_229 = arith.constant 1 : i32
        %add3A_230 = arith.addi %while3A_155, %add3A_229 : i32
        %mul3A_231 = arith.constant 64 : i32
        %mul3A_232 = arith.muli %add3A_230, %mul3A_231 : i32
        %min3A_233 = arith.minsi %get3A_228, %mul3A_232 : i32
        %gt3A_234 = arith.cmpi sgt, %min3A_233, %max3A : i32
        %convert_element_type3A_235 = arith.extui %gt3A_234 : i1 to i32
        %cond3A_236 = arith.constant 0 : i32
        %cond3A_237 = arith.cmpi ne, %convert_element_type3A_235, %cond3A_236 : i32
        scf.if %cond3A_237 {
          %get3A_239 = arith.index_cast %scan3A_219 : i32 to index
          %get3A_240 = arith.constant 0 : index
          %get3A_241 = tpu.vector_load %arg12[%get3A_239, %get3A_240] {strides = array<i32>} : memref<8x128xf32, #tpu.memory_space<vmem>>, vector<1x16xf32>,
          %get3A_242 = vector.shape_cast %get3A_241 : vector<1x16xf32> to vector<16xf32>
          %get3A_243 = arith.index_cast %scan3A_219 : i32 to index
          %get3A_244 = arith.constant 16 : index
          %get3A_245 = tpu.vector_load %arg12[%get3A_243, %get3A_244] {strides = array<i32>} : memref<8x128xf32, #tpu.memory_space<vmem>>, vector<1x16xf32>,
          %get3A_246 = vector.shape_cast %get3A_245 : vector<1x16xf32> to vector<16xf32>
          %get3A_247 = arith.index_cast %scan3A_219 : i32 to index
          %get3A_248 = arith.constant 32 : index
          %get3A_249 = tpu.vector_load %arg12[%get3A_247, %get3A_248] {strides = array<i32>} : memref<8x128xf32, #tpu.memory_space<vmem>>, vector<1x16xf32>,
          %get3A_250 = vector.shape_cast %get3A_249 : vector<1x16xf32> to vector<16xf32>
          %get3A_251 = arith.index_cast %scan3A_219 : i32 to index
          %get3A_252 = arith.constant 48 : index
          %get3A_253 = tpu.vector_load %arg12[%get3A_251, %get3A_252] {strides = array<i32>} : memref<8x128xf32, #tpu.memory_space<vmem>>, vector<1x16xf32>,
          %get3A_254 = vector.shape_cast %get3A_253 : vector<1x16xf32> to vector<16xf32>
          %get3A_255 = arith.index_cast %scan3A_219 : i32 to index
          %get3A_256 = arith.constant 64 : index
          %get3A_257 = tpu.vector_load %arg12[%get3A_255, %get3A_256] {strides = array<i32>} : memref<8x128xf32, #tpu.memory_space<vmem>>, vector<1x16xf32>,
          %get3A_258 = vector.shape_cast %get3A_257 : vector<1x16xf32> to vector<16xf32>
          %get3A_259 = arith.index_cast %scan3A_219 : i32 to index
          %get3A_260 = arith.constant 80 : index
          %get3A_261 = tpu.vector_load %arg12[%get3A_259, %get3A_260] {strides = array<i32>} : memref<8x128xf32, #tpu.memory_space<vmem>>, vector<1x16xf32>,
          %get3A_262 = vector.shape_cast %get3A_261 : vector<1x16xf32> to vector<16xf32>
          %get3A_263 = arith.index_cast %scan3A_219 : i32 to index
          %get3A_264 = arith.constant 96 : index
          %get3A_265 = tpu.vector_load %arg12[%get3A_263, %get3A_264] {strides = array<i32>} : memref<8x128xf32, #tpu.memory_space<vmem>>, vector<1x16xf32>,
          %get3A_266 = vector.shape_cast %get3A_265 : vector<1x16xf32> to vector<16xf32>
          %get3A_267 = arith.index_cast %scan3A_219 : i32 to index
          %get3A_268 = arith.constant 112 : index
          %get3A_269 = tpu.vector_load %arg12[%get3A_267, %get3A_268] {strides = array<i32>} : memref<8x128xf32, #tpu.memory_space<vmem>>, vector<1x16xf32>,
          %get3A_270 = vector.shape_cast %get3A_269 : vector<1x16xf32> to vector<16xf32>
          %get3A_271 = arith.index_cast %scan3A_219 : i32 to index
          %get3A_272 = arith.constant 0 : index
          %get3A_273 = tpu.vector_load %arg13[%get3A_271, %get3A_272] {strides = array<i32>} : memref<8x128xf32, #tpu.memory_space<vmem>>, vector<1x16xf32>,
          %get3A_274 = vector.shape_cast %get3A_273 : vector<1x16xf32> to vector<16xf32>
          %get3A_275 = arith.index_cast %scan3A_219 : i32 to index
          %get3A_276 = arith.constant 16 : index
          %get3A_277 = tpu.vector_load %arg13[%get3A_275, %get3A_276] {strides = array<i32>} : memref<8x128xf32, #tpu.memory_space<vmem>>, vector<1x16xf32>,
          %get3A_278 = vector.shape_cast %get3A_277 : vector<1x16xf32> to vector<16xf32>
          %get3A_279 = arith.index_cast %scan3A_219 : i32 to index
          %get3A_280 = arith.constant 32 : index
          %get3A_281 = tpu.vector_load %arg13[%get3A_279, %get3A_280] {strides = array<i32>} : memref<8x128xf32, #tpu.memory_space<vmem>>, vector<1x16xf32>,
          %get3A_282 = vector.shape_cast %get3A_281 : vector<1x16xf32> to vector<16xf32>
          %get3A_283 = arith.index_cast %scan3A_219 : i32 to index
          %get3A_284 = arith.constant 48 : index
          %get3A_285 = tpu.vector_load %arg13[%get3A_283, %get3A_284] {strides = array<i32>} : memref<8x128xf32, #tpu.memory_space<vmem>>, vector<1x16xf32>,
          %get3A_286 = vector.shape_cast %get3A_285 : vector<1x16xf32> to vector<16xf32>
          %get3A_287 = arith.index_cast %scan3A_219 : i32 to index
          %get3A_288 = arith.constant 64 : index
          %get3A_289 = tpu.vector_load %arg13[%get3A_287, %get3A_288] {strides = array<i32>} : memref<8x128xf32, #tpu.memory_space<vmem>>, vector<1x16xf32>,
          %get3A_290 = vector.shape_cast %get3A_289 : vector<1x16xf32> to vector<16xf32>
          %get3A_291 = arith.index_cast %scan3A_219 : i32 to index
          %get3A_292 = arith.constant 80 : index
          %get3A_293 = tpu.vector_load %arg13[%get3A_291, %get3A_292] {strides = array<i32>} : memref<8x128xf32, #tpu.memory_space<vmem>>, vector<1x16xf32>,
          %get3A_294 = vector.shape_cast %get3A_293 : vector<1x16xf32> to vector<16xf32>
          %get3A_295 = arith.index_cast %scan3A_219 : i32 to index
          %get3A_296 = arith.constant 96 : index
          %get3A_297 = tpu.vector_load %arg13[%get3A_295, %get3A_296] {strides = array<i32>} : memref<8x128xf32, #tpu.memory_space<vmem>>, vector<1x16xf32>,
          %get3A_298 = vector.shape_cast %get3A_297 : vector<1x16xf32> to vector<16xf32>
          %get3A_299 = arith.index_cast %scan3A_219 : i32 to index
          %get3A_300 = arith.constant 112 : index
          %get3A_301 = tpu.vector_load %arg13[%get3A_299, %get3A_300] {strides = array<i32>} : memref<8x128xf32, #tpu.memory_space<vmem>>, vector<1x16xf32>,
          %get3A_302 = vector.shape_cast %get3A_301 : vector<1x16xf32> to vector<16xf32>
          %parallel_loop3A = arith.constant 1 : i32
          %parallel_loop3A_303:16 = scf.for %parallel_loop3A_383 = %max3A to %min3A_233 step %parallel_loop3A iter_args(%parallel_loop3A_384 = %get3A_242, %parallel_loop3A_385 = %get3A_246, %parallel_loop3A_386 = %get3A_250, %parallel_loop3A_387 = %get3A_254, %parallel_loop3A_388 = %get3A_258, %parallel_loop3A_389 = %get3A_262, %parallel_loop3A_390 = %get3A_266, %parallel_loop3A_391 = %get3A_270, %parallel_loop3A_392 = %get3A_274, %parallel_loop3A_393 = %get3A_278, %parallel_loop3A_394 = %get3A_282, %parallel_loop3A_395 = %get3A_286, %parallel_loop3A_396 = %get3A_290, %parallel_loop3A_397 = %get3A_294, %parallel_loop3A_398 = %get3A_298, %parallel_loop3A_399 = %get3A_302) -> (vector<16xf32>, vector<16xf32>, vector<16xf32>, vector<16xf32>, vector<16xf32>, vector<16xf32>, vector<16xf32>, vector<16xf32>, vector<16xf32>, vector<16xf32>, vector<16xf32>, vector<16xf32>, vector<16xf32>, vector<16xf32>, vector<16xf32>, vector<16xf32>)  : i32 {
            %parallel_loop3A_400 = arith.subi %parallel_loop3A_383, %multiple_of3A_210 : i32
            %parallel_loop3A_401 = arith.index_cast %select_n3A_172 : i32 to index
            %parallel_loop3A_402 = arith.index_cast %parallel_loop3A_400 : i32 to index
            %parallel_loop3A_403 = arith.constant 0 : index
            %parallel_loop3A_404 = tpu.vector_load %arg8[%parallel_loop3A_401, %parallel_loop3A_402, %parallel_loop3A_403] {strides = array<i32>} : memref<2x64x128xf32, #tpu.memory_space<vmem>>, vector<1x1x16xf32>,
            %parallel_loop3A_405 = vector.shape_cast %parallel_loop3A_404 : vector<1x1x16xf32> to vector<16xf32>
            %parallel_loop3A_406 = arith.index_cast %select_n3A_172 : i32 to index
            %parallel_loop3A_407 = arith.index_cast %parallel_loop3A_400 : i32 to index
            %parallel_loop3A_408 = arith.constant 16 : index
            %parallel_loop3A_409 = tpu.vector_load %arg8[%parallel_loop3A_406, %parallel_loop3A_407, %parallel_loop3A_408] {strides = array<i32>} : memref<2x64x128xf32, #tpu.memory_space<vmem>>, vector<1x1x16xf32>,
            %parallel_loop3A_410 = vector.shape_cast %parallel_loop3A_409 : vector<1x1x16xf32> to vector<16xf32>
            %parallel_loop3A_411 = arith.index_cast %select_n3A_172 : i32 to index
            %parallel_loop3A_412 = arith.index_cast %parallel_loop3A_400 : i32 to index
            %parallel_loop3A_413 = arith.constant 32 : index
            %parallel_loop3A_414 = tpu.vector_load %arg8[%parallel_loop3A_411, %parallel_loop3A_412, %parallel_loop3A_413] {strides = array<i32>} : memref<2x64x128xf32, #tpu.memory_space<vmem>>, vector<1x1x16xf32>,
            %parallel_loop3A_415 = vector.shape_cast %parallel_loop3A_414 : vector<1x1x16xf32> to vector<16xf32>
            %parallel_loop3A_416 = arith.index_cast %select_n3A_172 : i32 to index
            %parallel_loop3A_417 = arith.index_cast %parallel_loop3A_400 : i32 to index
            %parallel_loop3A_418 = arith.constant 48 : index
            %parallel_loop3A_419 = tpu.vector_load %arg8[%parallel_loop3A_416, %parallel_loop3A_417, %parallel_loop3A_418] {strides = array<i32>} : memref<2x64x128xf32, #tpu.memory_space<vmem>>, vector<1x1x16xf32>,
            %parallel_loop3A_420 = vector.shape_cast %parallel_loop3A_419 : vector<1x1x16xf32> to vector<16xf32>
            %parallel_loop3A_421 = arith.index_cast %select_n3A_172 : i32 to index
            %parallel_loop3A_422 = arith.index_cast %parallel_loop3A_400 : i32 to index
            %parallel_loop3A_423 = arith.constant 64 : index
            %parallel_loop3A_424 = tpu.vector_load %arg8[%parallel_loop3A_421, %parallel_loop3A_422, %parallel_loop3A_423] {strides = array<i32>} : memref<2x64x128xf32, #tpu.memory_space<vmem>>, vector<1x1x16xf32>,
            %parallel_loop3A_425 = vector.shape_cast %parallel_loop3A_424 : vector<1x1x16xf32> to vector<16xf32>
            %parallel_loop3A_426 = arith.index_cast %select_n3A_172 : i32 to index
            %parallel_loop3A_427 = arith.index_cast %parallel_loop3A_400 : i32 to index
            %parallel_loop3A_428 = arith.constant 80 : index
            %parallel_loop3A_429 = tpu.vector_load %arg8[%parallel_loop3A_426, %parallel_loop3A_427, %parallel_loop3A_428] {strides = array<i32>} : memref<2x64x128xf32, #tpu.memory_space<vmem>>, vector<1x1x16xf32>,
            %parallel_loop3A_430 = vector.shape_cast %parallel_loop3A_429 : vector<1x1x16xf32> to vector<16xf32>
            %parallel_loop3A_431 = arith.index_cast %select_n3A_172 : i32 to index
            %parallel_loop3A_432 = arith.index_cast %parallel_loop3A_400 : i32 to index
            %parallel_loop3A_433 = arith.constant 96 : index
            %parallel_loop3A_434 = tpu.vector_load %arg8[%parallel_loop3A_431, %parallel_loop3A_432, %parallel_loop3A_433] {strides = array<i32>} : memref<2x64x128xf32, #tpu.memory_space<vmem>>, vector<1x1x16xf32>,
            %parallel_loop3A_435 = vector.shape_cast %parallel_loop3A_434 : vector<1x1x16xf32> to vector<16xf32>
            %parallel_loop3A_436 = arith.index_cast %select_n3A_172 : i32 to index
            %parallel_loop3A_437 = arith.index_cast %parallel_loop3A_400 : i32 to index
            %parallel_loop3A_438 = arith.constant 112 : index
            %parallel_loop3A_439 = tpu.vector_load %arg8[%parallel_loop3A_436, %parallel_loop3A_437, %parallel_loop3A_438] {strides = array<i32>} : memref<2x64x128xf32, #tpu.memory_space<vmem>>, vector<1x1x16xf32>,
            %parallel_loop3A_440 = vector.shape_cast %parallel_loop3A_439 : vector<1x1x16xf32> to vector<16xf32>
            %parallel_loop3A_441 = arith.mulf %parallel_loop3A_405, %get3A_4 : vector<16xf32>
            %parallel_loop3A_442 = arith.mulf %parallel_loop3A_410, %get3A_7 : vector<16xf32>
            %parallel_loop3A_443 = arith.addf %parallel_loop3A_441, %parallel_loop3A_442 : vector<16xf32>
            %parallel_loop3A_444 = arith.mulf %parallel_loop3A_415, %get3A_10 : vector<16xf32>
            %parallel_loop3A_445 = arith.addf %parallel_loop3A_443, %parallel_loop3A_444 : vector<16xf32>
            %parallel_loop3A_446 = arith.mulf %parallel_loop3A_420, %get3A_13 : vector<16xf32>
            %parallel_loop3A_447 = arith.addf %parallel_loop3A_445, %parallel_loop3A_446 : vector<16xf32>
            %parallel_loop3A_448 = arith.mulf %parallel_loop3A_425, %get3A_16 : vector<16xf32>
            %parallel_loop3A_449 = arith.addf %parallel_loop3A_447, %parallel_loop3A_448 : vector<16xf32>
            %parallel_loop3A_450 = arith.mulf %parallel_loop3A_430, %get3A_19 : vector<16xf32>
            %parallel_loop3A_451 = arith.addf %parallel_loop3A_449, %parallel_loop3A_450 : vector<16xf32>
            %parallel_loop3A_452 = arith.mulf %parallel_loop3A_435, %get3A_22 : vector<16xf32>
            %parallel_loop3A_453 = arith.addf %parallel_loop3A_451, %parallel_loop3A_452 : vector<16xf32>
            %parallel_loop3A_454 = arith.mulf %parallel_loop3A_440, %get3A_25 : vector<16xf32>
            %parallel_loop3A_455 = arith.addf %parallel_loop3A_453, %parallel_loop3A_454 : vector<16xf32>
            %parallel_loop3A_456 = tpu.iota {dimensions = array<i32: 0>} : vector<16xi32>
            %parallel_loop3A_457 = arith.constant 8 : i32
            %parallel_loop3A_458 = vector.broadcast %parallel_loop3A_457 : i32 to vector<16xi32>
            %parallel_loop3A_459 = arith.xori %parallel_loop3A_456, %parallel_loop3A_458 : vector<16xi32>
            %parallel_loop3A_460 = arith.constant 0 : i32
            %parallel_loop3A_461 = vector.broadcast %parallel_loop3A_460 : i32 to vector<16xi32>
            %parallel_loop3A_462 = arith.cmpi slt, %parallel_loop3A_459, %parallel_loop3A_461 : vector<16xi32>
            %parallel_loop3A_463 = arith.constant 16 : i32
            %parallel_loop3A_464 = vector.broadcast %parallel_loop3A_463 : i32 to vector<16xi32>
            %parallel_loop3A_465 = arith.addi %parallel_loop3A_459, %parallel_loop3A_464 : vector<16xi32>
            %parallel_loop3A_466 = arith.select %parallel_loop3A_462, %parallel_loop3A_465, %parallel_loop3A_459 : vector<16xi1>, vector<16xi32>
            %parallel_loop3A_467 = vector.shape_cast %parallel_loop3A_466 : vector<16xi32> to vector<16x1xi32>
            %parallel_loop3A_468 = vector.shape_cast %parallel_loop3A_467 : vector<16x1xi32> to vector<16xi32>
            %parallel_loop3A_469 = tpu.dynamic_gather %parallel_loop3A_455[%parallel_loop3A_468] in [0] : vector<16xf32>, vector<16xi32> -> vector<16xf32>
            %parallel_loop3A_470 = arith.addf %parallel_loop3A_455, %parallel_loop3A_469 : vector<16xf32>
            %parallel_loop3A_471 = tpu.iota {dimensions = array<i32: 0>} : vector<16xi32>
            %parallel_loop3A_472 = arith.constant 4 : i32
            %parallel_loop3A_473 = vector.broadcast %parallel_loop3A_472 : i32 to vector<16xi32>
            %parallel_loop3A_474 = arith.xori %parallel_loop3A_471, %parallel_loop3A_473 : vector<16xi32>
            %parallel_loop3A_475 = arith.constant 0 : i32
            %parallel_loop3A_476 = vector.broadcast %parallel_loop3A_475 : i32 to vector<16xi32>
            %parallel_loop3A_477 = arith.cmpi slt, %parallel_loop3A_474, %parallel_loop3A_476 : vector<16xi32>
            %parallel_loop3A_478 = arith.constant 16 : i32
            %parallel_loop3A_479 = vector.broadcast %parallel_loop3A_478 : i32 to vector<16xi32>
            %parallel_loop3A_480 = arith.addi %parallel_loop3A_474, %parallel_loop3A_479 : vector<16xi32>
            %parallel_loop3A_481 = arith.select %parallel_loop3A_477, %parallel_loop3A_480, %parallel_loop3A_474 : vector<16xi1>, vector<16xi32>
            %parallel_loop3A_482 = vector.shape_cast %parallel_loop3A_481 : vector<16xi32> to vector<16x1xi32>
            %parallel_loop3A_483 = vector.shape_cast %parallel_loop3A_482 : vector<16x1xi32> to vector<16xi32>
            %parallel_loop3A_484 = tpu.dynamic_gather %parallel_loop3A_470[%parallel_loop3A_483] in [0] : vector<16xf32>, vector<16xi32> -> vector<16xf32>
            %parallel_loop3A_485 = arith.addf %parallel_loop3A_470, %parallel_loop3A_484 : vector<16xf32>
            %parallel_loop3A_486 = tpu.iota {dimensions = array<i32: 0>} : vector<16xi32>
            %parallel_loop3A_487 = arith.constant 2 : i32
            %parallel_loop3A_488 = vector.broadcast %parallel_loop3A_487 : i32 to vector<16xi32>
            %parallel_loop3A_489 = arith.xori %parallel_loop3A_486, %parallel_loop3A_488 : vector<16xi32>
            %parallel_loop3A_490 = arith.constant 0 : i32
            %parallel_loop3A_491 = vector.broadcast %parallel_loop3A_490 : i32 to vector<16xi32>
            %parallel_loop3A_492 = arith.cmpi slt, %parallel_loop3A_489, %parallel_loop3A_491 : vector<16xi32>
            %parallel_loop3A_493 = arith.constant 16 : i32
            %parallel_loop3A_494 = vector.broadcast %parallel_loop3A_493 : i32 to vector<16xi32>
            %parallel_loop3A_495 = arith.addi %parallel_loop3A_489, %parallel_loop3A_494 : vector<16xi32>
            %parallel_loop3A_496 = arith.select %parallel_loop3A_492, %parallel_loop3A_495, %parallel_loop3A_489 : vector<16xi1>, vector<16xi32>
            %parallel_loop3A_497 = vector.shape_cast %parallel_loop3A_496 : vector<16xi32> to vector<16x1xi32>
            %parallel_loop3A_498 = vector.shape_cast %parallel_loop3A_497 : vector<16x1xi32> to vector<16xi32>
            %parallel_loop3A_499 = tpu.dynamic_gather %parallel_loop3A_485[%parallel_loop3A_498] in [0] : vector<16xf32>, vector<16xi32> -> vector<16xf32>
            %parallel_loop3A_500 = arith.addf %parallel_loop3A_485, %parallel_loop3A_499 : vector<16xf32>
            %parallel_loop3A_501 = tpu.iota {dimensions = array<i32: 0>} : vector<16xi32>
            %parallel_loop3A_502 = arith.constant 1 : i32
            %parallel_loop3A_503 = vector.broadcast %parallel_loop3A_502 : i32 to vector<16xi32>
            %parallel_loop3A_504 = arith.xori %parallel_loop3A_501, %parallel_loop3A_503 : vector<16xi32>
            %parallel_loop3A_505 = arith.constant 0 : i32
            %parallel_loop3A_506 = vector.broadcast %parallel_loop3A_505 : i32 to vector<16xi32>
            %parallel_loop3A_507 = arith.cmpi slt, %parallel_loop3A_504, %parallel_loop3A_506 : vector<16xi32>
            %parallel_loop3A_508 = arith.constant 16 : i32
            %parallel_loop3A_509 = vector.broadcast %parallel_loop3A_508 : i32 to vector<16xi32>
            %parallel_loop3A_510 = arith.addi %parallel_loop3A_504, %parallel_loop3A_509 : vector<16xi32>
            %parallel_loop3A_511 = arith.select %parallel_loop3A_507, %parallel_loop3A_510, %parallel_loop3A_504 : vector<16xi1>, vector<16xi32>
            %parallel_loop3A_512 = vector.shape_cast %parallel_loop3A_511 : vector<16xi32> to vector<16x1xi32>
            %parallel_loop3A_513 = vector.shape_cast %parallel_loop3A_512 : vector<16x1xi32> to vector<16xi32>
            %parallel_loop3A_514 = tpu.dynamic_gather %parallel_loop3A_500[%parallel_loop3A_513] in [0] : vector<16xf32>, vector<16xi32> -> vector<16xf32>
            %parallel_loop3A_515 = arith.addf %parallel_loop3A_500, %parallel_loop3A_514 : vector<16xf32>
            %parallel_loop3A_516 = arith.addf %parallel_loop3A_515, %get3A_28 : vector<16xf32>
            %parallel_loop3A_517 = arith.constant 0.000000e+00 : f32
            %parallel_loop3A_518 = vector.broadcast %parallel_loop3A_517 : f32 to vector<16xf32>
            %parallel_loop3A_519 = arith.subf %parallel_loop3A_518, %parallel_loop3A_516 : vector<16xf32>
            %parallel_loop3A_520 = math.exp %parallel_loop3A_519 : vector<16xf32>
            %parallel_loop3A_521 = arith.constant 1.000000e+00 : f32
            %parallel_loop3A_522 = vector.broadcast %parallel_loop3A_521 : f32 to vector<16xf32>
            %parallel_loop3A_523 = arith.addf %parallel_loop3A_522, %parallel_loop3A_520 : vector<16xf32>
            %parallel_loop3A_524 = arith.constant 1.000000e+00 : f32
            %parallel_loop3A_525 = vector.broadcast %parallel_loop3A_524 : f32 to vector<16xf32>
            %parallel_loop3A_526 = arith.divf %parallel_loop3A_525, %parallel_loop3A_523 : vector<16xf32>
            %parallel_loop3A_527 = arith.mulf %parallel_loop3A_405, %parallel_loop3A_526 : vector<16xf32>
            %parallel_loop3A_528 = arith.addf %parallel_loop3A_384, %parallel_loop3A_527 : vector<16xf32>
            %parallel_loop3A_529 = arith.mulf %parallel_loop3A_410, %parallel_loop3A_526 : vector<16xf32>
            %parallel_loop3A_530 = arith.addf %parallel_loop3A_385, %parallel_loop3A_529 : vector<16xf32>
            %parallel_loop3A_531 = arith.mulf %parallel_loop3A_415, %parallel_loop3A_526 : vector<16xf32>
            %parallel_loop3A_532 = arith.addf %parallel_loop3A_386, %parallel_loop3A_531 : vector<16xf32>
            %parallel_loop3A_533 = arith.mulf %parallel_loop3A_420, %parallel_loop3A_526 : vector<16xf32>
            %parallel_loop3A_534 = arith.addf %parallel_loop3A_387, %parallel_loop3A_533 : vector<16xf32>
            %parallel_loop3A_535 = arith.mulf %parallel_loop3A_425, %parallel_loop3A_526 : vector<16xf32>
            %parallel_loop3A_536 = arith.addf %parallel_loop3A_388, %parallel_loop3A_535 : vector<16xf32>
            %parallel_loop3A_537 = arith.mulf %parallel_loop3A_430, %parallel_loop3A_526 : vector<16xf32>
            %parallel_loop3A_538 = arith.addf %parallel_loop3A_389, %parallel_loop3A_537 : vector<16xf32>
            %parallel_loop3A_539 = arith.mulf %parallel_loop3A_435, %parallel_loop3A_526 : vector<16xf32>
            %parallel_loop3A_540 = arith.addf %parallel_loop3A_390, %parallel_loop3A_539 : vector<16xf32>
            %parallel_loop3A_541 = arith.mulf %parallel_loop3A_440, %parallel_loop3A_526 : vector<16xf32>
            %parallel_loop3A_542 = arith.addf %parallel_loop3A_391, %parallel_loop3A_541 : vector<16xf32>
            %parallel_loop3A_543 = arith.maximumf %parallel_loop3A_392, %parallel_loop3A_405 : vector<16xf32>
            %parallel_loop3A_544 = arith.maximumf %parallel_loop3A_393, %parallel_loop3A_410 : vector<16xf32>
            %parallel_loop3A_545 = arith.maximumf %parallel_loop3A_394, %parallel_loop3A_415 : vector<16xf32>
            %parallel_loop3A_546 = arith.maximumf %parallel_loop3A_395, %parallel_loop3A_420 : vector<16xf32>
            %parallel_loop3A_547 = arith.maximumf %parallel_loop3A_396, %parallel_loop3A_425 : vector<16xf32>
            %parallel_loop3A_548 = arith.maximumf %parallel_loop3A_397, %parallel_loop3A_430 : vector<16xf32>
            %parallel_loop3A_549 = arith.maximumf %parallel_loop3A_398, %parallel_loop3A_435 : vector<16xf32>
            %parallel_loop3A_550 = arith.maximumf %parallel_loop3A_399, %parallel_loop3A_440 : vector<16xf32>
            scf.yield %parallel_loop3A_528, %parallel_loop3A_530, %parallel_loop3A_532, %parallel_loop3A_534, %parallel_loop3A_536, %parallel_loop3A_538, %parallel_loop3A_540, %parallel_loop3A_542, %parallel_loop3A_543, %parallel_loop3A_544, %parallel_loop3A_545, %parallel_loop3A_546, %parallel_loop3A_547, %parallel_loop3A_548, %parallel_loop3A_549, %parallel_loop3A_550 : vector<16xf32>, vector<16xf32>, vector<16xf32>, vector<16xf32>, vector<16xf32>, vector<16xf32>, vector<16xf32>, vector<16xf32>, vector<16xf32>, vector<16xf32>, vector<16xf32>, vector<16xf32>, vector<16xf32>, vector<16xf32>, vector<16xf32>, vector<16xf32>
          } {sc.loop_unroll_factor = 1 : i64, sc.parallel_access}
          %swap3A = arith.index_cast %scan3A_219 : i32 to index
          %swap3A_304 = arith.constant 0 : index
          %swap3A_305 = tpu.vector_load %arg12[%swap3A, %swap3A_304] {strides = array<i32>} : memref<8x128xf32, #tpu.memory_space<vmem>>, vector<1x16xf32>,
          %swap3A_306 = vector.shape_cast %swap3A_305 : vector<1x16xf32> to vector<16xf32>
          %swap3A_307 = vector.shape_cast %parallel_loop3A_303#0 : vector<16xf32> to vector<1x16xf32>
          tpu.vector_store %arg12[%swap3A, %swap3A_304], %swap3A_307 {strides = array<i32>} : memref<8x128xf32, #tpu.memory_space<vmem>>, vector<1x16xf32>,
          %swap3A_308 = arith.index_cast %scan3A_219 : i32 to index
          %swap3A_309 = arith.constant 0 : index
          %swap3A_310 = tpu.vector_load %arg13[%swap3A_308, %swap3A_309] {strides = array<i32>} : memref<8x128xf32, #tpu.memory_space<vmem>>, vector<1x16xf32>,
          %swap3A_311 = vector.shape_cast %swap3A_310 : vector<1x16xf32> to vector<16xf32>
          %swap3A_312 = vector.shape_cast %parallel_loop3A_303#8 : vector<16xf32> to vector<1x16xf32>
          tpu.vector_store %arg13[%swap3A_308, %swap3A_309], %swap3A_312 {strides = array<i32>} : memref<8x128xf32, #tpu.memory_space<vmem>>, vector<1x16xf32>,
          %swap3A_313 = arith.index_cast %scan3A_219 : i32 to index
          %swap3A_314 = arith.constant 16 : index
          %swap3A_315 = tpu.vector_load %arg12[%swap3A_313, %swap3A_314] {strides = array<i32>} : memref<8x128xf32, #tpu.memory_space<vmem>>, vector<1x16xf32>,
          %swap3A_316 = vector.shape_cast %swap3A_315 : vector<1x16xf32> to vector<16xf32>
          %swap3A_317 = vector.shape_cast %parallel_loop3A_303#1 : vector<16xf32> to vector<1x16xf32>
          tpu.vector_store %arg12[%swap3A_313, %swap3A_314], %swap3A_317 {strides = array<i32>} : memref<8x128xf32, #tpu.memory_space<vmem>>, vector<1x16xf32>,
          %swap3A_318 = arith.index_cast %scan3A_219 : i32 to index
          %swap3A_319 = arith.constant 16 : index
          %swap3A_320 = tpu.vector_load %arg13[%swap3A_318, %swap3A_319] {strides = array<i32>} : memref<8x128xf32, #tpu.memory_space<vmem>>, vector<1x16xf32>,
          %swap3A_321 = vector.shape_cast %swap3A_320 : vector<1x16xf32> to vector<16xf32>
          %swap3A_322 = vector.shape_cast %parallel_loop3A_303#9 : vector<16xf32> to vector<1x16xf32>
          tpu.vector_store %arg13[%swap3A_318, %swap3A_319], %swap3A_322 {strides = array<i32>} : memref<8x128xf32, #tpu.memory_space<vmem>>, vector<1x16xf32>,
          %swap3A_323 = arith.index_cast %scan3A_219 : i32 to index
          %swap3A_324 = arith.constant 32 : index
          %swap3A_325 = tpu.vector_load %arg12[%swap3A_323, %swap3A_324] {strides = array<i32>} : memref<8x128xf32, #tpu.memory_space<vmem>>, vector<1x16xf32>,
          %swap3A_326 = vector.shape_cast %swap3A_325 : vector<1x16xf32> to vector<16xf32>
          %swap3A_327 = vector.shape_cast %parallel_loop3A_303#2 : vector<16xf32> to vector<1x16xf32>
          tpu.vector_store %arg12[%swap3A_323, %swap3A_324], %swap3A_327 {strides = array<i32>} : memref<8x128xf32, #tpu.memory_space<vmem>>, vector<1x16xf32>,
          %swap3A_328 = arith.index_cast %scan3A_219 : i32 to index
          %swap3A_329 = arith.constant 32 : index
          %swap3A_330 = tpu.vector_load %arg13[%swap3A_328, %swap3A_329] {strides = array<i32>} : memref<8x128xf32, #tpu.memory_space<vmem>>, vector<1x16xf32>,
          %swap3A_331 = vector.shape_cast %swap3A_330 : vector<1x16xf32> to vector<16xf32>
          %swap3A_332 = vector.shape_cast %parallel_loop3A_303#10 : vector<16xf32> to vector<1x16xf32>
          tpu.vector_store %arg13[%swap3A_328, %swap3A_329], %swap3A_332 {strides = array<i32>} : memref<8x128xf32, #tpu.memory_space<vmem>>, vector<1x16xf32>,
          %swap3A_333 = arith.index_cast %scan3A_219 : i32 to index
          %swap3A_334 = arith.constant 48 : index
          %swap3A_335 = tpu.vector_load %arg12[%swap3A_333, %swap3A_334] {strides = array<i32>} : memref<8x128xf32, #tpu.memory_space<vmem>>, vector<1x16xf32>,
          %swap3A_336 = vector.shape_cast %swap3A_335 : vector<1x16xf32> to vector<16xf32>
          %swap3A_337 = vector.shape_cast %parallel_loop3A_303#3 : vector<16xf32> to vector<1x16xf32>
          tpu.vector_store %arg12[%swap3A_333, %swap3A_334], %swap3A_337 {strides = array<i32>} : memref<8x128xf32, #tpu.memory_space<vmem>>, vector<1x16xf32>,
          %swap3A_338 = arith.index_cast %scan3A_219 : i32 to index
          %swap3A_339 = arith.constant 48 : index
          %swap3A_340 = tpu.vector_load %arg13[%swap3A_338, %swap3A_339] {strides = array<i32>} : memref<8x128xf32, #tpu.memory_space<vmem>>, vector<1x16xf32>,
          %swap3A_341 = vector.shape_cast %swap3A_340 : vector<1x16xf32> to vector<16xf32>
          %swap3A_342 = vector.shape_cast %parallel_loop3A_303#11 : vector<16xf32> to vector<1x16xf32>
          tpu.vector_store %arg13[%swap3A_338, %swap3A_339], %swap3A_342 {strides = array<i32>} : memref<8x128xf32, #tpu.memory_space<vmem>>, vector<1x16xf32>,
          %swap3A_343 = arith.index_cast %scan3A_219 : i32 to index
          %swap3A_344 = arith.constant 64 : index
          %swap3A_345 = tpu.vector_load %arg12[%swap3A_343, %swap3A_344] {strides = array<i32>} : memref<8x128xf32, #tpu.memory_space<vmem>>, vector<1x16xf32>,
          %swap3A_346 = vector.shape_cast %swap3A_345 : vector<1x16xf32> to vector<16xf32>
          %swap3A_347 = vector.shape_cast %parallel_loop3A_303#4 : vector<16xf32> to vector<1x16xf32>
          tpu.vector_store %arg12[%swap3A_343, %swap3A_344], %swap3A_347 {strides = array<i32>} : memref<8x128xf32, #tpu.memory_space<vmem>>, vector<1x16xf32>,
          %swap3A_348 = arith.index_cast %scan3A_219 : i32 to index
          %swap3A_349 = arith.constant 64 : index
          %swap3A_350 = tpu.vector_load %arg13[%swap3A_348, %swap3A_349] {strides = array<i32>} : memref<8x128xf32, #tpu.memory_space<vmem>>, vector<1x16xf32>,
          %swap3A_351 = vector.shape_cast %swap3A_350 : vector<1x16xf32> to vector<16xf32>
          %swap3A_352 = vector.shape_cast %parallel_loop3A_303#12 : vector<16xf32> to vector<1x16xf32>
          tpu.vector_store %arg13[%swap3A_348, %swap3A_349], %swap3A_352 {strides = array<i32>} : memref<8x128xf32, #tpu.memory_space<vmem>>, vector<1x16xf32>,
          %swap3A_353 = arith.index_cast %scan3A_219 : i32 to index
          %swap3A_354 = arith.constant 80 : index
          %swap3A_355 = tpu.vector_load %arg12[%swap3A_353, %swap3A_354] {strides = array<i32>} : memref<8x128xf32, #tpu.memory_space<vmem>>, vector<1x16xf32>,
          %swap3A_356 = vector.shape_cast %swap3A_355 : vector<1x16xf32> to vector<16xf32>
          %swap3A_357 = vector.shape_cast %parallel_loop3A_303#5 : vector<16xf32> to vector<1x16xf32>
          tpu.vector_store %arg12[%swap3A_353, %swap3A_354], %swap3A_357 {strides = array<i32>} : memref<8x128xf32, #tpu.memory_space<vmem>>, vector<1x16xf32>,
          %swap3A_358 = arith.index_cast %scan3A_219 : i32 to index
          %swap3A_359 = arith.constant 80 : index
          %swap3A_360 = tpu.vector_load %arg13[%swap3A_358, %swap3A_359] {strides = array<i32>} : memref<8x128xf32, #tpu.memory_space<vmem>>, vector<1x16xf32>,
          %swap3A_361 = vector.shape_cast %swap3A_360 : vector<1x16xf32> to vector<16xf32>
          %swap3A_362 = vector.shape_cast %parallel_loop3A_303#13 : vector<16xf32> to vector<1x16xf32>
          tpu.vector_store %arg13[%swap3A_358, %swap3A_359], %swap3A_362 {strides = array<i32>} : memref<8x128xf32, #tpu.memory_space<vmem>>, vector<1x16xf32>,
          %swap3A_363 = arith.index_cast %scan3A_219 : i32 to index
          %swap3A_364 = arith.constant 96 : index
          %swap3A_365 = tpu.vector_load %arg12[%swap3A_363, %swap3A_364] {strides = array<i32>} : memref<8x128xf32, #tpu.memory_space<vmem>>, vector<1x16xf32>,
          %swap3A_366 = vector.shape_cast %swap3A_365 : vector<1x16xf32> to vector<16xf32>
          %swap3A_367 = vector.shape_cast %parallel_loop3A_303#6 : vector<16xf32> to vector<1x16xf32>
          tpu.vector_store %arg12[%swap3A_363, %swap3A_364], %swap3A_367 {strides = array<i32>} : memref<8x128xf32, #tpu.memory_space<vmem>>, vector<1x16xf32>,
          %swap3A_368 = arith.index_cast %scan3A_219 : i32 to index
          %swap3A_369 = arith.constant 96 : index
          %swap3A_370 = tpu.vector_load %arg13[%swap3A_368, %swap3A_369] {strides = array<i32>} : memref<8x128xf32, #tpu.memory_space<vmem>>, vector<1x16xf32>,
          %swap3A_371 = vector.shape_cast %swap3A_370 : vector<1x16xf32> to vector<16xf32>
          %swap3A_372 = vector.shape_cast %parallel_loop3A_303#14 : vector<16xf32> to vector<1x16xf32>
          tpu.vector_store %arg13[%swap3A_368, %swap3A_369], %swap3A_372 {strides = array<i32>} : memref<8x128xf32, #tpu.memory_space<vmem>>, vector<1x16xf32>,
          %swap3A_373 = arith.index_cast %scan3A_219 : i32 to index
          %swap3A_374 = arith.constant 112 : index
          %swap3A_375 = tpu.vector_load %arg12[%swap3A_373, %swap3A_374] {strides = array<i32>} : memref<8x128xf32, #tpu.memory_space<vmem>>, vector<1x16xf32>,
          %swap3A_376 = vector.shape_cast %swap3A_375 : vector<1x16xf32> to vector<16xf32>
          %swap3A_377 = vector.shape_cast %parallel_loop3A_303#7 : vector<16xf32> to vector<1x16xf32>
          tpu.vector_store %arg12[%swap3A_373, %swap3A_374], %swap3A_377 {strides = array<i32>} : memref<8x128xf32, #tpu.memory_space<vmem>>, vector<1x16xf32>,
          %swap3A_378 = arith.index_cast %scan3A_219 : i32 to index
          %swap3A_379 = arith.constant 112 : index
          %swap3A_380 = tpu.vector_load %arg13[%swap3A_378, %swap3A_379] {strides = array<i32>} : memref<8x128xf32, #tpu.memory_space<vmem>>, vector<1x16xf32>,
          %swap3A_381 = vector.shape_cast %swap3A_380 : vector<1x16xf32> to vector<16xf32>
          %swap3A_382 = vector.shape_cast %parallel_loop3A_303#15 : vector<16xf32> to vector<1x16xf32>
          tpu.vector_store %arg13[%swap3A_378, %swap3A_379], %swap3A_382 {strides = array<i32>} : memref<8x128xf32, #tpu.memory_space<vmem>>, vector<1x16xf32>,
        } else {
        }
        %scan3A_238 = arith.constant 0 : i32
        scf.yield %scan3A_238 : i32
      }
      %scan3A_217 = arith.constant 8 : i32
      %while3A_218 = arith.constant 0 : i32
      scf.yield %while3A_218 : i32
    }
    %scan3A_148 = arith.constant 0 : i32
    %scan3A_149 = arith.constant 0 : i32
    %scan3A_150 = arith.constant 8 : i32
    %scan3A_151 = arith.addi %scan3A_149, %scan3A_150 : i32
    %scan3A_152 = arith.constant 1 : i32
    %scan3A_153 = scf.for %scan3A_155 = %scan3A_149 to %scan3A_151 step %scan3A_152 iter_args(%scan3A_156 = %scan3A_148) -> (i32)  : i32 {
      %add3A_157 = arith.constant 1 : i32
      %add3A_158 = arith.addi %scan3A_155, %add3A_157 : i32
      %get3A_159 = arith.index_cast %add3A_158 : i32 to index
      %get3A_160 = memref.load %arg14[%get3A_159] : memref<9xi32, #tpu.memory_space<smem>>
      %get3A_161 = arith.index_cast %scan3A_155 : i32 to index
      %get3A_162 = memref.load %arg14[%get3A_161] : memref<9xi32, #tpu.memory_space<smem>>
      %sub3A_163 = arith.subi %get3A_160, %get3A_162 : i32
      %convert_element_type3A_164 = arith.sitofp %sub3A_163 : i32 to f32
      %add3A_165 = vector.broadcast %convert_element_type3A_164 : f32 to vector<16xf32>
      %add3A_166 = arith.addf %broadcast_in_dim3A_29, %add3A_165 : vector<16xf32>
      %max3A = arith.constant 1.000000e+00 : f32
      %max3A_167 = vector.broadcast %max3A : f32 to vector<16xf32>
      %max3A_168 = arith.maximumf %add3A_166, %max3A_167 : vector<16xf32>
      %div3A_169 = arith.constant 1.000000e+00 : f32
      %div3A_170 = vector.broadcast %div3A_169 : f32 to vector<16xf32>
      %div3A_171 = arith.divf %div3A_170, %max3A_168 : vector<16xf32>
      %min3A = arith.constant 1.000000e+00 : f32
      %min3A_172 = vector.broadcast %min3A : f32 to vector<16xf32>
      %min3A_173 = arith.minimumf %add3A_166, %min3A_172 : vector<16xf32>
      %get3A_174 = arith.index_cast %scan3A_155 : i32 to index
      %get3A_175 = arith.constant 0 : index
      %get3A_176 = tpu.vector_load %arg13[%get3A_174, %get3A_175] {strides = array<i32>} : memref<8x128xf32, #tpu.memory_space<vmem>>, vector<1x16xf32>,
      %get3A_177 = vector.shape_cast %get3A_176 : vector<1x16xf32> to vector<16xf32>
      %mul3A_178 = arith.mulf %get3A_177, %min3A_173 : vector<16xf32>
      %swap3A = arith.index_cast %scan3A_155 : i32 to index
      %swap3A_179 = arith.constant 0 : index
      %swap3A_180 = tpu.vector_load %arg11[%swap3A, %swap3A_179] {strides = array<i32>} : memref<8x256xf32, #tpu.memory_space<vmem>>, vector<1x16xf32>,
      %swap3A_181 = vector.shape_cast %swap3A_180 : vector<1x16xf32> to vector<16xf32>
      %swap3A_182 = vector.shape_cast %mul3A_178 : vector<16xf32> to vector<1x16xf32>
      tpu.vector_store %arg11[%swap3A, %swap3A_179], %swap3A_182 {strides = array<i32>} : memref<8x256xf32, #tpu.memory_space<vmem>>, vector<1x16xf32>,
      %get3A_183 = arith.index_cast %scan3A_155 : i32 to index
      %get3A_184 = arith.constant 0 : index
      %get3A_185 = tpu.vector_load %arg12[%get3A_183, %get3A_184] {strides = array<i32>} : memref<8x128xf32, #tpu.memory_space<vmem>>, vector<1x16xf32>,
      %get3A_186 = vector.shape_cast %get3A_185 : vector<1x16xf32> to vector<16xf32>
      %mul3A_187 = arith.mulf %get3A_186, %div3A_171 : vector<16xf32>
      %swap3A_188 = arith.index_cast %scan3A_155 : i32 to index
      %swap3A_189 = arith.constant 128 : index
      %swap3A_190 = tpu.vector_load %arg11[%swap3A_188, %swap3A_189] {strides = array<i32>} : memref<8x256xf32, #tpu.memory_space<vmem>>, vector<1x16xf32>,
      %swap3A_191 = vector.shape_cast %swap3A_190 : vector<1x16xf32> to vector<16xf32>
      %swap3A_192 = vector.shape_cast %mul3A_187 : vector<16xf32> to vector<1x16xf32>
      tpu.vector_store %arg11[%swap3A_188, %swap3A_189], %swap3A_192 {strides = array<i32>} : memref<8x256xf32, #tpu.memory_space<vmem>>, vector<1x16xf32>,
      %get3A_193 = arith.index_cast %scan3A_155 : i32 to index
      %get3A_194 = arith.constant 16 : index
      %get3A_195 = tpu.vector_load %arg13[%get3A_193, %get3A_194] {strides = array<i32>} : memref<8x128xf32, #tpu.memory_space<vmem>>, vector<1x16xf32>,
      %get3A_196 = vector.shape_cast %get3A_195 : vector<1x16xf32> to vector<16xf32>
      %mul3A_197 = arith.mulf %get3A_196, %min3A_173 : vector<16xf32>
      %swap3A_198 = arith.index_cast %scan3A_155 : i32 to index
      %swap3A_199 = arith.constant 16 : index
      %swap3A_200 = tpu.vector_load %arg11[%swap3A_198, %swap3A_199] {strides = array<i32>} : memref<8x256xf32, #tpu.memory_space<vmem>>, vector<1x16xf32>,
      %swap3A_201 = vector.shape_cast %swap3A_200 : vector<1x16xf32> to vector<16xf32>
      %swap3A_202 = vector.shape_cast %mul3A_197 : vector<16xf32> to vector<1x16xf32>
      tpu.vector_store %arg11[%swap3A_198, %swap3A_199], %swap3A_202 {strides = array<i32>} : memref<8x256xf32, #tpu.memory_space<vmem>>, vector<1x16xf32>,
      %get3A_203 = arith.index_cast %scan3A_155 : i32 to index
      %get3A_204 = arith.constant 16 : index
      %get3A_205 = tpu.vector_load %arg12[%get3A_203, %get3A_204] {strides = array<i32>} : memref<8x128xf32, #tpu.memory_space<vmem>>, vector<1x16xf32>,
      %get3A_206 = vector.shape_cast %get3A_205 : vector<1x16xf32> to vector<16xf32>
      %mul3A_207 = arith.mulf %get3A_206, %div3A_171 : vector<16xf32>
      %swap3A_208 = arith.index_cast %scan3A_155 : i32 to index
      %swap3A_209 = arith.constant 144 : index
      %swap3A_210 = tpu.vector_load %arg11[%swap3A_208, %swap3A_209] {strides = array<i32>} : memref<8x256xf32, #tpu.memory_space<vmem>>, vector<1x16xf32>,
      %swap3A_211 = vector.shape_cast %swap3A_210 : vector<1x16xf32> to vector<16xf32>
      %swap3A_212 = vector.shape_cast %mul3A_207 : vector<16xf32> to vector<1x16xf32>
      tpu.vector_store %arg11[%swap3A_208, %swap3A_209], %swap3A_212 {strides = array<i32>} : memref<8x256xf32, #tpu.memory_space<vmem>>, vector<1x16xf32>,
      %get3A_213 = arith.index_cast %scan3A_155 : i32 to index
      %get3A_214 = arith.constant 32 : index
      %get3A_215 = tpu.vector_load %arg13[%get3A_213, %get3A_214] {strides = array<i32>} : memref<8x128xf32, #tpu.memory_space<vmem>>, vector<1x16xf32>,
      %get3A_216 = vector.shape_cast %get3A_215 : vector<1x16xf32> to vector<16xf32>
      %mul3A_217 = arith.mulf %get3A_216, %min3A_173 : vector<16xf32>
      %swap3A_218 = arith.index_cast %scan3A_155 : i32 to index
      %swap3A_219 = arith.constant 32 : index
      %swap3A_220 = tpu.vector_load %arg11[%swap3A_218, %swap3A_219] {strides = array<i32>} : memref<8x256xf32, #tpu.memory_space<vmem>>, vector<1x16xf32>,
      %swap3A_221 = vector.shape_cast %swap3A_220 : vector<1x16xf32> to vector<16xf32>
      %swap3A_222 = vector.shape_cast %mul3A_217 : vector<16xf32> to vector<1x16xf32>
      tpu.vector_store %arg11[%swap3A_218, %swap3A_219], %swap3A_222 {strides = array<i32>} : memref<8x256xf32, #tpu.memory_space<vmem>>, vector<1x16xf32>,
      %get3A_223 = arith.index_cast %scan3A_155 : i32 to index
      %get3A_224 = arith.constant 32 : index
      %get3A_225 = tpu.vector_load %arg12[%get3A_223, %get3A_224] {strides = array<i32>} : memref<8x128xf32, #tpu.memory_space<vmem>>, vector<1x16xf32>,
      %get3A_226 = vector.shape_cast %get3A_225 : vector<1x16xf32> to vector<16xf32>
      %mul3A_227 = arith.mulf %get3A_226, %div3A_171 : vector<16xf32>
      %swap3A_228 = arith.index_cast %scan3A_155 : i32 to index
      %swap3A_229 = arith.constant 160 : index
      %swap3A_230 = tpu.vector_load %arg11[%swap3A_228, %swap3A_229] {strides = array<i32>} : memref<8x256xf32, #tpu.memory_space<vmem>>, vector<1x16xf32>,
      %swap3A_231 = vector.shape_cast %swap3A_230 : vector<1x16xf32> to vector<16xf32>
      %swap3A_232 = vector.shape_cast %mul3A_227 : vector<16xf32> to vector<1x16xf32>
      tpu.vector_store %arg11[%swap3A_228, %swap3A_229], %swap3A_232 {strides = array<i32>} : memref<8x256xf32, #tpu.memory_space<vmem>>, vector<1x16xf32>,
      %get3A_233 = arith.index_cast %scan3A_155 : i32 to index
      %get3A_234 = arith.constant 48 : index
      %get3A_235 = tpu.vector_load %arg13[%get3A_233, %get3A_234] {strides = array<i32>} : memref<8x128xf32, #tpu.memory_space<vmem>>, vector<1x16xf32>,
      %get3A_236 = vector.shape_cast %get3A_235 : vector<1x16xf32> to vector<16xf32>
      %mul3A_237 = arith.mulf %get3A_236, %min3A_173 : vector<16xf32>
      %swap3A_238 = arith.index_cast %scan3A_155 : i32 to index
      %swap3A_239 = arith.constant 48 : index
      %swap3A_240 = tpu.vector_load %arg11[%swap3A_238, %swap3A_239] {strides = array<i32>} : memref<8x256xf32, #tpu.memory_space<vmem>>, vector<1x16xf32>,
      %swap3A_241 = vector.shape_cast %swap3A_240 : vector<1x16xf32> to vector<16xf32>
      %swap3A_242 = vector.shape_cast %mul3A_237 : vector<16xf32> to vector<1x16xf32>
      tpu.vector_store %arg11[%swap3A_238, %swap3A_239], %swap3A_242 {strides = array<i32>} : memref<8x256xf32, #tpu.memory_space<vmem>>, vector<1x16xf32>,
      %get3A_243 = arith.index_cast %scan3A_155 : i32 to index
      %get3A_244 = arith.constant 48 : index
      %get3A_245 = tpu.vector_load %arg12[%get3A_243, %get3A_244] {strides = array<i32>} : memref<8x128xf32, #tpu.memory_space<vmem>>, vector<1x16xf32>,
      %get3A_246 = vector.shape_cast %get3A_245 : vector<1x16xf32> to vector<16xf32>
      %mul3A_247 = arith.mulf %get3A_246, %div3A_171 : vector<16xf32>
      %swap3A_248 = arith.index_cast %scan3A_155 : i32 to index
      %swap3A_249 = arith.constant 176 : index
      %swap3A_250 = tpu.vector_load %arg11[%swap3A_248, %swap3A_249] {strides = array<i32>} : memref<8x256xf32, #tpu.memory_space<vmem>>, vector<1x16xf32>,
      %swap3A_251 = vector.shape_cast %swap3A_250 : vector<1x16xf32> to vector<16xf32>
      %swap3A_252 = vector.shape_cast %mul3A_247 : vector<16xf32> to vector<1x16xf32>
      tpu.vector_store %arg11[%swap3A_248, %swap3A_249], %swap3A_252 {strides = array<i32>} : memref<8x256xf32, #tpu.memory_space<vmem>>, vector<1x16xf32>,
      %get3A_253 = arith.index_cast %scan3A_155 : i32 to index
      %get3A_254 = arith.constant 64 : index
      %get3A_255 = tpu.vector_load %arg13[%get3A_253, %get3A_254] {strides = array<i32>} : memref<8x128xf32, #tpu.memory_space<vmem>>, vector<1x16xf32>,
      %get3A_256 = vector.shape_cast %get3A_255 : vector<1x16xf32> to vector<16xf32>
      %mul3A_257 = arith.mulf %get3A_256, %min3A_173 : vector<16xf32>
      %swap3A_258 = arith.index_cast %scan3A_155 : i32 to index
      %swap3A_259 = arith.constant 64 : index
      %swap3A_260 = tpu.vector_load %arg11[%swap3A_258, %swap3A_259] {strides = array<i32>} : memref<8x256xf32, #tpu.memory_space<vmem>>, vector<1x16xf32>,
      %swap3A_261 = vector.shape_cast %swap3A_260 : vector<1x16xf32> to vector<16xf32>
      %swap3A_262 = vector.shape_cast %mul3A_257 : vector<16xf32> to vector<1x16xf32>
      tpu.vector_store %arg11[%swap3A_258, %swap3A_259], %swap3A_262 {strides = array<i32>} : memref<8x256xf32, #tpu.memory_space<vmem>>, vector<1x16xf32>,
      %get3A_263 = arith.index_cast %scan3A_155 : i32 to index
      %get3A_264 = arith.constant 64 : index
      %get3A_265 = tpu.vector_load %arg12[%get3A_263, %get3A_264] {strides = array<i32>} : memref<8x128xf32, #tpu.memory_space<vmem>>, vector<1x16xf32>,
      %get3A_266 = vector.shape_cast %get3A_265 : vector<1x16xf32> to vector<16xf32>
      %mul3A_267 = arith.mulf %get3A_266, %div3A_171 : vector<16xf32>
      %swap3A_268 = arith.index_cast %scan3A_155 : i32 to index
      %swap3A_269 = arith.constant 192 : index
      %swap3A_270 = tpu.vector_load %arg11[%swap3A_268, %swap3A_269] {strides = array<i32>} : memref<8x256xf32, #tpu.memory_space<vmem>>, vector<1x16xf32>,
      %swap3A_271 = vector.shape_cast %swap3A_270 : vector<1x16xf32> to vector<16xf32>
      %swap3A_272 = vector.shape_cast %mul3A_267 : vector<16xf32> to vector<1x16xf32>
      tpu.vector_store %arg11[%swap3A_268, %swap3A_269], %swap3A_272 {strides = array<i32>} : memref<8x256xf32, #tpu.memory_space<vmem>>, vector<1x16xf32>,
      %get3A_273 = arith.index_cast %scan3A_155 : i32 to index
      %get3A_274 = arith.constant 80 : index
      %get3A_275 = tpu.vector_load %arg13[%get3A_273, %get3A_274] {strides = array<i32>} : memref<8x128xf32, #tpu.memory_space<vmem>>, vector<1x16xf32>,
      %get3A_276 = vector.shape_cast %get3A_275 : vector<1x16xf32> to vector<16xf32>
      %mul3A_277 = arith.mulf %get3A_276, %min3A_173 : vector<16xf32>
      %swap3A_278 = arith.index_cast %scan3A_155 : i32 to index
      %swap3A_279 = arith.constant 80 : index
      %swap3A_280 = tpu.vector_load %arg11[%swap3A_278, %swap3A_279] {strides = array<i32>} : memref<8x256xf32, #tpu.memory_space<vmem>>, vector<1x16xf32>,
      %swap3A_281 = vector.shape_cast %swap3A_280 : vector<1x16xf32> to vector<16xf32>
      %swap3A_282 = vector.shape_cast %mul3A_277 : vector<16xf32> to vector<1x16xf32>
      tpu.vector_store %arg11[%swap3A_278, %swap3A_279], %swap3A_282 {strides = array<i32>} : memref<8x256xf32, #tpu.memory_space<vmem>>, vector<1x16xf32>,
      %get3A_283 = arith.index_cast %scan3A_155 : i32 to index
      %get3A_284 = arith.constant 80 : index
      %get3A_285 = tpu.vector_load %arg12[%get3A_283, %get3A_284] {strides = array<i32>} : memref<8x128xf32, #tpu.memory_space<vmem>>, vector<1x16xf32>,
      %get3A_286 = vector.shape_cast %get3A_285 : vector<1x16xf32> to vector<16xf32>
      %mul3A_287 = arith.mulf %get3A_286, %div3A_171 : vector<16xf32>
      %swap3A_288 = arith.index_cast %scan3A_155 : i32 to index
      %swap3A_289 = arith.constant 208 : index
      %swap3A_290 = tpu.vector_load %arg11[%swap3A_288, %swap3A_289] {strides = array<i32>} : memref<8x256xf32, #tpu.memory_space<vmem>>, vector<1x16xf32>,
      %swap3A_291 = vector.shape_cast %swap3A_290 : vector<1x16xf32> to vector<16xf32>
      %swap3A_292 = vector.shape_cast %mul3A_287 : vector<16xf32> to vector<1x16xf32>
      tpu.vector_store %arg11[%swap3A_288, %swap3A_289], %swap3A_292 {strides = array<i32>} : memref<8x256xf32, #tpu.memory_space<vmem>>, vector<1x16xf32>,
      %get3A_293 = arith.index_cast %scan3A_155 : i32 to index
      %get3A_294 = arith.constant 96 : index
      %get3A_295 = tpu.vector_load %arg13[%get3A_293, %get3A_294] {strides = array<i32>} : memref<8x128xf32, #tpu.memory_space<vmem>>, vector<1x16xf32>,
      %get3A_296 = vector.shape_cast %get3A_295 : vector<1x16xf32> to vector<16xf32>
      %mul3A_297 = arith.mulf %get3A_296, %min3A_173 : vector<16xf32>
      %swap3A_298 = arith.index_cast %scan3A_155 : i32 to index
      %swap3A_299 = arith.constant 96 : index
      %swap3A_300 = tpu.vector_load %arg11[%swap3A_298, %swap3A_299] {strides = array<i32>} : memref<8x256xf32, #tpu.memory_space<vmem>>, vector<1x16xf32>,
      %swap3A_301 = vector.shape_cast %swap3A_300 : vector<1x16xf32> to vector<16xf32>
      %swap3A_302 = vector.shape_cast %mul3A_297 : vector<16xf32> to vector<1x16xf32>
      tpu.vector_store %arg11[%swap3A_298, %swap3A_299], %swap3A_302 {strides = array<i32>} : memref<8x256xf32, #tpu.memory_space<vmem>>, vector<1x16xf32>,
      %get3A_303 = arith.index_cast %scan3A_155 : i32 to index
      %get3A_304 = arith.constant 96 : index
      %get3A_305 = tpu.vector_load %arg12[%get3A_303, %get3A_304] {strides = array<i32>} : memref<8x128xf32, #tpu.memory_space<vmem>>, vector<1x16xf32>,
      %get3A_306 = vector.shape_cast %get3A_305 : vector<1x16xf32> to vector<16xf32>
      %mul3A_307 = arith.mulf %get3A_306, %div3A_171 : vector<16xf32>
      %swap3A_308 = arith.index_cast %scan3A_155 : i32 to index
      %swap3A_309 = arith.constant 224 : index
      %swap3A_310 = tpu.vector_load %arg11[%swap3A_308, %swap3A_309] {strides = array<i32>} : memref<8x256xf32, #tpu.memory_space<vmem>>, vector<1x16xf32>,
      %swap3A_311 = vector.shape_cast %swap3A_310 : vector<1x16xf32> to vector<16xf32>
      %swap3A_312 = vector.shape_cast %mul3A_307 : vector<16xf32> to vector<1x16xf32>
      tpu.vector_store %arg11[%swap3A_308, %swap3A_309], %swap3A_312 {strides = array<i32>} : memref<8x256xf32, #tpu.memory_space<vmem>>, vector<1x16xf32>,
      %get3A_313 = arith.index_cast %scan3A_155 : i32 to index
      %get3A_314 = arith.constant 112 : index
      %get3A_315 = tpu.vector_load %arg13[%get3A_313, %get3A_314] {strides = array<i32>} : memref<8x128xf32, #tpu.memory_space<vmem>>, vector<1x16xf32>,
      %get3A_316 = vector.shape_cast %get3A_315 : vector<1x16xf32> to vector<16xf32>
      %mul3A_317 = arith.mulf %get3A_316, %min3A_173 : vector<16xf32>
      %swap3A_318 = arith.index_cast %scan3A_155 : i32 to index
      %swap3A_319 = arith.constant 112 : index
      %swap3A_320 = tpu.vector_load %arg11[%swap3A_318, %swap3A_319] {strides = array<i32>} : memref<8x256xf32, #tpu.memory_space<vmem>>, vector<1x16xf32>,
      %swap3A_321 = vector.shape_cast %swap3A_320 : vector<1x16xf32> to vector<16xf32>
      %swap3A_322 = vector.shape_cast %mul3A_317 : vector<16xf32> to vector<1x16xf32>
      tpu.vector_store %arg11[%swap3A_318, %swap3A_319], %swap3A_322 {strides = array<i32>} : memref<8x256xf32, #tpu.memory_space<vmem>>, vector<1x16xf32>,
      %get3A_323 = arith.index_cast %scan3A_155 : i32 to index
      %get3A_324 = arith.constant 112 : index
      %get3A_325 = tpu.vector_load %arg12[%get3A_323, %get3A_324] {strides = array<i32>} : memref<8x128xf32, #tpu.memory_space<vmem>>, vector<1x16xf32>,
      %get3A_326 = vector.shape_cast %get3A_325 : vector<1x16xf32> to vector<16xf32>
      %mul3A_327 = arith.mulf %get3A_326, %div3A_171 : vector<16xf32>
      %swap3A_328 = arith.index_cast %scan3A_155 : i32 to index
      %swap3A_329 = arith.constant 240 : index
      %swap3A_330 = tpu.vector_load %arg11[%swap3A_328, %swap3A_329] {strides = array<i32>} : memref<8x256xf32, #tpu.memory_space<vmem>>, vector<1x16xf32>,
      %swap3A_331 = vector.shape_cast %swap3A_330 : vector<1x16xf32> to vector<16xf32>
      %swap3A_332 = vector.shape_cast %mul3A_327 : vector<16xf32> to vector<1x16xf32>
      tpu.vector_store %arg11[%swap3A_328, %swap3A_329], %swap3A_332 {strides = array<i32>} : memref<8x256xf32, #tpu.memory_space<vmem>>, vector<1x16xf32>,
      %scan3A_333 = arith.constant 0 : i32
      scf.yield %scan3A_333 : i32
    }
    %scan3A_154 = arith.constant 8 : i32
    %multiple_of3A = tpu.assume_multiple %mul3A_2, 8 : i32
    "tpu.region"() ({
      %run_scoped3A = tpu.sem_alloc : memref<!tpu.dma_semaphore, #tpu.memory_space<semaphore_mem>>
      %dma_start3A = arith.constant 0 : i32
      %dma_start3A_155 = tpu.memref_slice %arg6[%multiple_of3A, %dma_start3A] : memref<256x256xf32, #tpu.memory_space<hbm>> -> memref<8x256xf32, #tpu.memory_space<hbm>>
      %dma_start3A_156 = arith.constant 0 : i32
      %dma_start3A_157 = tpu.memref_slice %arg6[%multiple_of3A, %dma_start3A_156] : memref<256x256xf32, #tpu.memory_space<hbm>> -> memref<8x256xf32, #tpu.memory_space<hbm>>
      tpu.enqueue_dma source(%arg11 : memref<8x256xf32, #tpu.memory_space<vmem>>) target(%dma_start3A_157 : memref<8x256xf32, #tpu.memory_space<hbm>>) target_semaphore(%run_scoped3A : memref<!tpu.dma_semaphore, #tpu.memory_space<semaphore_mem>>)
      %dma_wait3A = arith.constant 0 : i32
      %dma_wait3A_158 = tpu.memref_slice %arg6[%multiple_of3A, %dma_wait3A] : memref<256x256xf32, #tpu.memory_space<hbm>> -> memref<8x256xf32, #tpu.memory_space<hbm>>
      %dma_wait3A_159 = arith.constant 0 : i32
      %dma_wait3A_160 = tpu.memref_slice %arg6[%multiple_of3A, %dma_wait3A_159] : memref<256x256xf32, #tpu.memory_space<hbm>> -> memref<8x256xf32, #tpu.memory_space<hbm>>
      tpu.wait_dma2 semaphore(%run_scoped3A : memref<!tpu.dma_semaphore, #tpu.memory_space<semaphore_mem>>) src(%arg11 : memref<8x256xf32, #tpu.memory_space<vmem>>) dst(%dma_wait3A_160 : memref<8x256xf32, #tpu.memory_space<hbm>>)
      tpu.yield
    }) : () -> ()
    return
  }
}

</mosaic_0001>

<sc_bundles>
// kernel: _pooling.3.cloned.1.call-start
scs
__scs_entry_jumppad:
0x0: {  	(pc) =	sbr.rel $0x88, $3  }
0x1: {  	(tag) =	ssettag $0x0;
	lr =	simm.s32 $0x1  }
0x2: {  	[smem:$0x3F9D] =	sst lr;
	_ =	strace $0xD0000000  }
0x3: {  	_ = 	snop  }
0x4: {  	_ = 	snop  }
0x5: {  	_ = 	snop  }
0x6: {  	_ = 	snop  }
0x7: {  	_ = 	snop  }
__scs_overlays_trampoline_lowered:
0x8: {  	[smem:$0x3FAC] =	sst s0  }
0x9: {  	[smem:$0x3FAD] =	sst s1  }
0xa: {  	[smem:$0x3FAE] =	sst s2  }
0xb: {  	[smem:$0x3FAF] =	sst s3  }
0xc: {  	[smem:$0x3FB0] =	sst s4  }
0xd: {  	[smem:$0x3FB1] =	sst s5  }
0xe: {  	[smem:$0x3FB2] =	sst s6  }
0xf: {  	[smem:$0x3FB3] =	sst s7  }
0x10: {  	[smem:$0x3FB4] =	sst s8  }
0x11: {  	[smem:$0x3FB5] =	sst s9;
	s0 =	simm.s32 @!p0 $0x0  }
0x12: {  	s1 =	sld [smem:$0x3F9B];
	s0 =	simm.s32 @p0 $0x1  }
0x13: {  	[smem:$0x3FB6] =	sst s0;
	s0 =	simm.s32 @!p1 $0x0  }
0x14: {  	s2 =	sld [smem:$0x3F9A];
	s0 =	simm.s32 @p1 $0x1  }
0x15: {  	[smem:$0x3FB7] =	sst s0;
	s0 =	simm.s32 @!p2 $0x0  }
0x16: {  	s3 =	sld [smem:$0x3FDB];
	s0 =	simm.s32 @p2 $0x1  }
0x17: {  	s4 =	simm.s32 $0x1BF5;
	[smem:$0x3FB9] =	sst s0  }
0x18: {  	s0 =	sld [smem:$0x3F9C];
	_ =	swait.ge [sflag:s4], $0x0  }
0x19: {  	s7 =	sld [smem:$0x3F9D]  }
0x1a: {  	s8 =	sadd.s32 $0xFFFFE003, lr  }
0x1b: {  	s9 =	sadd.s32 $0xFFFFFEF7, lr;
	s5 =	simm.s32 $0xFFFFFFFF;
	p2 =	slt.u32 s8, $0xFFFFF086  }
0x1c: {  	p1 =	slt.u32 s9, $0xF7A;
	s5 =	simm.s32 @!p2 $0x0  }
0x1d: {  	s5 =	simm.s32 @p1 $0x1;
	p0 =	seq.s32 s7, s2  }
0x1e: {  	s7 =	smul.u32 @!p0 $0xF7A, s2;
	p2 =	seq.s32 @!p0 s5, $0x0  }
0x1f: {  	s9 =	smul.u32 $0xF7A, s1;
	s8 =	simm.s32 @!p0 $0x1BF5;
	p2 =	por !p2, p0  }
0x20: {  	[sflag:s8] =	ssyncset.s32 @!p0 $0xFFFFF086;
	s6 =	sadd.s32 @!p0 s3, s7;
	s7 =	simm.s32 @!p0 $0x108  }
0x21: {  	s3 =	sadd.s32 s3, s9;
	s6 =	sadd.s32 @!p0 $0x88, s6;
	s7 =	simm.s32 @p2 $0x1082  }
0x22: {  	[simem:s7], [sflag:s8] =	dma.local @!p0 [hbm:s6], $0xF7A  }
0x23: {  	s9 =	sor.u32 $0xD0000000, s2;
	s6 =	simm.s32 $0x108;
	_ =	swait.ge @!p0 [sflag:s8], $0x0  }
0x24: {  	s3 =	sadd.s32 $0x88, s3;
	s6 =	simm.s32 @!p1 $0x1082;
	[sflag:s4] =	ssyncset.s32 $0xFFFFF086  }
0x25: {  	[simem:s6], [sflag:s4] =	dma.local [hbm:s3], $0xF7A  }
0x26: {  	[smem:$0x3F9D] =	sst s1;
	(tag) =	ssettag s2;
	_ =	strace s9  }
0x27: {  	s1 =	sld [smem:$0x3FAD]  }
0x28: {  	s2 =	sld [smem:$0x3FAE]  }
0x29: {  	s4 =	sld [smem:$0x3FB0]  }
0x2a: {  	p0 =	seq.s32 s5, $0x0;
	s5 =	sld [smem:$0x3FB1]  }
0x2b: {  	s6 =	sld [smem:$0x3FB2]  }
0x2c: {  	s7 =	sld [smem:$0x3FB3]  }
0x2d: {  	s3 =	simm.s32 $0x108;
	s8 =	sld [smem:$0x3FB4]  }
0x2e: {  	s3 =	simm.s32 @!p0 $0x1082;
	s9 =	sld [smem:$0x3FB5]  }
0x2f: {  	lr =	sadd.s32 s0, s3;
	s0 =	sld [smem:$0x3FAC]  }
0x30: {  	s3 =	sld [smem:$0x3FAF]  }
0x31: {  	[smem:$0x3FB8] =	sst s10  }
0x32: {  	s10 =	sld [smem:$0x3FB6];
	_ =	sdelay $0x3  }
0x33: {  	p0 =	seq.s32 s10, $0x1;
	s10 =	sld [smem:$0x3FB8];
	_ =	sdelay $0x3  }
0x34: {  	[smem:$0x3FB8] =	sst s10  }
0x35: {  	s10 =	sld [smem:$0x3FB7];
	_ =	sdelay $0x3  }
0x36: {  	p1 =	seq.s32 s10, $0x1;
	s10 =	sld [smem:$0x3FB8];
	_ =	sdelay $0x3  }
0x37: {  	[smem:$0x3FB8] =	sst s10  }
0x38: {  	s10 =	sld [smem:$0x3FB9]  }
0x39: {  	_ = 	snop;
	(pc) =	sbr.ind lr, $3  }
0x3a: {  	_ = 	snop  }
0x3b: {  	_ = 	snop  }
0x3c: {  	p2 =	seq.s32 s10, $0x1;
	s10 =	sld [smem:$0x3FB8]  }
0x3d: {  	_ =	shalt  }
0x3e: {  	_ =	shalt  }
0x3f: {  	_ =	shalt  }
0x40: {  	_ =	shalt  }
0x41: {  	_ =	shalt  }
0x42: {  	_ =	shalt  }
0x43: {  	_ =	shalt  }
0x44: {  	_ =	shalt  }
0x45: {  	_ =	shalt  }
0x46: {  	_ =	shalt  }
0x47: {  	_ =	shalt  }
0x48: {  	_ =	shalt  }
0x49: {  	_ =	shalt  }
0x4a: {  	_ =	shalt  }
0x4b: {  	_ =	shalt  }
0x4c: {  	_ =	shalt  }
0x4d: {  	_ =	shalt  }
0x4e: {  	_ =	shalt  }
0x4f: {  	_ =	shalt  }
0x50: {  	_ =	shalt  }
0x51: {  	_ =	shalt  }
0x52: {  	_ =	shalt  }
0x53: {  	_ =	shalt  }
0x54: {  	_ =	shalt  }
0x55: {  	_ =	shalt  }
0x56: {  	_ =	shalt  }
0x57: {  	_ =	shalt  }
0x58: {  	_ =	shalt  }
0x59: {  	_ =	shalt  }
0x5a: {  	_ =	shalt  }
0x5b: {  	_ =	shalt  }
0x5c: {  	_ =	shalt  }
0x5d: {  	_ =	shalt  }
0x5e: {  	_ =	shalt  }
0x5f: {  	_ =	shalt  }
0x60: {  	_ =	shalt  }
0x61: {  	_ =	shalt  }
0x62: {  	_ =	shalt  }
0x63: {  	_ =	shalt  }
0x64: {  	_ =	shalt  }
0x65: {  	_ =	shalt  }
0x66: {  	_ =	shalt  }
0x67: {  	_ =	shalt  }
0x68: {  	_ =	shalt  }
0x69: {  	_ =	shalt  }
0x6a: {  	_ =	shalt  }
0x6b: {  	_ =	shalt  }
0x6c: {  	_ =	shalt  }
0x6d: {  	_ =	shalt  }
0x6e: {  	_ =	shalt  }
0x6f: {  	_ =	shalt  }
0x70: {  	_ =	shalt  }
0x71: {  	_ =	shalt  }
0x72: {  	_ =	shalt  }
0x73: {  	_ =	shalt  }
0x74: {  	_ =	shalt  }
0x75: {  	_ =	shalt  }
0x76: {  	_ =	shalt  }
0x77: {  	_ =	shalt  }
0x78: {  	_ =	shalt  }
0x79: {  	_ =	shalt  }
0x7a: {  	_ =	shalt  }
0x7b: {  	_ =	shalt  }
0x7c: {  	_ =	shalt  }
0x7d: {  	_ =	shalt  }
0x7e: {  	_ =	shalt  }
0x7f: {  	_ =	shalt  }
0x80: {  	_ =	shalt  }
0x81: {  	_ =	shalt  }
0x82: {  	_ =	shalt  }
0x83: {  	_ =	shalt  }
0x84: {  	_ =	shalt  }
0x85: {  	_ =	shalt  }
0x86: {  	_ =	shalt  }
0x87: {  	_ =	shalt  }
.Lfunc_end0:
.L_simem_size_0:
called_computation_lowered:
.L_overlay_start_0:
0x88: {  	s2 =	sld [smem:$0x3FD9]  }
0x89: {  	s3 =	sld [smem:$0x3FFE];
	_ =	sdelay $0x1  }
0x8a: {  	s1 =	srdreg.scid  }
0x8b: {  	s0 =	sand.u32 $0x1, s1  }
0x8c: {  	s18 =	sshll.u32 s0, $0xA;
	s2 =	sadd.s32 s3, s2  }
0x8d: {  	s2 =	sadd.s32 s2, s18  }
0x8e: {  	[smem:$0x3FC4] =	sst s2  }
0x8f: {  	_ = 	snop  }
0x90: {  	s2 =	sld [smem:$0x3FC9]  }
0x91: {  	s19 =	sld [smem:$0x3FC8]  }
0x92: {  	s4 =	sld [smem:$0x3FC7]  }
0x93: {  	s5 =	sld [smem:$0x3FC6]  }
0x94: {  	s6 =	sld [smem:$0x3FD0];
	(tm) =	ssettm $0x1  }
0x95: {  	s7 =	sld [smem:$0x3FFB];
	_ =	sdelay $0x3  }
0x96: {  	_ =	strace s7  }
0x97: {  	s7 =	sld [smem:$0x3FFC];
	_ =	sdelay $0x3  }
0x98: {  	_ =	strace s7  }
0x99: {  	s7 =	sld [smem:$0x3FFD];
	_ =	sdelay $0x3  }
0x9a: {  	_ =	strace s7  }
0x9b: {  	_ =	strace $0x8FFFFFFF  }
0x9c: {  	s20 =	sld [smem:$0x3FDB];
	_ =	sdelay $0x1  }
0x9d: {  	s8 =	simm.s32 $_scs_section_size  }
0x9e: {  	s9 =	simm.s32 $_size__tile_overlayer_lowered;
	s10 =	simm.s32 $_tile_overlayer_lowered  }
0x9f: {  	s23 =	simm.s32 $0x1BFF;
	s22 =	sshll.u32 s10, $0x1;
	s7 =	sadd.s32 s8, s20  }
0xa0: {  	s11 =	simm.s32 $0x0;
	s21 =	sshll.u32 s9, $0x1;
	s9 =	sadd.s32 s22, s7  }
0xa1: {  	[timem:s11], [sflag:s23] =	dma.local [hbm:s9], s21  }
0xa2: {  	_ =	swait.ge [sflag:s23], s21  }
0xa3: {  	s8 =	ssub.s32 $0x0, s21;
	[sflag:s23] =	ssyncset.done $0x0  }
0xa4: {  	[sflag:s23] =	ssyncadd.s32 s8;
	_ =	sdelay $0x1  }
0xa5: {  	s24 =	simm.s32 $0x1B8B  }
0xa6: {  	_ =	swait.ge [sflag:s24], $0x1  }
0xa7: {  	[sflag:s24] =	ssyncset.done $0x0  }
0xa8: {  	s25 =	simm.s32 $0x1B8E;
	[sflag:s24] =	ssyncadd.s32 $0xFFFFFFFF  }
0xa9: {  	s26 =	simm.s32 $execute0_lowered;
	[smem:$0x3FD2] =	sst s25  }
0xaa: {  	s8 =	sshll.u32 s26, $0x1;
	_ =	strace $0x80000046;
	[dreg:$0x1] =	wrdreg $0xFFFFFFFF  }
0xab: {  	s28 =	simm.s32 $_size_execute0_lowered;
	s7 =	sadd.s32 s7, s8;
	[dreg:$0x0] =	wrdreg $0x0  }
0xac: {  	s8 =	sshll.u32 s28, $0x1;
	[dreg:$0x2] =	wrdreg s7  }
0xad: {  	[dreg:$0x3] =	wrdreg s8  }
0xae: {  	[dreg:$0x4] =	wrdreg $0xC0  }
0xaf: {  	_ =	task [dreg:s11], $0x5FFFF  }
0xb0: {  	[dreg:$0x1] =	wrdreg $0xFFFFFFFF  }
0xb1: {  	[dreg:$0x0] =	wrdreg $0x60  }
0xb2: {  	[dreg:$0x2] =	wrdreg s2  }
0xb3: {  	[dreg:$0x3] =	wrdreg s19  }
0xb4: {  	[dreg:$0x4] =	wrdreg s4  }
0xb5: {  	[dreg:$0x5] =	wrdreg s5  }
0xb6: {  	[dreg:$0x6] =	wrdreg s6  }
0xb7: {  	[dreg:$0x7] =	wrdreg $0x9  }
0xb8: {  	_ =	task.clear_ibuf [dreg:s11], $0x8FFFF;
	_ =	strace $0x90000046  }
0xb9: {  	s29 =	simm.s32 $0x9;
	_ =	strace $0x80000048  }
0xba: {  	_ =	swait.ge [sflag:s29], $0x1  }
0xbb: {  	[sflag:s29] =	ssyncadd.s32 $0xFFFFFFFF  }
0xbc: {  	_ =	strace $0x90000048  }
0xbd: {  	_ =	sfence  }
0xbe: {  	s30 =	sld [smem:$0x0];
	_ =	sdelay $0x2  }
0xbf: {  	s31 =	sshll.u32 s1, $0xD;
	s1 =	sshrl.u32 s1, $0x2  }
0xc0: {  	s3 =	sand.u32 $0x4000, s31;
	s1 =	sadd.s32 s1, s30  }
0xc1: {  	s0 =	sor.u32 s3, s0;
	s1 =	sshll.u32 s1, $0x11  }
0xc2: {  	s0 =	sor.u32 s1, s0  }
0xc3: {  	s0 =	sadd.s32 $0x8F2B, s0  }
0xc4: {  	[sflag:s0] =	ssyncadd.remote.s32 $0x1  }
0xc5: {  	_ =	sfence.sel $0xFFFF  }
0xc6: {  	[dreg:$0x0] =	wrdreg $0xFFFFFFFF;
	(pc) =	sbr.abs _section_cstart, $3  }
0xc7: {  	[dreg:$0x1] =	wrdreg $0xFFFFFFFF  }
0xc8: {  	_ =	task.clear_ibuf [dreg:s11], $0x2FFFF;
	_ =	strace $0x9FFFFFFF  }
0xc9: {  	(tm) =	ssettm $0x7FFFFFFF  }
tec
execute0_lowered:
.L_overlay_start_1:
0x0: {  	(tag) =	ssettag $0x1  }
0x1: {  	v0 =	vimm.s32 $0xFEDCBA98  }
0x2: {  	v1 =	vimm.s32 $0x76543210;
	v2 =	vimm.s32 $0xBA98FEDC;
	v3 =	vimm.s32 $0x32107654  }
0x3: {  	v4 =	vimm.s32 $0xDCFE98BA;
	v5 =	vimm.s32 $0x54761032;
	v6 =	vimm.s32 $0xEFCDAB89  }
0x4: {  	v7 =	vimm.s32 $0x67452301;
	v0 =	vunpack.c.l.s4.s8 v0;
	v4 =	vunpack.c.l.s4.s8 v4  }
0x5: {  	v5 =	vunpack.c.l.s4.s8 v5;
	v6 =	vunpack.c.l.s4.s8 v6;
	v7 =	vunpack.c.l.s4.s8 v7  }
0x6: {  	s0 =	rddreg [dreg:$0x0];
	v2 =	vunpack.c.l.s4.s8 v2;
	v3 =	vunpack.c.l.s4.s8 v3;
	v4 =	vunpack.c.0.s8.s32 v4  }
0x7: {  	s1 =	rddreg [dreg:$0x4];
	v5 =	vunpack.c.0.s8.s32 v5;
	v6 =	vunpack.c.0.s8.s32 v6;
	v7 =	vunpack.c.0.s8.s32 v7  }
0x8: {  	s2 =	srdreg.scid;
	s4 =	stileid.u32;
	s6 =	simm.s32 $0x0;
	v1 =	vunpack.c.l.s4.s8 v1;
	v2 =	vunpack.c.0.s8.s32 v2;
	v3 =	vunpack.c.0.s8.s32 v3  }
0x9: {  	s10 =	simm.s32 $0x3;
	s11 =	simm.s32 $0x6780;
	s12 =	simm.s32 $0x6800;
	v0 =	vunpack.c.0.s8.s32 v0;
	v48 =	vcombine.low v5, v4;
	v4 =	vcombine.low v7, v6  }
0xa: {  	s2 =	sand.u32 $0x1, s2;
	s4 =	sshll.u32 s4, $0x4;
	[smem:$0x7FF] =	sst s6;
	v1 =	vunpack.c.0.s8.s32 v1;
	v55 =	vcombine.low v3, v2  }
0xb: {  	s3 =	ssub.s32 $0x2, s2;
	s2 =	sshll.u32 s2, $0x3;
	_ =	strace $0x80000047;
	v0 =	vand.u32 $0xF, v0;
	[tilespmem:$0x1FFC0] =	vst v4  }
0xc: {  	s13 =	simm.s32 $0x4780;
	s5 =	sshrl.u32 s3, $0x1;
	s7 =	sor.u32 s2, s4;
	v57 =	vcombine.low v0, v1;
	[tilespmem:$0x1FFD0] =	vst v55  }
0xd: {  	s14 =	simm.s32 $0x6880;
	s30 =	ssub.s32 s3, s5;
	s31 =	sshll.u32 s7, $0x5;
	[tilespmem:$0x1FFE0] =	vst v48  }
0xe: {  	s15 =	simm.s32 $0x0;
	s8 =	sadd.s32 s1, s31;
	s9 =	smax.u32 s30, $0x1;
	[tilespmem:$0x1FFF0] =	vst v57  }
.LBB2_1:
0xf: {  	s1 =	rddreg [dreg:$0x1]  }
0x10: {  	[tilespmem:s6], [sflag:$0x3] =	stream.linear.gather [hbm4b:s1+s6], $0x2780, $0x38;
	[tilespmem:$0x7880] =	vst v63  }
0x11: {  	_ =	swait.ge [sflag:s10], $0x2780  }
0x12: {  	[sflag:s10] =	ssyncset.done $0x0  }
0x13: {  	[sflag:s10] =	ssyncadd.s32 $0xFFFFD880  }
0x14: {  	s30 =	rddreg [dreg:$0x2]  }
0x15: {  	[tilespmem:s11], [sflag:$0x3] =	stream.linear.gather [hbm4b:s30+s6], $0x80, $0x38;
	[tilespmem:$0x7880] =	vst v63  }
0x16: {  	_ =	swait.ge [sflag:s10], $0x80  }
0x17: {  	[sflag:s10] =	ssyncset.done $0x0  }
0x18: {  	[sflag:s10] =	ssyncadd.s32 $0xFFFFFF80  }
0x19: {  	s31 =	rddreg [dreg:$0x3]  }
0x1a: {  	[tilespmem:s12], [sflag:$0x3] =	stream.linear.gather [hbm4b:s31+s6], $0x80, $0x38;
	[tilespmem:$0x7880] =	vst v63  }
0x1b: {  	_ =	swait.ge [sflag:s10], $0x80  }
0x1c: {  	[sflag:s10] =	ssyncset.done $0x0  }
0x1d: {  	[sflag:s10] =	ssyncadd.s32 $0xFFFFFF80  }
0x1e: {  	v3 =	vld [tilespmem:$0x6780]  }
0x1f: {  	v11 =	vld [tilespmem:$0x6790]  }
0x20: {  	v12 =	vld [tilespmem:$0x67A0]  }
0x21: {  	v13 =	vld [tilespmem:$0x67B0]  }
0x22: {  	v14 =	vld [tilespmem:$0x67C0]  }
0x23: {  	v15 =	vld [tilespmem:$0x67D0]  }
0x24: {  	v9 =	vld [tilespmem:$0x67E0]  }
0x25: {  	v10 =	vld [tilespmem:$0x67F0]  }
0x26: {  	s1 =	simm.s32 $0x0;
	v8 =	vld [tilespmem:$0x6800]  }
.LBB2_2:
0x27: {  	s4 =	sadd.s32 s7, s1;
	s2 =	simm.s32 $0x0  }
0x28: {  	s5 =	simm.s32 $0x271;
	s3 =	simm.s32 $0x271;
	s16 =	simm.s32 $0x9  }
.LBB2_3:
0x29: {  	p0 =	sne.s32 s16, $0x1;
	p1 =	slt.s32 s3, $0x1;
	s17 =	sand.u32 $0x1, s3  }
0x2a: {  	s18 =	sshrl.u32 s3, $0x1F;
	p2 =	seq.s32 s17, $0x1  }
0x2b: {  	s3 =	sadd.s32 s18, s3;
	p1 =	por !p1, !p2  }
0x2c: {  	s17 =	simm.s32 $0x1;
	s3 =	sshra.s32 s3, $0x1;
	p1 =	por !p1, !p1  }
0x2d: {  	s17 =	simm.s32 @!p1 $0x0  }
0x2e: {  	s3 =	ssub.s32 s3, s17  }
0x2f: {  	s17 =	sshll.u32 s3, $0x6;
	s18 =	sadd.s32 $0x1, s3  }
0x30: {  	s17 =	sshra.s32 s17, $0x2  }
0x31: {  	v2 =	vld [tilespmem:s17+$0x0];
	_ =	sdelay $0x4  }
0x32: {  	(v2sf) =	vpush v2, $0x0;
	_ =	sdelay $0xe  }
.Ltmp0:
0x33: {  	s17 =	spop (v2sf);
	(pc) =	sbr.rel @p0 .LBB2_3-.Ltmp0, $4  }
0x34: {  	p1 =	slt.s32 s17, s4;
	s17 =	smov.u32 s2  }
0x35: {  	p2 =	slt.s32 s2, s5;
	s17 =	smov.u32 @p1 s18;
	s3 =	smov.u32 @p1 s5  }
0x36: {  	s2 =	smov.u32 @p2 s17;
	s5 =	smov.u32 @p2 s3  }
0x37: {  	s16 =	sadd.s32 $0xFFFFFFFF, s16;
	s3 =	sadd.s32 s2, s5  }
0x38: {  	s16 =	sand.u32 $0x1, s3  }
0x39: {  	p0 =	slt.s32 s3, $0x1;
	p1 =	seq.s32 s16, $0x1  }
0x3a: {  	s29 =	sshrl.u32 s3, $0x1F;
	p0 =	por !p0, !p1  }
0x3b: {  	s3 =	sadd.s32 s29, s3;
	s16 =	simm.s32 $0x1;
	p0 =	por !p0, !p0  }
0x3c: {  	s3 =	sshra.s32 s3, $0x1;
	s16 =	simm.s32 @!p0 $0x0  }
0x3d: {  	s3 =	ssub.s32 s3, s16  }
0x3e: {  	s16 =	sshll.u32 s3, $0x6  }
0x3f: {  	s16 =	sshra.s32 s16, $0x2  }
0x40: {  	v2 =	vld [tilespmem:s16+$0x0];
	_ =	sdelay $0x4  }
0x41: {  	(v2sf) =	vpush v2, $0x0;
	_ =	sdelay $0xe  }
0x42: {  	s30 =	spop (v2sf)  }
0x43: {  	s3 =	sadd.s32 $0x1, s3;
	s16 =	smov.u32 s2;
	p0 =	slt.s32 s30, s4  }
0x44: {  	p1 =	slt.s32 s2, s5;
	s16 =	smov.u32 @p0 s3  }
0x45: {  	s2 =	smov.u32 @p1 s16  }
0x46: {  	p0 =	sgt.s32 s2, $0x1;
	s3 =	smov.u32 s2  }
0x47: {  	s3 =	simm.s32 @!p0 $0x1  }
0x48: {  	s3 =	sshll.u32 s3, $0x4  }
0x49: {  	v2 =	vld [tilespmem:s3+$0xFFFFFFF0];
	_ =	sdelay $0x4  }
0x4a: {  	v2 =	vsub.s32 s4, v2  }
0x4b: {  	v0 =	vimm.s32 $0x0;
	vm0 =	vgt.s32 v2, $0x0  }
0x4c: {  	v2 =	vsel vm0, $0x1, v0  }
0x4d: {  	v5 =	vperm.xlane v2, v57;
	_ =	sdelay $0x1  }
0x4e: {  	v2 =	vadd.s32 v2, v5  }
0x4f: {  	v5 =	vperm.xlane v2, v55;
	_ =	sdelay $0x1  }
0x50: {  	v2 =	vadd.s32 v5, v2  }
0x51: {  	v5 =	vperm.xlane v2, v48;
	_ =	sdelay $0x1  }
0x52: {  	v2 =	vadd.s32 v5, v2  }
0x53: {  	v5 =	vperm.xlane v2, v4;
	_ =	sdelay $0x1  }
0x54: {  	v2 =	vadd.s32 v5, v2  }
0x55: {  	(v2sf) =	vpush v2, $0x0;
	_ =	sdelay $0xe  }
0x56: {  	s3 =	sadd.s32 $0xFFFFFFF0, s3;
	s31 =	spop (v2sf)  }
0x57: {  	p0 =	seq.s32 s2, $0x0;
	s2 =	sadd.s32 s3, s31  }
0x58: {  	s2 =	simm.s32 @p0 $0x0  }
0x59: {  	[smem:s1] =	sst s2;
	s1 =	sadd.s32 $0x1, s1  }
0x5a: {  	p0 =	sne.s32 s1, $0x9  }
.Ltmp1:
0x5b: {  	_ = 	snop;
	(pc) =	sbr.rel @p0 .LBB2_2-.Ltmp1, $1  }
0x5c: {  	_ =	sdelay $0x3  }
0x5d: {  	v0 =	vimm.f32 $0.0e+00  }
0x5e: {  	v1 =	vimm.f32 $-3.402823470e+38;
	[tilespmem:$0x7080] =	vst v0  }
0x5f: {  	[tilespmem:$0x7480] =	vst v1  }
0x60: {  	[tilespmem:$0x7090] =	vst v0  }
0x61: {  	[tilespmem:$0x7490] =	vst v1  }
0x62: {  	[tilespmem:$0x70A0] =	vst v0  }
0x63: {  	[tilespmem:$0x74A0] =	vst v1  }
0x64: {  	[tilespmem:$0x70B0] =	vst v0  }
0x65: {  	[tilespmem:$0x74B0] =	vst v1  }
0x66: {  	[tilespmem:$0x70C0] =	vst v0  }
0x67: {  	[tilespmem:$0x74C0] =	vst v1  }
0x68: {  	[tilespmem:$0x70D0] =	vst v0  }
0x69: {  	[tilespmem:$0x74D0] =	vst v1  }
0x6a: {  	[tilespmem:$0x70E0] =	vst v0  }
0x6b: {  	[tilespmem:$0x74E0] =	vst v1  }
0x6c: {  	[tilespmem:$0x70F0] =	vst v0  }
0x6d: {  	[tilespmem:$0x74F0] =	vst v1  }
0x6e: {  	[tilespmem:$0x7100] =	vst v0  }
0x6f: {  	[tilespmem:$0x7500] =	vst v1  }
0x70: {  	[tilespmem:$0x7110] =	vst v0  }
0x71: {  	[tilespmem:$0x7510] =	vst v1  }
0x72: {  	[tilespmem:$0x7120] =	vst v0  }
0x73: {  	[tilespmem:$0x7520] =	vst v1  }
0x74: {  	[tilespmem:$0x7130] =	vst v0  }
0x75: {  	[tilespmem:$0x7530] =	vst v1  }
0x76: {  	[tilespmem:$0x7140] =	vst v0  }
0x77: {  	[tilespmem:$0x7540] =	vst v1  }
0x78: {  	[tilespmem:$0x7150] =	vst v0  }
0x79: {  	[tilespmem:$0x7550] =	vst v1  }
0x7a: {  	[tilespmem:$0x7160] =	vst v0  }
0x7b: {  	[tilespmem:$0x7560] =	vst v1  }
0x7c: {  	[tilespmem:$0x7170] =	vst v0  }
0x7d: {  	[tilespmem:$0x7570] =	vst v1  }
0x7e: {  	[tilespmem:$0x7180] =	vst v0  }
0x7f: {  	[tilespmem:$0x7580] =	vst v1  }
0x80: {  	[tilespmem:$0x7190] =	vst v0  }
0x81: {  	[tilespmem:$0x7590] =	vst v1  }
0x82: {  	[tilespmem:$0x71A0] =	vst v0  }
0x83: {  	[tilespmem:$0x75A0] =	vst v1  }
0x84: {  	[tilespmem:$0x71B0] =	vst v0  }
0x85: {  	[tilespmem:$0x75B0] =	vst v1  }
0x86: {  	[tilespmem:$0x71C0] =	vst v0  }
0x87: {  	[tilespmem:$0x75C0] =	vst v1  }
0x88: {  	[tilespmem:$0x71D0] =	vst v0  }
0x89: {  	[tilespmem:$0x75D0] =	vst v1  }
0x8a: {  	[tilespmem:$0x71E0] =	vst v0  }
0x8b: {  	[tilespmem:$0x75E0] =	vst v1  }
0x8c: {  	[tilespmem:$0x71F0] =	vst v0  }
0x8d: {  	[tilespmem:$0x75F0] =	vst v1  }
0x8e: {  	[tilespmem:$0x7200] =	vst v0  }
0x8f: {  	[tilespmem:$0x7600] =	vst v1  }
0x90: {  	[tilespmem:$0x7210] =	vst v0  }
0x91: {  	[tilespmem:$0x7610] =	vst v1  }
0x92: {  	[tilespmem:$0x7220] =	vst v0  }
0x93: {  	[tilespmem:$0x7620] =	vst v1  }
0x94: {  	[tilespmem:$0x7230] =	vst v0  }
0x95: {  	[tilespmem:$0x7630] =	vst v1  }
0x96: {  	[tilespmem:$0x7240] =	vst v0  }
0x97: {  	[tilespmem:$0x7640] =	vst v1  }
0x98: {  	[tilespmem:$0x7250] =	vst v0  }
0x99: {  	[tilespmem:$0x7650] =	vst v1  }
0x9a: {  	[tilespmem:$0x7260] =	vst v0  }
0x9b: {  	[tilespmem:$0x7660] =	vst v1  }
0x9c: {  	[tilespmem:$0x7270] =	vst v0  }
0x9d: {  	[tilespmem:$0x7670] =	vst v1  }
0x9e: {  	[tilespmem:$0x7280] =	vst v0  }
0x9f: {  	[tilespmem:$0x7680] =	vst v1  }
0xa0: {  	[tilespmem:$0x7290] =	vst v0  }
0xa1: {  	[tilespmem:$0x7690] =	vst v1  }
0xa2: {  	[tilespmem:$0x72A0] =	vst v0  }
0xa3: {  	[tilespmem:$0x76A0] =	vst v1  }
0xa4: {  	[tilespmem:$0x72B0] =	vst v0  }
0xa5: {  	[tilespmem:$0x76B0] =	vst v1  }
0xa6: {  	[tilespmem:$0x72C0] =	vst v0  }
0xa7: {  	[tilespmem:$0x76C0] =	vst v1  }
0xa8: {  	[tilespmem:$0x72D0] =	vst v0  }
0xa9: {  	[tilespmem:$0x76D0] =	vst v1  }
0xaa: {  	[tilespmem:$0x72E0] =	vst v0  }
0xab: {  	[tilespmem:$0x76E0] =	vst v1  }
0xac: {  	[tilespmem:$0x72F0] =	vst v0  }
0xad: {  	[tilespmem:$0x76F0] =	vst v1  }
0xae: {  	[tilespmem:$0x7300] =	vst v0  }
0xaf: {  	[tilespmem:$0x7700] =	vst v1  }
0xb0: {  	[tilespmem:$0x7310] =	vst v0  }
0xb1: {  	[tilespmem:$0x7710] =	vst v1  }
0xb2: {  	[tilespmem:$0x7320] =	vst v0  }
0xb3: {  	[tilespmem:$0x7720] =	vst v1  }
0xb4: {  	[tilespmem:$0x7330] =	vst v0  }
0xb5: {  	[tilespmem:$0x7730] =	vst v1  }
0xb6: {  	[tilespmem:$0x7340] =	vst v0  }
0xb7: {  	[tilespmem:$0x7740] =	vst v1  }
0xb8: {  	[tilespmem:$0x7350] =	vst v0  }
0xb9: {  	[tilespmem:$0x7750] =	vst v1  }
0xba: {  	[tilespmem:$0x7360] =	vst v0  }
0xbb: {  	[tilespmem:$0x7760] =	vst v1  }
0xbc: {  	[tilespmem:$0x7370] =	vst v0  }
0xbd: {  	[tilespmem:$0x7770] =	vst v1  }
0xbe: {  	[tilespmem:$0x7380] =	vst v0  }
0xbf: {  	[tilespmem:$0x7780] =	vst v1  }
0xc0: {  	[tilespmem:$0x7390] =	vst v0  }
0xc1: {  	[tilespmem:$0x7790] =	vst v1  }
0xc2: {  	[tilespmem:$0x73A0] =	vst v0  }
0xc3: {  	[tilespmem:$0x77A0] =	vst v1  }
0xc4: {  	[tilespmem:$0x73B0] =	vst v0  }
0xc5: {  	[tilespmem:$0x77B0] =	vst v1  }
0xc6: {  	[tilespmem:$0x73C0] =	vst v0  }
0xc7: {  	s2 =	sld [smem:$0x0];
	[tilespmem:$0x77C0] =	vst v1  }
0xc8: {  	s3 =	sld [smem:$0x8];
	[tilespmem:$0x73D0] =	vst v0  }
0xc9: {  	[tilespmem:$0x77D0] =	vst v1  }
0xca: {  	[tilespmem:$0x73E0] =	vst v0;
	s1 =	sshra.s32 s2, $0x1F;
	s4 =	sand.u32 $0x3F, s2  }
0xcb: {  	[tilespmem:$0x77E0] =	vst v1;
	p0 =	slt.s32 s2, $0x1;
	s30 =	sadd.s32 $0xFFFFFFFF, s3;
	s1 =	sshrl.u32 s1, $0x1A  }
0xcc: {  	[tilespmem:$0x73F0] =	vst v0;
	p1 =	sne.s32 s4, $0x0;
	s5 =	sand.u32 $0x3F, s30;
	s16 =	sshra.s32 s30, $0x1F  }
0xcd: {  	[tilespmem:$0x77F0] =	vst v1;
	p6 =	slt.s32 s30, $0x1;
	s1 =	sadd.s32 s1, s2;
	p0 =	por !p0, !p1  }
0xce: {  	[tilespmem:$0x7400] =	vst v0;
	p2 =	sne.s32 s5, $0x0;
	s5 =	simm.s32 $0x1;
	s16 =	sshrl.u32 s16, $0x1A  }
0xcf: {  	[tilespmem:$0x7800] =	vst v1;
	s1 =	sshra.s32 s1, $0x6;
	p0 =	por !p0, !p0;
	p1 =	por !p6, !p2  }
0xd0: {  	[tilespmem:$0x7410] =	vst v0;
	s4 =	sadd.s32 s16, s30;
	s16 =	simm.s32 $0x1;
	p1 =	por !p1, !p1  }
0xd1: {  	[tilespmem:$0x7810] =	vst v1;
	s5 =	simm.s32 @!p0 $0x0;
	s4 =	sshra.s32 s4, $0x6;
	s16 =	simm.s32 @!p1 $0x0  }
0xd2: {  	[tilespmem:$0x7420] =	vst v0;
	p0 =	sgt.s32 s3, s2;
	s1 =	ssub.s32 s1, s5;
	s4 =	ssub.s32 s4, s16  }
0xd3: {  	[tilespmem:$0x7820] =	vst v1;
	s16 =	smov.u32 s1;
	s31 =	sand.u32 $0x1, s1;
	s2 =	sadd.s32 $0x1, s4  }
0xd4: {  	[tilespmem:$0x7430] =	vst v0;
	s16 =	smov.u32 @p0 s2;
	p0 =	seq.s32 s31, $0x1  }
0xd5: {  	[tilespmem:$0x7830] =	vst v1;
	p2 =	sge.s32 @!p0 s1, s16  }
0xd6: {  	[tilespmem:$0x7440] =	vst v0;
	p1 =	por p2, p0  }
0xd7: {  	[tilespmem:$0x7840] =	vst v1;
	s2 =	sshll.u32 @!p1 s1, $0x6  }
0xd8: {  	[tilespmem:$0x7450] =	vst v0;
	p3 =	slt.s32 @!p1 s2, $0x26D0  }
0xd9: {  	[tilespmem:$0x7850] =	vst v1;
	p2 =	por @!p0 !p3, p2  }
0xda: {  	[tilespmem:$0x7460] =	vst v0;
	p2 =	por !p2, p0  }
0xdb: {  	[tilespmem:$0x7860] =	vst v1;
	s2 =	simm.s32 @!p2 $0x26D0  }
0xdc: {  	[tilespmem:$0x7470] =	vst v0;
	s2 =	sshll.u32 @!p1 s2, $0x4  }
0xdd: {  	[tilespmem:$0x7870] =	vst v1;
	s3 =	simm.s32 @!p1 $0x0;
	s4 =	simm.s32 @!p1 $0x2780;
	s2 =	sadd.s32 @!p1 s0, s2  }
0xde: {  	[tilespmem:s4], [sflag:$0x1] =	stream.linear.gather @!p1 [hbm4b:s2+s3], $0x2000, $0x38;
	[tilespmem:$0x7880] =	vst v63  }
0xdf: {  	p1 =	sge.s32 s1, s16  }
0xe0: {  	p2 =	por !p0, p1  }
0xe1: {  	s2 =	sshll.u32 @!p2 s1, $0x6  }
0xe2: {  	p3 =	slt.s32 @!p2 s2, $0x26D0  }
0xe3: {  	p0 =	por @!p1 !p3, !p0  }
.Ltmp2:
0xe4: {  	p0 =	por !p0, p1;
	(pc) =	sbr.rel @p1 .LBB2_22-.Ltmp2, $4  }
0xe5: {  	s2 =	simm.s32 @!p0 $0x26D0  }
0xe6: {  	s2 =	sshll.u32 @!p2 s2, $0x4  }
0xe7: {  	s3 =	simm.s32 @!p2 $0x0;
	s4 =	simm.s32 @!p2 $0x4780;
	s2 =	sadd.s32 @!p2 s0, s2  }
0xe8: {  	[tilespmem:s4], [sflag:$0x2] =	stream.linear.gather @!p2 [hbm4b:s2+s3], $0x2000, $0x38;
	[tilespmem:$0x7880] =	vst v63  }
.Ltmp3:
0xe9: {  	(pc) =	sbr.rel .LBB2_8-.Ltmp3, $3  }
0xea: {  	_ =	sdelay $0x1  }
0xeb: {  	[tilespmem:$0x1FFA0] =	vst v3  }
0xec: {  	s17 =	sshll.u32 s1, $0xD;
	s18 =	sshll.u32 s1, $0x6;
	[tilespmem:$0x1FFB0] =	vst v8  }
.LBB2_7:
.Ltmp4:
0xed: {  	(pc) =	sbr.rel @p0 .LBB2_22-.Ltmp4, $2  }
0xee: {  	_ =	sdelay $0x2  }
0xef: {  	s17 =	sadd.s32 $0x2000, s17;
	s18 =	sadd.s32 $0x40, s18;
	s1 =	smov.u32 s19  }
.LBB2_8:
0xf0: {  	s19 =	sadd.s32 $0x1, s1  }
0xf1: {  	p0 =	sge.s32 s19, s16  }
0xf2: {  	s2 =	sshll.u32 @!p0 s19, $0x6  }
0xf3: {  	p1 =	slt.s32 @!p0 s2, $0x26D0  }
0xf4: {  	s3 =	sand.u32 @!p0 $0x1, s19;
	p1 =	por !p1, p0  }
0xf5: {  	p2 =	seq.s32 @!p0 s3, $0x1;
	s2 =	simm.s32 @p1 $0x26D0  }
0xf6: {  	p1 =	por p2, p0;
	s2 =	sshll.u32 @!p0 s2, $0x4  }
0xf7: {  	s3 =	simm.s32 @!p1 $0x0;
	s4 =	simm.s32 @!p1 $0x2780;
	s2 =	sadd.s32 @!p0 s0, s2  }
0xf8: {  	[tilespmem:s4], [sflag:$0x1] =	stream.linear.gather @!p1 [hbm4b:s2+s3], $0x2000, $0x38;
	[tilespmem:$0x7880] =	vst v63  }
0xf9: {  	s3 =	sand.u32 @!p1 $0x1, s1  }
0xfa: {  	p1 =	seq.s32 @!p1 s3, $0x1  }
0xfb: {  	p1 =	por @!p0 p2, !p1  }
0xfc: {  	s29 =	sand.u32 $0x1, s1;
	s30 =	sshll.u32 s17, $0x2;
	p1 =	por p0, !p1  }
0xfd: {  	[tilespmem:s13], [sflag:$0x2] =	stream.linear.gather @!p1 [hbm4b:s2+s6], $0x2000, $0x38;
	[tilespmem:$0x7880] =	vst v63  }
0xfe: {  	s3 =	smov.u32 s18;
	p2 =	seq.s32 s29, $0x1;
	p1 =	slt.s32 s18, $0x26D0  }
.Ltmp5:
0xff: {  	s2 =	simm.s32 $0x2;
	s3 =	simm.s32 @!p1 $0x26D0;
	(pc) =	sbr.rel .LBB2_9-.Ltmp5, $4  }
0x100: {  	s4 =	sand.u32 $0x8000, s30;
	s2 =	simm.s32 @!p2 $0x1;
	s3 =	sshll.u32 s3, $0x9  }
0x101: {  	s20 =	sshll.u32 s1, $0x6;
	_ =	swait.ge [sflag:s2], $0x2000;
	s3 =	ssub.s32 s4, s3  }
0x102: {  	s23 =	simm.s32 $0x0;
	[sflag:s2] =	ssyncset.done $0x0;
	s31 =	sshra.s32 s3, $0x2  }
0x103: {  	s5 =	sshll.u32 s19, $0x6;
	[sflag:s2] =	ssyncadd.s32 $0xFFFFE000;
	s22 =	sadd.s32 $0x27C0, s31  }
.LBB2_11:
0x104: {  	_ = 	snop  }
0x105: {  	_ = 	snop  }
0x106: {  	_ = 	snop  }
0x107: {  	_ = 	snop  }
0x108: {  	_ = 	snop  }
0x109: {  	_ = 	snop  }
0x10a: {  	_ = 	snop  }
0x10b: {  	_ = 	snop  }
0x10c: {  	v42 =	vmovc v61;
	v45 =	vmov v44;
	v46 =	vmov v18;
	v22 =	vmov v52  }
0x10d: {  	v47 =	vmovc v33;
	v43 =	vld [tilespmem:$0x1FF10];
	v41 =	vmovc v38;
	v37 =	vmov v40;
	v18 =	vmov v7;
	v16 =	vmov v1  }
.LBB2_20:
0x10e: {  	v0 =	vadd.f32 v6, v2;
	v1 =	vmul.f32 v46, v10;
	_ =	sdelay $0x1  }
0x10f: {  	v0 =	vadd.f32 v1, v0;
	_ =	sdelay $0x1  }
0x110: {  	v1 =	vperm.xlane v0, v57  }
0x111: {  	v2 =	vadd.f32 @p1 v54, v17  }
0x112: {  	v0 =	vadd.f32 v0, v1  }
0x113: {  	v1 =	vadd.f32 @p1 v2, v8  }
0x114: {  	v2 =	vperm.xlane v0, v55  }
0x115: {  	v3 =	vpop @p2 (erf);
	v1 =	vsub.f32 @p1 $0.0e+00, v1  }
0x116: {  	v0 =	vadd.f32 v0, v2;
	v2 =	vadd.f32 @p2 $1.000000000e+00, v3  }
0x117: {  	v1 =	vmul.f32 @p1 $1.442695020e+00, v1  }
0x118: {  	(erf) = vrcp.f32 @p2 v2;
	v2 =	vperm.xlane v0, v48  }
0x119: {  	(erf) = vpow2.f32 @p1 v1  }
0x11a: {  	v0 =	vadd.f32 v0, v2;
	_ =	sdelay $0x1  }
0x11b: {  	v1 =	vperm.xlane v0, v4;
	_ =	sdelay $0x1  }
0x11c: {  	v0 =	vadd.f32 v0, v1;
	_ =	sdelay $0x1  }
0x11d: {  	v0 =	vadd.f32 v0, v8  }
0x11e: {  	v1 =	vpop @p2 (erf)  }
0x11f: {  	v17 =	vld [tilespmem:$0x1FE90];
	v0 =	vsub.f32 $0.0e+00, v0;
	v2 =	vpop @p1 (erf)  }
0x120: {  	v54 =	vld [tilespmem:$0x1FEF0];
	v2 =	vadd.f32 @p1 $1.000000000e+00, v2  }
0x121: {  	v3 =	vmul.f32 @p3 v53, v52;
	v0 =	vmul.f32 $1.442695020e+00, v0  }
0x122: {  	(erf) = vrcp.f32 @p1 v2  }
0x123: {  	v52 =	vld [tilespmem:$0x1FE80];
	v3 =	vadd.f32 @p3 v3, v18;
	v18 =	vmovc @p1 v32;
	v4 =	vmul.f32 @p3 v53, v61;
	(erf) = vpow2.f32 v0  }
0x124: {  	v17 =	vmul.f32 @p2 v1, v17;
	v0 =	vadd.f32 @p3 v19, v56;
	v19 =	vmovc @p1 v34;
	v34 =	vmul.f32 @p2 v1, v50;
	v50 =	vld [tilespmem:$0x1FF80]  }
0x125: {  	v18 =	vpsel p1, v18, v54;
	v54 =	vld [tilespmem:$0x1FF40]  }
0x126: {  	v4 =	vadd.f32 @p3 v4, v16;
	v7 =	vmul.f32 @p2 v1, v7;
	v16 =	vadd.f32 @p2 v17, v27;
	v27 =	vmovc @p2 v60;
	v60 =	vld [tilespmem:$0x1FF00]  }
0x127: {  	v2 =	vadd.f32 @p3 v5, v59;
	v59 =	vld [tilespmem:$0x1FEC0]  }
0x128: {  	v6 =	vadd.f32 @p3 v40, v21;
	v21 =	vmov @p1 v49;
	v7 =	vadd.f32 @p2 v7, v63;
	v63 =	vld [tilespmem:$0x1FF70]  }
0x129: {  	v21 =	vpsel p1, v21, v58;
	v32 =	vmovc @p1 v35;
	v5 =	vmul.f32 @p3 v53, v44;
	v53 =	vld [tilespmem:$0x1FEE0];
	v0 =	vpsel p3, v0, v50  }
0x12a: {  	v32 =	vpsel p1, v32, v38;
	v27 =	vmul.f32 @p2 v1, v27;
	v44 =	vld [tilespmem:$0x1FE60];
	v34 =	vpsel p2, v34, v0  }
0x12b: {  	v5 =	vadd.f32 @p3 v5, v25;
	v25 =	vmov @p1 v51;
	v51 =	vld [tilespmem:$0x1FE70];
	v0 =	vadd.f32 @p2 v34, v0;
	v35 =	vpop @p1 (erf)  }
0x12c: {  	v3 =	vpsel p3, v3, v54;
	v25 =	vpsel p1, v25, v60;
	v33 =	vpsel p1, v33, v59;
	v59 =	vld [tilespmem:$0x1FF90];
	v61 =	vpop (erf)  }
0x12d: {  	v17 =	vmovc @p1 v36;
	v2 =	vpsel p3, v2, v63;
	v34 =	vmovc @p2 v62;
	v27 =	vpsel p2, v27, v0;
	v36 =	vadd.f32 $1.000000000e+00, v61  }
0x12e: {  	v58 =	vld [tilespmem:$0x1FF20];
	v17 =	vpsel p1, v17, v53;
	v2 =	vadd.f32 @p2 v27, v2;
	v34 =	vmul.f32 @p2 v1, v34  }
0x12f: {  	v27 =	vpsel p2, v44, v0;
	v1 =	vpsel p2, v1, v0;
	(erf) = vrcp.f32 v36  }
0x130: {  	v53 =	vld [tilespmem:$0x1FF60];
	v38 =	vpsel p2, v52, v0;
	v27 =	vmul.f32 @p2 v1, v27;
	v36 =	vpsel p2, v51, v0  }
0x131: {  	v16 =	vpsel p2, v16, v59;
	v25 =	vmul.f32 @p1 v35, v25;
	v36 =	vmul.f32 @p2 v1, v36  }
0x132: {  	v56 =	vld [tilespmem:$0x1FF10];
	v1 =	vmul.f32 @p2 v1, v38;
	v3 =	vadd.f32 @p2 v27, v3;
	v27 =	vmul.f32 @p1 v35, v33  }
0x133: {  	v5 =	vpsel p3, v5, v58;
	v34 =	vpsel p2, v34, v0;
	v0 =	vpsel p2, v0, v50  }
0x134: {  	v1 =	vadd.f32 @p2 v1, v5;
	v5 =	vadd.f32 @p1 v27, v16;
	v16 =	vmovc @p1 v17;
	v17 =	vpsel p1, v25, v0  }
0x135: {  	v6 =	vpsel p3, v6, v53;
	v16 =	vmul.f32 @p1 v35, v16;
	v0 =	vadd.f32 @p1 v17, v0  }
0x136: {  	v6 =	vadd.f32 @p2 v34, v6  }
0x137: {  	v19 =	vpsel p1, v19, v56;
	v56 =	vld [tilespmem:$0x1FF30];
	v2 =	vpsel p2, v2, v63;
	v16 =	vpsel p1, v16, v0  }
0x138: {  	v6 =	vpsel p2, v6, v53;
	v2 =	vadd.f32 @p1 v16, v2;
	v16 =	vmul.f32 @p1 v35, v18;
	v17 =	vpop (erf)  }
0x139: {  	v5 =	vpsel p1, v5, v59;
	v18 =	vpsel p1, v19, v0;
	v61 =	vmul.f32 v17, v37  }
0x13a: {  	v19 =	vpsel p1, v35, v0;
	v16 =	vpsel p1, v16, v0;
	v62 =	vmul.f32 v17, v42  }
0x13b: {  	v0 =	vpsel p1, v0, v50;
	v6 =	vadd.f32 @p1 v16, v6;
	v5 =	vadd.f32 v61, v5  }
0x13c: {  	[tilespmem:s25+$0x7480] =	vst v31;
	v4 =	vpsel p3, v4, v56;
	v18 =	vmul.f32 @p1 v19, v18;
	v0 =	vadd.f32 v62, v0  }
0x13d: {  	v16 =	vmov @p1 v21;
	v6 =	vpsel p1, v6, v53;
	[tilespmem:s25+$0x7080] =	vst v5;
	v5 =	vmul.f32 v17, v45  }
0x13e: {  	v2 =	vpsel p1, v2, v63;
	v63 =	vmul.f32 v17, v22;
	[tilespmem:s4+$0x7080] =	vst v0;
	v0 =	vpsel p1, v16, v0  }
0x13f: {  	v3 =	vpsel p2, v3, v54;
	v2 =	vadd.f32 v5, v2;
	v0 =	vmul.f32 @p1 v19, v0  }
0x140: {  	v3 =	vadd.f32 @p1 v18, v3;
	[tilespmem:s4+$0x7480] =	vst v30;
	v5 =	vadd.f32 v63, v6;
	v6 =	vmov @p1 v32  }
0x141: {  	v60 =	vld [tilespmem:$0x1FED0];
	v4 =	vadd.f32 @p2 v36, v4;
	[tilespmem:s31+$0x7080] =	vst v2;
	v2 =	vpsel p1, v6, v0;
	v6 =	vmul.f32 v17, v43  }
0x142: {  	v3 =	vpsel p1, v3, v54  }
0x143: {  	v4 =	vpsel p2, v4, v56;
	v3 =	vadd.f32 v6, v3;
	v6 =	vld [tilespmem:$0x1FF50]  }
0x144: {  	[tilespmem:s31+$0x7480] =	vst v29;
	v0 =	vadd.f32 @p1 v0, v4  }
0x145: {  	v33 =	vmov @p1 v39;
	v4 =	vmul.f32 v17, v47;
	v2 =	vmul.f32 @p1 v19, v2;
	[tilespmem:s30+$0x7080] =	vst v5  }
0x146: {  	v33 =	vpsel p1, v33, v60;
	v1 =	vpsel p2, v1, v58;
	[tilespmem:s30+$0x7480] =	vst v28;
	v0 =	vpsel p1, v0, v56  }
0x147: {  	v5 =	vmul.f32 @p1 v35, v33;
	[tilespmem:s29+$0x7480] =	vst v26;
	v1 =	vadd.f32 @p1 v2, v1;
	v0 =	vadd.f32 v4, v0  }
0x148: {  	[tilespmem:s29+$0x7080] =	vst v3;
	v3 =	vmul.f32 v17, v41;
	v2 =	vpsel p2, v7, v6  }
0x149: {  	v4 =	vmax.f32 v24, v47;
	v1 =	vpsel p1, v1, v58;
	[tilespmem:s26+$0x7080] =	vst v0;
	v2 =	vadd.f32 @p1 v5, v2  }
0x14a: {  	v0 =	vmul.f32 v17, v46;
	[tilespmem:s26+$0x7480] =	vst v4;
	v1 =	vadd.f32 v3, v1;
	v3 =	vmax.f32 v20, v41  }
0x14b: {  	[tilespmem:s24+$0x7480] =	vst v3;
	v2 =	vpsel p1, v2, v6  }
0x14c: {  	[tilespmem:s24+$0x7080] =	vst v1;
	v1 =	vmax.f32 v23, v46;
	v0 =	vadd.f32 v0, v2  }
0x14d: {  	v4 =	vld [tilespmem:$0x1FFC0];
	[tilespmem:s28+$0x7480] =	vst v1  }
0x14e: {  	v3 =	vld [tilespmem:$0x1FFA0];
	[tilespmem:s28+$0x7080] =	vst v0  }
.LBB2_21:
0x14f: {  	s23 =	sadd.s32 $0x1, s23  }
0x150: {  	p1 =	seq.s32 s23, $0x8  }
.Ltmp6:
0x151: {  	_ = 	snop;
	(pc) =	sbr.rel @p1 .LBB2_7-.Ltmp6, $1  }
0x152: {  	_ =	sdelay $0x3  }
.LBB2_9:
0x153: {  	s2 =	sld [smem:s23+$0x0]  }
0x154: {  	s3 =	sld [smem:s23+$0x1];
	_ =	sdelay $0x1  }
0x155: {  	s1 =	smov.u32 s20  }
0x156: {  	s21 =	smov.u32 s5;
	p1 =	sgt.s32 s2, s20;
	p2 =	slt.s32 s3, s5  }
0x157: {  	s1 =	smov.u32 @p1 s2;
	s21 =	smov.u32 @p2 s3  }
0x158: {  	p1 =	sle.s32 s21, s1  }
.Ltmp7:
0x159: {  	_ = 	snop;
	(pc) =	sbr.rel @p1 .LBB2_21-.Ltmp7, $1  }
0x15a: {  	_ =	sdelay $0x3  }
0x15b: {  	s25 =	sshll.u32 s23, $0x7  }
0x15c: {  	v27 =	vld [tilespmem:s25+$0x7080]  }
0x15d: {  	v56 =	vld [tilespmem:s25+$0x7090]  }
0x15e: {  	v59 =	vld [tilespmem:s25+$0x70A0]  }
0x15f: {  	p1 =	sgt.s32 s2, s18;
	s3 =	smov.u32 s18;
	v21 =	vld [tilespmem:s25+$0x70B0]  }
0x160: {  	s3 =	smov.u32 @p1 s2;
	v7 =	vld [tilespmem:s25+$0x70C0]  }
0x161: {  	v1 =	vld [tilespmem:s25+$0x70D0];
	s2 =	sshll.u32 s3, $0x9  }
0x162: {  	v25 =	vld [tilespmem:s25+$0x70E0];
	s2 =	sshra.s32 s2, $0x2  }
0x163: {  	v2 =	vld [tilespmem:s25+$0x7480];
	s3 =	sadd.s32 s2, s22  }
0x164: {  	v40 =	vld [tilespmem:s3+$0xFFFFFFC0]  }
0x165: {  	v61 =	vld [tilespmem:s3+$0xFFFFFFD0]  }
0x166: {  	v5 =	vld [tilespmem:s25+$0x7490]  }
0x167: {  	v44 =	vld [tilespmem:s3+$0xFFFFFFE0]  }
0x168: {  	v6 =	vld [tilespmem:s25+$0x74A0]  }
0x169: {  	v52 =	vld [tilespmem:s3+$0xFFFFFFF0]  }
0x16a: {  	v63 =	vld [tilespmem:s25+$0x70F0];
	v16 =	vmul.f32 v40, v3;
	v17 =	vmul.f32 v61, v11  }
0x16b: {  	v0 =	vld [tilespmem:s3+$0x0]  }
0x16c: {  	v18 =	vld [tilespmem:s25+$0x74B0];
	[tilespmem:$0x1FF20] =	vst v25;
	v16 =	vadd.f32 v17, v16;
	v17 =	vmul.f32 v44, v12  }
0x16d: {  	v33 =	vld [tilespmem:s3+$0x10];
	[tilespmem:$0x1FF30] =	vst v1  }
0x16e: {  	v19 =	vld [tilespmem:s25+$0x74C0];
	s2 =	sadd.s32 $0x1, s1;
	[tilespmem:$0x1FF40] =	vst v7;
	v16 =	vadd.f32 v17, v16;
	v17 =	vmul.f32 v52, v13  }
0x16f: {  	v38 =	vld [tilespmem:s3+$0x20];
	p4 =	slt.s32 s2, s21;
	[tilespmem:$0x1FF50] =	vst v63  }
.Ltmp8:
0x170: {  	[tilespmem:$0x1FF60] =	vst v21;
	v16 =	vadd.f32 v17, v16;
	v17 =	vmul.f32 v0, v14;
	(pc) =	sbr.rel @!p4 .LBB2_11-.Ltmp8, $4  }
0x171: {  	p2 =	por $0x0, $0x0;
	p3 =	por $0x0, $0x0;
	v24 =	vld [tilespmem:s25+$0x74D0];
	[tilespmem:$0x1FF70] =	vst v59  }
0x172: {  	s4 =	sor.u32 $0x10, s25;
	s31 =	sor.u32 $0x20, s25;
	s30 =	sor.u32 $0x30, s25;
	v20 =	vld [tilespmem:s25+$0x74E0];
	[tilespmem:$0x1FF80] =	vst v56;
	v31 =	vmax.f32 v2, v40;
	v2 =	vadd.f32 v17, v16;
	v16 =	vmul.f32 v33, v15  }
0x173: {  	s29 =	sor.u32 $0x40, s25;
	s26 =	sor.u32 $0x50, s25;
	s24 =	sor.u32 $0x60, s25;
	v23 =	vld [tilespmem:s25+$0x74F0];
	[tilespmem:$0x1FF90] =	vst v27;
	v30 =	vmax.f32 v5, v61;
	v29 =	vmax.f32 v6, v44;
	v28 =	vmax.f32 v18, v52  }
0x174: {  	s28 =	sor.u32 $0x70, s25;
	p1 =	por $0x0, $0x0;
	s1 =	sadd.s32 $0x80, s3;
	[tilespmem:$0x1FF10] =	vst v0;
	v26 =	vmax.f32 v19, v0;
	v18 =	vld [tilespmem:s3+$0x30];
	v6 =	vmul.f32 v38, v9;
	v2 =	vadd.f32 v16, v2  }
0x175: {  	_ =	sdelay $0x3  }
0x176: {  	v37 =	vld [tilespmem:s1+$0xFFFFFFC0];
	v2 =	vadd.f32 v6, v2;
	v5 =	vmul.f32 v18, v10  }
0x177: {  	v50 =	vld [tilespmem:s1+$0xFFFFFFD0]  }
0x178: {  	v2 =	vadd.f32 v5, v2  }
0x179: {  	v45 =	vld [tilespmem:s1+$0xFFFFFFE0]  }
0x17a: {  	v5 =	vperm.xlane v2, v57  }
0x17b: {  	v22 =	vld [tilespmem:s1+$0xFFFFFFF0]  }
0x17c: {  	v6 =	vmul.f32 v37, v3;
	v16 =	vmul.f32 v50, v11;
	v2 =	vadd.f32 v2, v5  }
0x17d: {  	v43 =	vld [tilespmem:s1+$0x0]  }
0x17e: {  	v5 =	vadd.f32 v16, v6;
	v6 =	vmul.f32 v45, v12;
	v16 =	vperm.xlane v2, v55  }
0x17f: {  	v49 =	vld [tilespmem:s1+$0x10]  }
0x180: {  	s2 =	sadd.s32 $0x1, s2;
	v5 =	vadd.f32 v6, v5;
	v6 =	vmul.f32 v22, v13;
	v2 =	vadd.f32 v2, v16  }
0x181: {  	v41 =	vld [tilespmem:s1+$0x20];
	v24 =	vmax.f32 v24, v33;
	p4 =	slt.s32 s2, s21;
	v20 =	vmax.f32 v20, v38  }
.Ltmp9:
0x182: {  	v5 =	vadd.f32 v6, v5;
	v6 =	vmul.f32 v43, v14;
	v16 =	vperm.xlane v2, v48;
	(pc) =	sbr.rel @!p4 .LBB2_13-.Ltmp9, $4  }
0x183: {  	v23 =	vmax.f32 v23, v18;
	v31 =	vmax.f32 v31, v37;
	v30 =	vmax.f32 v30, v50  }
0x184: {  	v5 =	vadd.f32 v6, v5;
	v6 =	vmul.f32 v49, v15;
	v54 =	vadd.f32 v2, v16  }
0x185: {  	v29 =	vmax.f32 v29, v45;
	v28 =	vmax.f32 v28, v22;
	v26 =	vmax.f32 v26, v43  }
0x186: {  	v39 =	vld [tilespmem:s1+$0x30];
	s3 =	sadd.s32 $0x80, s1;
	p1 =	por $0x1, $0x1;
	v2 =	vadd.f32 v6, v5;
	v6 =	vmul.f32 v41, v9;
	v17 =	vperm.xlane v54, v4  }
0x187: {  	_ =	sdelay $0x3  }
0x188: {  	v51 =	vld [tilespmem:s3+$0xFFFFFFC0];
	v2 =	vadd.f32 v6, v2;
	v5 =	vmul.f32 v39, v10  }
0x189: {  	v42 =	vld [tilespmem:s3+$0xFFFFFFD0]  }
0x18a: {  	v2 =	vadd.f32 v5, v2  }
0x18b: {  	v62 =	vld [tilespmem:s3+$0xFFFFFFE0]  }
0x18c: {  	v5 =	vperm.xlane v2, v57  }
0x18d: {  	v60 =	vld [tilespmem:s3+$0xFFFFFFF0];
	v6 =	vadd.f32 v54, v17  }
0x18e: {  	v16 =	vmul.f32 v51, v3;
	v17 =	vmul.f32 v42, v11;
	v2 =	vadd.f32 v2, v5  }
0x18f: {  	v57 =	vld [tilespmem:s3+$0x0];
	v5 =	vadd.f32 v6, v8  }
0x190: {  	v6 =	vadd.f32 v17, v16;
	v16 =	vmul.f32 v62, v12;
	v17 =	vperm.xlane v2, v55  }
0x191: {  	v24 =	vmax.f32 v24, v49;
	v58 =	vld [tilespmem:s3+$0x10];
	v5 =	vsub.f32 $0.0e+00, v5  }
0x192: {  	s1 =	sadd.s32 $0x1, s2;
	v6 =	vadd.f32 v16, v6;
	v16 =	vmul.f32 v60, v13;
	v2 =	vadd.f32 v2, v17  }
0x193: {  	[tilespmem:$0x1FEB0] =	vst v33;
	v20 =	vmax.f32 v20, v41;
	p4 =	slt.s32 s1, s21;
	v23 =	vmax.f32 v23, v39;
	v55 =	vld [tilespmem:s3+$0x20];
	v5 =	vmul.f32 $1.442695020e+00, v5  }
.Ltmp10:
0x194: {  	[tilespmem:$0x1FEC0] =	vst v40;
	v6 =	vadd.f32 v16, v6;
	v16 =	vmul.f32 v57, v14;
	v17 =	vperm.xlane v2, v48;
	(pc) =	sbr.rel @!p4 .LBB2_15-.Ltmp10, $4  }
0x195: {  	[tilespmem:$0x1FED0] =	vst v18;
	v31 =	vmax.f32 v31, v51;
	v30 =	vmax.f32 v30, v42;
	(erf) = vpow2.f32 v5  }
0x196: {  	[tilespmem:$0x1FEE0] =	vst v44;
	v5 =	vadd.f32 v16, v6;
	v6 =	vmul.f32 v58, v15;
	v54 =	vadd.f32 v2, v17  }
0x197: {  	[tilespmem:$0x1FEF0] =	vst v52;
	v29 =	vmax.f32 v29, v62;
	v28 =	vmax.f32 v28, v60;
	v26 =	vmax.f32 v26, v57  }
0x198: {  	s2 =	sadd.s32 $0x80, s3;
	p2 =	por $0x1, $0x1;
	[tilespmem:$0x1FF00] =	vst v61;
	v48 =	vld [tilespmem:s3+$0x30];
	v2 =	vadd.f32 v6, v5;
	v6 =	vmul.f32 v55, v9;
	v17 =	vperm.xlane v54, v4  }
0x199: {  	_ =	sdelay $0x3  }
0x19a: {  	v0 =	vmov v38;
	v38 =	vld [tilespmem:s2+$0xFFFFFFC0];
	v2 =	vadd.f32 v6, v2;
	v6 =	vmul.f32 v48, v10  }
0x19b: {  	v36 =	vld [tilespmem:s2+$0xFFFFFFD0]  }
0x19c: {  	v2 =	vadd.f32 v6, v2;
	v6 =	vld [tilespmem:$0x1FFF0]  }
0x19d: {  	v5 =	vpop (erf)  }
0x19e: {  	v16 =	vadd.f32 v54, v17;
	v5 =	vadd.f32 $1.000000000e+00, v5;
	_ =	sdelay $0x1  }
0x19f: {  	v32 =	vld [tilespmem:s2+$0xFFFFFFE0];
	v17 =	vmul.f32 v36, v11;
	(erf) = vrcp.f32 v5;
	v5 =	vadd.f32 v16, v8  }
0x1a0: {  	v16 =	vmul.f32 v38, v3;
	v6 =	vperm.xlane v2, v6  }
0x1a1: {  	v34 =	vld [tilespmem:s2+$0xFFFFFFF0];
	v5 =	vsub.f32 $0.0e+00, v5  }
0x1a2: {  	v2 =	vadd.f32 v2, v6;
	v6 =	vadd.f32 v17, v16;
	v17 =	vld [tilespmem:$0x1FFD0];
	_ =	sdelay $0x1  }
0x1a3: {  	v35 =	vld [tilespmem:s2+$0x0];
	v5 =	vmul.f32 $1.442695020e+00, v5;
	v16 =	vmul.f32 v32, v12  }
0x1a4: {  	v24 =	vmax.f32 v24, v58;
	v47 =	vld [tilespmem:s2+$0x10];
	v20 =	vmax.f32 v20, v55;
	v23 =	vmax.f32 v23, v48  }
0x1a5: {  	(erf) = vpow2.f32 v5;
	v5 =	vadd.f32 v16, v6;
	v6 =	vmul.f32 v34, v13;
	v16 =	vld [tilespmem:$0x1FFE0]  }
0x1a6: {  	v31 =	vmax.f32 v31, v38;
	v30 =	vmax.f32 v30, v36;
	v17 =	vperm.xlane v2, v17  }
0x1a7: {  	v33 =	vld [tilespmem:s2+$0x20];
	v29 =	vmax.f32 v29, v32;
	v28 =	vmax.f32 v28, v34;
	v5 =	vadd.f32 v6, v5;
	v53 =	vpop (erf)  }
0x1a8: {  	s1 =	sadd.s32 $0x1, s1;
	v6 =	vmul.f32 v35, v14;
	v19 =	vmul.f32 v53, v61;
	v2 =	vadd.f32 v2, v17  }
0x1a9: {  	p4 =	slt.s32 s1, s21;
	v26 =	vmax.f32 v26, v35;
	v17 =	vmul.f32 v53, v18;
	v18 =	vmul.f32 v53, v40  }
.Ltmp11:
0x1aa: {  	v5 =	vadd.f32 v6, v5;
	v6 =	vmul.f32 v47, v15;
	v16 =	vperm.xlane v2, v16;
	(pc) =	sbr.rel @!p4 .LBB2_17-.Ltmp11, $4  }
0x1ab: {  	v8 =	vmovc v10;
	v40 =	vmul.f32 v53, v52;
	v52 =	vld [tilespmem:$0x1FF10];
	v63 =	vadd.f32 v17, v63;
	v27 =	vadd.f32 v18, v27  }
0x1ac: {  	v10 =	vmovc v9;
	v54 =	vadd.f32 v2, v16;
	v2 =	vadd.f32 v6, v5;
	v6 =	vmul.f32 v33, v9  }
0x1ad: {  	v46 =	vld [tilespmem:s2+$0x30];
	v5 =	vmul.f32 v53, v44;
	v44 =	vmovc v0;
	v18 =	vmovc v7;
	v9 =	vmov v15;
	v15 =	vmov v14  }
0x1ae: {  	s2 =	sadd.s32 $0x80, s2;
	p3 =	por $0x1, $0x1;
	[tilespmem:$0x1FE50] =	vst v0;
	v61 =	vld [tilespmem:$0x1FEB0];
	v14 =	vmovc v13;
	v13 =	vmovc v11;
	v11 =	vmov v3;
	v17 =	vperm.xlane v54, v4;
	v16 =	vmov v1  }
.LBB2_18:
0x1af: {  	_ = 	snop  }
0x1b0: {  	v0 =	vld [tilespmem:s2+$0xFFFFFFC0];
	v1 =	vmul.f32 v53, v52  }
0x1b1: {  	v56 =	vadd.f32 v19, v56;
	v19 =	vld [tilespmem:$0x1FFB0]  }
0x1b2: {  	v18 =	vadd.f32 v1, v18;
	v1 =	vld [tilespmem:$0x1FFF0]  }
0x1b3: {  	v3 =	vmovc v42;
	v42 =	vmov v36;
	v36 =	vld [tilespmem:s2+$0xFFFFFFD0];
	v2 =	vadd.f32 v6, v2;
	v52 =	vmul.f32 v46, v8  }
0x1b4: {  	v61 =	vmul.f32 v53, v61;
	v6 =	vpop (erf);
	v17 =	vadd.f32 v54, v17  }
0x1b5: {  	v4 =	vmovc v45;
	v45 =	vmovc v62;
	v62 =	vmov v32;
	v32 =	vld [tilespmem:s2+$0xFFFFFFE0];
	v6 =	vadd.f32 $1.000000000e+00, v6;
	v2 =	vadd.f32 v52, v2  }
0x1b6: {  	v59 =	vadd.f32 v5, v59;
	v5 =	vmul.f32 v53, v44;
	v17 =	vadd.f32 v17, v19  }
0x1b7: {  	v7 =	vmovc v22;
	v22 =	vmovc v60;
	v60 =	vmov v34;
	v34 =	vld [tilespmem:s2+$0xFFFFFFF0];
	(erf) = vrcp.f32 v6;
	v1 =	vperm.xlane v2, v1  }
0x1b8: {  	v19 =	vmul.f32 v36, v13;
	v6 =	vsub.f32 $0.0e+00, v17;
	v17 =	vmul.f32 v0, v11  }
0x1b9: {  	v25 =	vadd.f32 v5, v25;
	v52 =	vmovc v43;
	v43 =	vmovc v57;
	v57 =	vmov v35;
	v35 =	vld [tilespmem:s2+$0x0];
	v1 =	vadd.f32 v2, v1  }
0x1ba: {  	v2 =	vmul.f32 $1.442695020e+00, v6;
	v5 =	vadd.f32 v19, v17;
	v6 =	vmul.f32 v32, v12;
	v17 =	vld [tilespmem:$0x1FFD0]  }
0x1bb: {  	v24 =	vmax.f32 v24, v47;
	v16 =	vadd.f32 v61, v16;
	v61 =	vmovc v49;
	v49 =	vmovc v58;
	v58 =	vmov v47;
	v47 =	vld [tilespmem:s2+$0x10]  }
0x1bc: {  	(erf) = vpow2.f32 v2;
	v2 =	vadd.f32 v6, v5;
	v5 =	vmul.f32 v34, v14;
	_ =	sdelay $0x1  }
0x1bd: {  	v6 =	vld [tilespmem:$0x1FFE0];
	v2 =	vadd.f32 v5, v2;
	v5 =	vmul.f32 v35, v15  }
0x1be: {  	v44 =	vmov v41;
	v41 =	vmov v55;
	v17 =	vperm.xlane v1, v17  }
0x1bf: {  	v55 =	vmovc v33;
	v21 =	vadd.f32 v40, v21;
	v2 =	vadd.f32 v5, v2;
	v5 =	vmul.f32 v47, v9  }
0x1c0: {  	s1 =	sadd.s32 $0x1, s1;
	v33 =	vld [tilespmem:s2+$0x20];
	v20 =	vmax.f32 v20, v55;
	v23 =	vmax.f32 v23, v46;
	v53 =	vpop (erf);
	v1 =	vadd.f32 v1, v17  }
0x1c1: {  	p4 =	slt.s32 s1, s21;
	v31 =	vmax.f32 v31, v0;
	v2 =	vadd.f32 v5, v2;
	v5 =	vmul.f32 v53, v4;
	v4 =	vld [tilespmem:$0x1FFC0]  }
.Ltmp12:
0x1c2: {  	v30 =	vmax.f32 v30, v36;
	v29 =	vmax.f32 v29, v32;
	v6 =	vperm.xlane v1, v6;
	(pc) =	sbr.rel @p4 .LBB2_18-.Ltmp12, $4  }
0x1c3: {  	v28 =	vmax.f32 v28, v34;
	v26 =	vmax.f32 v26, v35;
	v40 =	vmul.f32 v53, v37;
	v37 =	vmovc v51  }
0x1c4: {  	v19 =	vmul.f32 v53, v50;
	v51 =	vmovc v38;
	v17 =	vmul.f32 v53, v39;
	v54 =	vadd.f32 v1, v6  }
0x1c5: {  	v38 =	vmovc v0;
	v50 =	vmovc v3;
	v27 =	vadd.f32 v40, v27;
	v40 =	vmul.f32 v53, v7;
	v39 =	vmov v48  }
0x1c6: {  	v48 =	vmovc v46;
	v46 =	vld [tilespmem:s2+$0x30];
	s2 =	sadd.s32 $0x80, s2;
	v63 =	vadd.f32 v17, v63;
	v6 =	vmul.f32 v33, v10;
	v17 =	vperm.xlane v54, v4  }
0x1c7: {  	v0 =	vmov v42  }
0x1c8: {  	v42 =	vmovc v36;
	v36 =	vmovc v62;
	v62 =	vmov v22;
	v22 =	vmov v34;
	v34 =	vmov v57;
	v57 =	vld [tilespmem:$0x1FFF0]  }
.Ltmp13:
0x1c9: {  	[tilespmem:$0x1FE60] =	vst v43;
	v43 =	vmov v35;
	v35 =	vmov v55;
	v55 =	vld [tilespmem:$0x1FFD0];
	(pc) =	sbr.rel .LBB2_20-.Ltmp13, $4  }
0x1ca: {  	v7 =	vmov v39;
	v39 =	vmov v48;
	v48 =	vld [tilespmem:$0x1FFE0];
	v11 =	vmov v13  }
0x1cb: {  	[tilespmem:$0x1FE70] =	vst v49;
	v13 =	vmovc v14;
	v14 =	vmovc v15;
	v15 =	vmov v9;
	v9 =	vmov v10;
	v10 =	vmov v8;
	v8 =	vld [tilespmem:$0x1FFB0]  }
0x1cc: {  	v1 =	vmovc v45;
	[tilespmem:$0x1FE90] =	vst v37;
	v45 =	vmov v32;
	v32 =	vmov v60;
	v37 =	vmov v38;
	v38 =	vld [tilespmem:$0x1FE50]  }
0x1cd: {  	[tilespmem:$0x1FE80] =	vst v41;
	v49 =	vmovc v58;
	v41 =	vmovc v33;
	v33 =	vmov v51;
	v58 =	vld [tilespmem:$0x1FEB0];
	v60 =	vmov v1;
	v51 =	vmov v0  }
.LBB2_13:
0x1ce: {  	_ = 	snop  }
0x1cf: {  	_ = 	snop  }
0x1d0: {  	_ = 	snop  }
0x1d1: {  	_ = 	snop  }
0x1d2: {  	_ = 	snop  }
.Ltmp14:
0x1d3: {  	(pc) =	sbr.rel .LBB2_20-.Ltmp14, $4  }
0x1d4: {  	_ = 	snop  }
0x1d5: {  	v47 =	vmov v49;
	v51 =	vmov v61  }
0x1d6: {  	v42 =	vmovc v50;
	v36 =	vmovc v44;
	v32 =	vmov v52;
	v49 =	vmov v33;
	v35 =	vmov v38  }
0x1d7: {  	v34 =	vld [tilespmem:$0x1FF10];
	v33 =	vmovc v40;
	v16 =	vmovc v1;
	v46 =	vmov v39;
	v39 =	vmov v18;
	v18 =	vmov v7  }
.LBB2_15:
0x1d8: {  	v0 =	vmov v52;
	v47 =	vmov v58;
	v58 =	vld [tilespmem:$0x1FEB0]  }
0x1d9: {  	v36 =	vmov v45;
	v45 =	vmov v62;
	v62 =	vmov v0;
	v0 =	vld [tilespmem:$0x1FF10];
	_ =	sdelay $0x1  }
.Ltmp15:
0x1da: {  	[tilespmem:$0x1FEA0] =	vst v50;
	v3 =	vmov v44;
	(pc) =	sbr.rel .LBB2_20-.Ltmp15, $4  }
0x1db: {  	v34 =	vmov v43;
	v43 =	vmov v57;
	[tilespmem:$0x1FE80] =	vst v38;
	v57 =	vld [tilespmem:$0x1FFF0]  }
0x1dc: {  	v32 =	vmovc v22;
	v35 =	vmov v41;
	v33 =	vmov v37;
	v41 =	vmov v55;
	v55 =	vld [tilespmem:$0x1FFD0];
	[tilespmem:$0x1FE70] =	vst v58  }
0x1dd: {  	v22 =	vmovc v60;
	v37 =	vmovc v51;
	v60 =	vmov v3;
	v51 =	vld [tilespmem:$0x1FEA0];
	v3 =	vmov v18;
	[tilespmem:$0x1FE60] =	vst v0;
	v0 =	vmov v40  }
0x1de: {  	v50 =	vmovc v61;
	v16 =	vmovc v1;
	v18 =	vmov v7;
	v46 =	vmov v48;
	v7 =	vmov v3;
	v48 =	vld [tilespmem:$0x1FFE0];
	[tilespmem:$0x1FE90] =	vst v0  }
.LBB2_17:
0x1df: {  	v52 =	vld [tilespmem:$0x1FF10]  }
0x1e0: {  	v1 =	vld [tilespmem:$0x1FEB0]  }
0x1e1: {  	v56 =	vld [tilespmem:$0x1FF80]  }
0x1e2: {  	v59 =	vld [tilespmem:$0x1FF70]  }
0x1e3: {  	v21 =	vld [tilespmem:$0x1FF60]  }
0x1e4: {  	v18 =	vld [tilespmem:$0x1FF40]  }
0x1e5: {  	v0 =	vmov v45;
	v16 =	vld [tilespmem:$0x1FF30]  }
0x1e6: {  	[tilespmem:$0x1FE60] =	vst v43;
	v45 =	vmov v32;
	v32 =	vmov v60;
	v60 =	vmov v0;
	v0 =	vld [tilespmem:$0x1FE50]  }
.Ltmp16:
0x1e7: {  	v3 =	vmovc v42;
	[tilespmem:$0x1FE70] =	vst v49;
	v7 =	vmovc v39;
	v42 =	vmov v36;
	v36 =	vmov v62;
	v62 =	vmov v22;
	v25 =	vld [tilespmem:$0x1FF20];
	(pc) =	sbr.rel .LBB2_20-.Ltmp16, $4  }
0x1e8: {  	[tilespmem:$0x1FE80] =	vst v41;
	v22 =	vmovc v34;
	v34 =	vmovc v57;
	v43 =	vmov v35;
	v49 =	vmov v58;
	v35 =	vmov v55;
	v57 =	vld [tilespmem:$0x1FFF0]  }
0x1e9: {  	[tilespmem:$0x1FE90] =	vst v37;
	v41 =	vmovc v33;
	v39 =	vmovc v48;
	v33 =	vmov v51;
	v37 =	vmov v38;
	v55 =	vld [tilespmem:$0x1FFD0];
	v11 =	vmov v13  }
0x1ea: {  	v48 =	vld [tilespmem:$0x1FFE0];
	v13 =	vmovc v14;
	v14 =	vmovc v15;
	v15 =	vmov v9;
	v9 =	vmov v10;
	v10 =	vmov v8  }
0x1eb: {  	v8 =	vld [tilespmem:$0x1FFB0];
	v51 =	vmovc v3;
	v61 =	vmovc v1;
	v58 =	vmov v1;
	v44 =	vmov v0;
	v38 =	vmov v0  }
.LBB2_22:
0x1ec: {  	s1 =	sld [smem:$0x1]  }
0x1ed: {  	s2 =	sld [smem:$0x0];
	_ =	sdelay $0x2  }
0x1ee: {  	s1 =	ssub.s32 s1, s2  }
0x1ef: {  	s1 =	scvt.s32.f32 s1;
	_ =	sdelay $0x1  }
0x1f0: {  	v0 =	vmov s1  }
0x1f1: {  	v1 =	vmax.f32 v0, $1.000000000e+00  }
0x1f2: {  	s4 =	simm.s32 $0x0;
	(erf) = vrcp.f32 v1  }
0x1f3: {  	v3 =	vld [tilespmem:s4+$0x7480];
	_ =	sdelay $0x3  }
0x1f4: {  	v2 =	vmin.f32 v0, $1.000000000e+00;
	v1 =	vld [tilespmem:s4+$0x70F0]  }
0x1f5: {  	v3 =	vmul.f32 v2, v3;
	s30 =	sld [smem:$0x2];
	v4 =	vld [tilespmem:s4+$0x7080]  }
0x1f6: {  	s31 =	sld [smem:$0x1];
	v5 =	vld [tilespmem:s4+$0x7490]  }
0x1f7: {  	[tilespmem:s4+$0x6880] =	vst v3;
	v3 =	vld [tilespmem:s4+$0x70B0]  }
0x1f8: {  	v6 =	vld [tilespmem:s4+$0x7090];
	v12 =	vpop (erf)  }
0x1f9: {  	v7 =	vld [tilespmem:s4+$0x74A0];
	v0 =	vmul.f32 v1, v12;
	_ =	sdelay $0x1  }
0x1fa: {  	v8 =	vld [tilespmem:s4+$0x74B0];
	[tilespmem:s4+$0x6CF0] =	vst v0;
	v0 =	vmul.f32 v12, v4  }
0x1fb: {  	v1 =	vld [tilespmem:s4+$0x70A0];
	v3 =	vmul.f32 v3, v12  }
0x1fc: {  	v4 =	vmul.f32 v2, v5;
	[tilespmem:s4+$0x6C80] =	vst v0;
	v0 =	vld [tilespmem:s4+$0x74C0]  }
0x1fd: {  	v5 =	vmul.f32 v6, v12;
	v6 =	vmul.f32 v7, v2;
	[tilespmem:s4+$0x6CB0] =	vst v3  }
0x1fe: {  	[tilespmem:s4+$0x6890] =	vst v4  }
0x1ff: {  	s1 =	ssub.s32 s30, s31;
	[tilespmem:s4+$0x68A0] =	vst v6;
	v6 =	vmul.f32 v8, v2  }
0x200: {  	s1 =	scvt.s32.f32 s1;
	[tilespmem:s4+$0x6C90] =	vst v5;
	v1 =	vmul.f32 v1, v12  }
0x201: {  	v4 =	vld [tilespmem:s4+$0x70C0];
	[tilespmem:s4+$0x68B0] =	vst v6;
	v0 =	vmul.f32 v0, v2  }
0x202: {  	s5 =	simm.s32 $0x80;
	v3 =	vmov s1;
	v5 =	vld [tilespmem:s4+$0x74D0];
	[tilespmem:s4+$0x6CA0] =	vst v1  }
0x203: {  	v6 =	vld [tilespmem:s5+$0x70F0];
	[tilespmem:s4+$0x68C0] =	vst v0;
	v0 =	vmax.f32 v3, $1.000000000e+00  }
0x204: {  	(erf) = vrcp.f32 v0  }
0x205: {  	v10 =	vld [tilespmem:s4+$0x70D0]  }
0x206: {  	v1 =	vld [tilespmem:s4+$0x74E0]  }
0x207: {  	v13 =	vld [tilespmem:s4+$0x70E0];
	v4 =	vmul.f32 v4, v12  }
0x208: {  	v8 =	vld [tilespmem:s4+$0x74F0];
	v0 =	vmul.f32 v5, v2  }
0x209: {  	v7 =	vld [tilespmem:s5+$0x7480];
	[tilespmem:s4+$0x6CC0] =	vst v4  }
0x20a: {  	s17 =	sld [smem:$0x3];
	v9 =	vld [tilespmem:s5+$0x7080];
	[tilespmem:s4+$0x68D0] =	vst v0;
	v0 =	vmul.f32 v10, v12  }
0x20b: {  	s16 =	simm.s32 $0x600;
	v11 =	vmul.f32 v1, v2  }
0x20c: {  	s2 =	simm.s32 $0x3;
	s1 =	simm.s32 $0x400;
	v5 =	vmin.f32 v3, $1.000000000e+00;
	v12 =	vmul.f32 v13, v12;
	s18 =	sld [smem:$0x2];
	v10 =	vld [tilespmem:s5+$0x7490];
	[tilespmem:s4+$0x6CD0] =	vst v0  }
.LBB2_23:
0x20d: {  	p0 =	sne.s32 s16, $0xE00;
	v0 =	vld [tilespmem:s5+$0x7090];
	v1 =	vpop (erf);
	[tilespmem:s4+$0x68E0] =	vst v11;
	v3 =	vmul.f32 v8, v2;
	v2 =	vmov v5  }
0x20e: {  	v4 =	vld [tilespmem:s5+$0x74A0];
	v5 =	vmul.f32 v6, v1;
	[tilespmem:s4+$0x6CE0] =	vst v12  }
0x20f: {  	s3 =	ssub.s32 s17, s18;
	v6 =	vmul.f32 v2, v7;
	v7 =	vld [tilespmem:s5+$0x70A0];
	[tilespmem:s4+$0x68F0] =	vst v3;
	s4 =	smov.u32 s5  }
0x210: {  	s3 =	scvt.s32.f32 s3;
	v3 =	vmul.f32 v1, v9;
	v8 =	vld [tilespmem:s4+$0x74B0];
	[tilespmem:s4+$0x6CF0] =	vst v5  }
0x211: {  	[tilespmem:s4+$0x6880] =	vst v6;
	v6 =	vmul.f32 v2, v10;
	v9 =	vld [tilespmem:s4+$0x70B0]  }
0x212: {  	v5 =	vmov s3;
	[tilespmem:s4+$0x6C80] =	vst v3;
	v0 =	vmul.f32 v0, v1;
	v3 =	vld [tilespmem:s4+$0x74C0]  }
0x213: {  	v10 =	vmax.f32 v5, $1.000000000e+00;
	v5 =	vmin.f32 v5, $1.000000000e+00;
	[tilespmem:s4+$0x6890] =	vst v6;
	v4 =	vmul.f32 v4, v2;
	v6 =	vld [tilespmem:s4+$0x70C0]  }
0x214: {  	(erf) = vrcp.f32 v10;
	[tilespmem:s4+$0x6C90] =	vst v0;
	v0 =	vmul.f32 v7, v1;
	v7 =	vld [tilespmem:s4+$0x74D0]  }
0x215: {  	[tilespmem:s4+$0x68A0] =	vst v4;
	v4 =	vmul.f32 v8, v2;
	v10 =	vld [tilespmem:s4+$0x70D0]  }
0x216: {  	[tilespmem:s4+$0x6CA0] =	vst v0;
	v0 =	vmul.f32 v9, v1;
	v11 =	vld [tilespmem:s4+$0x74E0]  }
0x217: {  	[tilespmem:s4+$0x68B0] =	vst v4;
	v3 =	vmul.f32 v3, v2;
	v4 =	vld [tilespmem:s4+$0x70E0]  }
.Ltmp17:
0x218: {  	s5 =	sshra.s32 s1, $0x2;
	s1 =	smov.u32 s16;
	[tilespmem:s4+$0x6CB0] =	vst v0;
	v0 =	vmul.f32 v6, v1;
	v8 =	vld [tilespmem:s4+$0x74F0];
	(pc) =	sbr.rel @p0 .LBB2_23-.Ltmp17, $4  }
0x219: {  	v6 =	vld [tilespmem:s5+$0x70F0];
	[tilespmem:s4+$0x68C0] =	vst v3;
	v3 =	vmul.f32 v7, v2  }
0x21a: {  	s2 =	sadd.s32 $0x1, s2;
	v7 =	vld [tilespmem:s5+$0x7480];
	[tilespmem:s4+$0x6CC0] =	vst v0;
	v0 =	vmul.f32 v10, v1  }
0x21b: {  	s17 =	sld [smem:s2+$0x0];
	v9 =	vld [tilespmem:s5+$0x7080];
	[tilespmem:s4+$0x68D0] =	vst v3;
	v11 =	vmul.f32 v11, v2  }
0x21c: {  	s16 =	sadd.s32 $0x200, s16;
	s18 =	sld [smem:s2+$0xFFFFFFFF];
	v10 =	vld [tilespmem:s5+$0x7490];
	[tilespmem:s4+$0x6CD0] =	vst v0;
	v12 =	vmul.f32 v4, v1  }
0x21d: {  	v0 =	vld [tilespmem:s5+$0x7090];
	[tilespmem:s4+$0x68E0] =	vst v11;
	v2 =	vmul.f32 v8, v2;
	v3 =	vpop (erf)  }
0x21e: {  	v1 =	vld [tilespmem:s5+$0x74A0];
	[tilespmem:s4+$0x6CE0] =	vst v12;
	v6 =	vmul.f32 v6, v3  }
0x21f: {  	v4 =	vld [tilespmem:s5+$0x70A0];
	[tilespmem:s4+$0x68F0] =	vst v2;
	v34 =	vmul.f32 v5, v7  }
0x220: {  	v7 =	vld [tilespmem:s5+$0x74B0];
	[tilespmem:s5+$0x6CF0] =	vst v6;
	v6 =	vmul.f32 v3, v9  }
0x221: {  	s2 =	ssub.s32 s17, s18;
	v35 =	vld [tilespmem:s5+$0x70B0];
	[tilespmem:s5+$0x6880] =	vst v34;
	v36 =	vmul.f32 v5, v10  }
0x222: {  	s2 =	scvt.s32.f32 s2;
	[tilespmem:s5+$0x6C80] =	vst v6;
	v6 =	vld [tilespmem:s5+$0x74C0];
	v0 =	vmul.f32 v0, v3  }
0x223: {  	v37 =	vld [tilespmem:s5+$0x70C0];
	[tilespmem:s5+$0x6890] =	vst v36;
	v1 =	vmul.f32 v1, v5  }
0x224: {  	v38 =	vld [tilespmem:s5+$0x74D0];
	v41 =	vmov s2;
	[tilespmem:s5+$0x6C90] =	vst v0;
	v4 =	vmul.f32 v4, v3  }
0x225: {  	v39 =	vld [tilespmem:s5+$0x70D0];
	v43 =	vmax.f32 v41, $1.000000000e+00;
	[tilespmem:s5+$0x68A0] =	vst v1;
	v7 =	vmul.f32 v7, v5  }
0x226: {  	(erf) = vrcp.f32 v43;
	v2 =	vmul.f32 v35, v3;
	[tilespmem:s5+$0x6CA0] =	vst v4;
	v4 =	vld [tilespmem:s5+$0x74E0]  }
0x227: {  	[tilespmem:s5+$0x68B0] =	vst v7;
	v7 =	vld [tilespmem:s5+$0x70E0];
	v40 =	vmul.f32 v6, v5  }
0x228: {  	s1 =	sshra.s32 s1, $0x2;
	v8 =	vmul.f32 v37, v3;
	[tilespmem:s5+$0x6CB0] =	vst v2;
	v6 =	vld [tilespmem:s5+$0x74F0]  }
0x229: {  	v0 =	vmul.f32 v38, v5;
	v42 =	vld [tilespmem:s1+$0x70F0];
	[tilespmem:s5+$0x68C0] =	vst v40  }
0x22a: {  	v1 =	vmul.f32 v39, v3;
	v44 =	vld [tilespmem:s1+$0x7480];
	[tilespmem:s5+$0x6CC0] =	vst v8  }
0x22b: {  	v8 =	vld [tilespmem:s1+$0x7080];
	[tilespmem:s5+$0x68D0] =	vst v0;
	v4 =	vmul.f32 v4, v5  }
0x22c: {  	v0 =	vld [tilespmem:s1+$0x7490];
	[tilespmem:s5+$0x6CD0] =	vst v1;
	v3 =	vmul.f32 v7, v3  }
0x22d: {  	v5 =	vmul.f32 v6, v5;
	v1 =	vld [tilespmem:s1+$0x7090];
	[tilespmem:s5+$0x68E0] =	vst v4  }
0x22e: {  	v4 =	vld [tilespmem:s1+$0x74A0];
	[tilespmem:s5+$0x6CE0] =	vst v3  }
0x22f: {  	v7 =	vpop (erf);
	v45 =	vld [tilespmem:s1+$0x70A0];
	[tilespmem:s5+$0x68F0] =	vst v5  }
0x230: {  	v3 =	vmin.f32 v41, $1.000000000e+00;
	v6 =	vmul.f32 v42, v7;
	v46 =	vld [tilespmem:s1+$0x74B0]  }
0x231: {  	v2 =	vmul.f32 v3, v44;
	v47 =	vld [tilespmem:s1+$0x70B0]  }
0x232: {  	v5 =	vmul.f32 v7, v8;
	[tilespmem:s1+$0x6CF0] =	vst v6;
	v6 =	vld [tilespmem:s1+$0x74D0]  }
0x233: {  	v52 =	vld [tilespmem:s1+$0x70D0];
	[tilespmem:s1+$0x6880] =	vst v2;
	v0 =	vmul.f32 v3, v0  }
0x234: {  	[tilespmem:s1+$0x6C80] =	vst v5;
	v1 =	vmul.f32 v1, v7;
	v5 =	vld [tilespmem:s1+$0x74C0]  }
0x235: {  	[tilespmem:s1+$0x6890] =	vst v0;
	v49 =	vmul.f32 v4, v3;
	v4 =	vld [tilespmem:s1+$0x70C0]  }
0x236: {  	v54 =	vld [tilespmem:s1+$0x74E0];
	[tilespmem:s1+$0x6C90] =	vst v1;
	v50 =	vmul.f32 v45, v7  }
0x237: {  	[tilespmem:s1+$0x68A0] =	vst v49;
	v51 =	vmul.f32 v46, v3  }
0x238: {  	v53 =	vmul.f32 v47, v7;
	[tilespmem:s1+$0x6CA0] =	vst v50  }
0x239: {  	v59 =	vmul.f32 v6, v3;
	[tilespmem:s1+$0x68B0] =	vst v51;
	v56 =	vmul.f32 v5, v3;
	v5 =	vld [tilespmem:s1+$0x70E0]  }
0x23a: {  	v60 =	vmul.f32 v52, v7;
	[tilespmem:s1+$0x6CB0] =	vst v53;
	v58 =	vmul.f32 v4, v7;
	v4 =	vld [tilespmem:s1+$0x74F0]  }
0x23b: {  	v61 =	vmul.f32 v54, v3;
	[tilespmem:s1+$0x68D0] =	vst v59  }
0x23c: {  	[tilespmem:s1+$0x6CD0] =	vst v60  }
0x23d: {  	[tilespmem:s1+$0x68E0] =	vst v61  }
0x23e: {  	[tilespmem:s1+$0x68C0] =	vst v56;
	v62 =	vmul.f32 v5, v7  }
0x23f: {  	s15 =	sadd.s32 $0x1, s15;
	[tilespmem:s1+$0x6CC0] =	vst v58;
	v63 =	vmul.f32 v4, v3  }
0x240: {  	p0 =	sne.s32 s15, s9;
	[tilespmem:s1+$0x6CE0] =	vst v62  }
.Ltmp18:
0x241: {  	[tilespmem:s1+$0x68F0] =	vst v63;
	(pc) =	sbr.rel @p0 .LBB2_1-.Ltmp18, $4  }
0x242: {  	[hbm4b:s8+s6] =	stream.linear.scatter [tilespmem:s14], [sflag:$0x3], $0x800, $0x38;
	[tilespmem:$0x7880] =	vst v63  }
0x243: {  	_ =	swait.ge [sflag:s10], $0x800  }
0x244: {  	[sflag:s10] =	ssyncset.done $0x0  }
0x245: {  	v4 =	vld [tilespmem:$0x1FFC0];
	[sflag:s10] =	ssyncadd.s32 $0xFFFFF800  }
0x246: {  	_ =	sfence.sel $0x180000  }
0x247: {  	[bflag:$0x0] =	sbarrier.arrive $0xFFFF  }
0x248: {  	_ =	strace $0x90000047  }
0x249: {  	s0 =	stileid.u32;
	[bflag:$0x2] =	sbarrier.arrive $0xFFFF  }
0x24a: {  	p0 =	sne.s32 s0, $0x0;
	s0 =	rddreg [dreg:$0x5]  }
0x24b: {  	s0 =	sadd.s32 @!p0 $0x100000, s0  }
0x24c: {  	[sflag:s0] =	ssyncadd.tile.s32 @!p0 $0x1;
	_ =	shalt  }
.Lfunc_end2:
_tile_overlayer_lowered:
.L_overlay_start_2:
0x24d: {  	(tag) =	ssettag $0x2  }
0x24e: {  	s0 =	rddreg [dreg:$0x0];
	s2 =	stileid.u32  }
0x24f: {  	s1 =	rddreg [dreg:$0x1];
	p0 =	sne.s32 s2, $0x0  }
0x250: {  	s3 =	rddreg [dreg:$0x2];
	[bflag:$0x3] =	sbarrier.arrive $0xFFFF;
	s2 =	simm.s32 @!p0 $0x1C03  }
0x251: {  	[timem:s3], [sflag:s2] =	dma.local @!p0 [hbm:s0], s1  }
0x252: {  	s0 =	simm.s32 @!p0 $0x3  }
0x253: {  	_ =	swait.ge @!p0 [sflag:s0], s1  }
0x254: {  	s1 =	ssub.s32 @!p0 $0x0, s1;
	[sflag:s0] =	ssyncset.done @!p0 $0x0  }
0x255: {  	[sflag:s0] =	ssyncadd.s32 @!p0 s1  }
0x256: {  	[bflag:$0x3] =	sbarrier.arrive $0xFFFF  }
0x257: {  	_ =	shalt  }

</sc_bundles>
